<compile_context>
chip_gen: v7x
topology: tpu7x:2x2x1
jax: 0.10.2.dev20260603
libtpu: 0.0.44.dev20260713+nightly
codegen_flags: <defaults>
</compile_context>

<pallas_src>
import functools

import jax
import jax.numpy as jnp
from jax import lax
from jax.experimental import pallas as pl
from jax.experimental.pallas import tpu as pltpu
from jax.experimental.pallas import tpu_sc as plsc

EPS = 1e-6
NPOINT = 512
K = 24
NEG_SLOPE = 0.1
N = 2048
B = 4
C = 64
COUT = 128
D_TAB = 256
M_BLK = 128
NS_ITERS = 24



def _fps_body(xt_ref, pos_n_ref, pos_m_ref, out_ref):
    X = xt_ref[:, 0, :]
    Y = xt_ref[:, 1, :]
    Z = xt_ref[:, 2, :]
    iota_n = pos_n_ref[...]
    iota_m = pos_m_ref[...]

    def body(i, st):
        distance, far, cent = st
        cent = jnp.where(iota_m == i, far, cent)
        sel = iota_n == far
        cx = jnp.sum(jnp.where(sel, X, 0.0), axis=1, keepdims=True)
        cy = jnp.sum(jnp.where(sel, Y, 0.0), axis=1, keepdims=True)
        cz = jnp.sum(jnp.where(sel, Z, 0.0), axis=1, keepdims=True)
        dx = X - cx
        dy = Y - cy
        dz = Z - cz
        dist = dx * dx + dy * dy + dz * dz
        distance = jnp.minimum(distance, dist)
        m = jnp.max(distance, axis=1, keepdims=True)
        cols = jnp.where(distance == m, iota_n, N)
        far = jnp.min(cols, axis=1, keepdims=True)
        return (distance, far, cent)

    distance0 = X * 0.0 + 1e10
    far0 = jnp.zeros((B, 1), dtype=jnp.int32)
    cent0 = iota_m * 0
    _, _, cent = lax.fori_loop(0, NPOINT, body, (distance0, far0, cent0))
    out_ref[...] = cent


def _fps(xyzT):
    pos_n = jnp.broadcast_to(jnp.arange(N, dtype=jnp.int32), (B, N))
    pos_m = jnp.broadcast_to(jnp.arange(NPOINT, dtype=jnp.int32), (B, NPOINT))
    return pl.pallas_call(
        _fps_body,
        out_shape=jax.ShapeDtypeStruct((B, NPOINT), jnp.int32),
    )(xyzT, pos_n, pos_m)



def _knn_body(xt_ref, fps_ref, pos_ref, idx_ref, xyz_out_ref):
    X = xt_ref[0, 0:1, :]
    Y = xt_ref[0, 1:2, :]
    Z = xt_ref[0, 2:3, :]
    fidx = fps_ref[0]
    iota_n = pos_ref[...]
    sel = iota_n == fidx
    cx = jnp.sum(jnp.where(sel, X, 0.0), axis=1, keepdims=True)
    cy = jnp.sum(jnp.where(sel, Y, 0.0), axis=1, keepdims=True)
    cz = jnp.sum(jnp.where(sel, Z, 0.0), axis=1, keepdims=True)
    xyz_out_ref[0] = jnp.concatenate([cx, cy, cz], axis=1)

    dx = cx - X
    dy = cy - Y
    dz = cz - Z
    d2 = dx * dx + dy * dy + dz * dz
    picks = []
    for _ in range(K):
        m = jnp.min(d2, axis=1, keepdims=True)
        cols = jnp.where(d2 == m, iota_n, N)
        pick = jnp.min(cols, axis=1, keepdims=True)
        picks.append(pick)
        d2 = jnp.where(iota_n == pick, 3.0e38, d2)
    idx_ref[0] = jnp.concatenate(picks, axis=1)


def _knn(xyzT, fps3):
    n_mb = NPOINT // M_BLK
    call = pl.pallas_call(
        _knn_body,
        grid=(B, n_mb),
        in_specs=[
            pl.BlockSpec((1, 3, N), lambda b, m: (b, 0, 0)),
            pl.BlockSpec((1, M_BLK, 1), lambda b, m: (b, m, 0)),
            pl.BlockSpec((M_BLK, N), lambda b, m: (0, 0)),
        ],
        out_specs=[
            pl.BlockSpec((1, M_BLK, K), lambda b, m: (b, m, 0)),
            pl.BlockSpec((1, M_BLK, 3), lambda b, m: (b, m, 0)),
        ],
        out_shape=[
            jax.ShapeDtypeStruct((B, NPOINT, K), jnp.int32),
            jax.ShapeDtypeStruct((B, NPOINT, 3), jnp.float32),
        ],
    )
    pos = jnp.broadcast_to(jnp.arange(N, dtype=jnp.int32), (M_BLK, N))
    return call(xyzT, fps3, pos)



def _sc_gather(table, idx_all):
    n_rows = idx_all.shape[0]
    info = plsc.get_sparse_core_info()
    nw = info.num_cores * info.num_subcores
    b_per_w = n_rows // nw
    chunk = 400
    n_chunks = b_per_w // chunk
    mesh = plsc.VectorSubcoreMesh(core_axis_name="c", subcore_axis_name="s")

    @functools.partial(
        pl.kernel,
        mesh=mesh,
        out_type=jax.ShapeDtypeStruct((n_rows, D_TAB), jnp.float32),
        scratch_types=[
            pltpu.VMEM((chunk,), jnp.int32),
            pltpu.VMEM((chunk, D_TAB), jnp.float32),
            pltpu.SemaphoreType.DMA,
        ],
    )
    def gk(table_hbm, idx_hbm, out_hbm, idx_v, rows_v, sem):
        wid = lax.axis_index("s") * info.num_cores + lax.axis_index("c")
        base = wid * b_per_w
        for j in range(n_chunks):
            off = base + j * chunk
            pltpu.sync_copy(idx_hbm.at[pl.ds(off, chunk)], idx_v)
            pltpu.async_copy(table_hbm.at[idx_v], rows_v, sem).wait()
            pltpu.sync_copy(rows_v, out_hbm.at[pl.ds(off, chunk)])

    return gk(table, idx_all)



def _edge_body(g_ref, a_ref, wnf_ref, waf_ref, wxf_ref, wnd_ref, wad_ref,
               wxd_ref, out_ref):
    g = g_ref[0]
    a = a_ref[0]
    R = M_BLK * K

    def rep(x):
        w = x.shape[1]
        return jnp.broadcast_to(x[:, None, :], (M_BLK, K, w)).reshape(R, w)

    ps = []
    ds = []
    for v in range(3):
        Gv = g[:, v * C:(v + 1) * C]
        Av = a[:, v * C:(v + 1) * C]
        relv = g[:, 192 + v:193 + v] - rep(a[:, 192 + v:193 + v])
        pv = (jnp.dot(Gv, wnf_ref[...], preferred_element_type=jnp.float32)
              + rep(jnp.dot(Av, waf_ref[...], preferred_element_type=jnp.float32))
              + relv * wxf_ref[...])
        dv = (jnp.dot(Gv, wnd_ref[...], preferred_element_type=jnp.float32)
              + rep(jnp.dot(Av, wad_ref[...], preferred_element_type=jnp.float32))
              + relv * wxd_ref[...])
        ps.append(pv)
        ds.append(dv)

    dotpd = ps[0] * ds[0] + ps[1] * ds[1] + ps[2] * ds[2]
    dns = ds[0] * ds[0] + ds[1] * ds[1] + ds[2] * ds[2]
    mask = (dotpd >= 0).astype(jnp.float32)
    coef = dotpd / (dns + EPS)
    for v in range(3):
        h = (NEG_SLOPE * ps[v]
             + (1 - NEG_SLOPE) * (mask * ps[v]
                                  + (1 - mask) * (ps[v] - coef * ds[v])))
        out_ref[0, v] = jnp.mean(h.reshape(M_BLK, K, COUT), axis=1)


def _edge_mlp(g, a, wnf, waf, wxf, wnd, wad, wxd):
    n_mb = NPOINT // M_BLK
    return pl.pallas_call(
        _edge_body,
        grid=(B, n_mb),
        in_specs=[
            pl.BlockSpec((1, M_BLK * K, D_TAB), lambda b, m: (b, m, 0)),
            pl.BlockSpec((1, M_BLK, D_TAB), lambda b, m: (b, m, 0)),
            pl.BlockSpec((C, COUT), lambda b, m: (0, 0)),
            pl.BlockSpec((C, COUT), lambda b, m: (0, 0)),
            pl.BlockSpec((1, COUT), lambda b, m: (0, 0)),
            pl.BlockSpec((C, COUT), lambda b, m: (0, 0)),
            pl.BlockSpec((C, COUT), lambda b, m: (0, 0)),
            pl.BlockSpec((1, COUT), lambda b, m: (0, 0)),
        ],
        out_specs=pl.BlockSpec((1, 3, M_BLK, COUT), lambda b, m: (b, 0, m, 0)),
        out_shape=jax.ShapeDtypeStruct((B, 3, NPOINT, COUT), jnp.float32),
    )(g, a, wnf, waf, wxf, wnd, wad, wxd)



def _mm3(a, b):
    return (a[:, 0:1] * b[0:1, :] + a[:, 1:2] * b[1:2, :]
            + a[:, 2:3] * b[2:3, :])


def _whiten_body(x_ref, g_ref, out_ref):
    x = x_ref[0]
    MT = x.shape[1]
    mu = jnp.mean(x, axis=1, keepdims=True)
    xc = x - mu
    x0 = xc[0:1, :]
    x1 = xc[1:2, :]
    x2 = xc[2:3, :]
    denom = float(MT) + EPS
    c00 = jnp.sum(x0 * x0) / denom + 1e-5
    c11 = jnp.sum(x1 * x1) / denom + 1e-5
    c22 = jnp.sum(x2 * x2) / denom + 1e-5
    c01 = jnp.sum(x0 * x1) / denom
    c02 = jnp.sum(x0 * x2) / denom
    c12 = jnp.sum(x1 * x2) / denom
    r3 = lax.broadcasted_iota(jnp.int32, (3, 3), 0)
    c3 = lax.broadcasted_iota(jnp.int32, (3, 3), 1)

    def E(i, j):
        return ((r3 == i) & (c3 == j)).astype(jnp.float32)

    eye = E(0, 0) + E(1, 1) + E(2, 2)
    cov = (c00 * E(0, 0) + c11 * E(1, 1) + c22 * E(2, 2)
           + c01 * (E(0, 1) + E(1, 0)) + c02 * (E(0, 2) + E(2, 0))
           + c12 * (E(1, 2) + E(2, 1)))
    s = c00 + c11 + c22
    A = cov * (1.0 / s)

    def ns(i, st):
        Yk, Zk = st
        T = 3.0 * eye - _mm3(Zk, Yk)
        return (0.5 * _mm3(Yk, T), 0.5 * _mm3(T, Zk))

    _, Zf = lax.fori_loop(0, NS_ITERS, ns, (A, eye))
    Wz = Zf * lax.rsqrt(s)
    w00 = jnp.sum(Wz * E(0, 0))
    w01 = jnp.sum(Wz * E(0, 1))
    w02 = jnp.sum(Wz * E(0, 2))
    w10 = jnp.sum(Wz * E(1, 0))
    w11 = jnp.sum(Wz * E(1, 1))
    w12 = jnp.sum(Wz * E(1, 2))
    w20 = jnp.sum(Wz * E(2, 0))
    w21 = jnp.sum(Wz * E(2, 1))
    w22 = jnp.sum(Wz * E(2, 2))
    y0 = w00 * x0 + w01 * x1 + w02 * x2
    y1 = w10 * x0 + w11 * x1 + w12 * x2
    y2 = w20 * x0 + w21 * x1 + w22 * x2
    gm = g_ref[...]
    out_ref[0] = jnp.concatenate([y0 * gm, y1 * gm, y2 * gm], axis=0)


def _whiten(xf, gamma_rep):
    MT = xf.shape[2]
    return pl.pallas_call(
        _whiten_body,
        grid=(B,),
        in_specs=[
            pl.BlockSpec((1, 3, MT), lambda b: (b, 0, 0)),
            pl.BlockSpec((1, MT), lambda b: (0, 0)),
        ],
        out_specs=pl.BlockSpec((1, 3, MT), lambda b: (b, 0, 0)),
        out_shape=jax.ShapeDtypeStruct((B, 3, MT), jnp.float32),
    )(xf, gamma_rep)



def kernel(xyz, feat, W_feat, W_dir, gamma):
    xyzT = jnp.transpose(xyz, (0, 2, 1))
    fps_idx = _fps(xyzT)
    knn_idx, new_xyz = _knn(xyzT, fps_idx[:, :, None])

    featP = jnp.transpose(feat, (0, 3, 2, 1)).reshape(B, N, 3 * C)
    table = jnp.concatenate(
        [featP, xyz, jnp.zeros((B, N, D_TAB - 3 * C - 3), jnp.float32)],
        axis=2).reshape(B * N, D_TAB)
    offs = (jnp.arange(B, dtype=jnp.int32) * N)[:, None]
    neigh_g = (knn_idx.reshape(B, -1) + offs).reshape(-1)
    anch_g = (fps_idx + offs).reshape(-1)
    idx_all = jnp.concatenate([neigh_g, anch_g])
    rows = _sc_gather(table, idx_all)
    n_neigh = B * NPOINT * K
    g = rows[:n_neigh].reshape(B, NPOINT * K, D_TAB)
    a = rows[n_neigh:].reshape(B, NPOINT, D_TAB)

    wnf = jnp.transpose(W_feat[:, :C])
    waf = jnp.transpose(W_feat[:, C:2 * C] - W_feat[:, :C])
    wxf = W_feat[:, 2 * C].reshape(1, COUT)
    wnd = jnp.transpose(W_dir[:, :C])
    wad = jnp.transpose(W_dir[:, C:2 * C] - W_dir[:, :C])
    wxd = W_dir[:, 2 * C].reshape(1, COUT)
    pooled = _edge_mlp(g, a, wnf, waf, wxf, wnd, wad, wxd)

    xf = jnp.transpose(pooled, (0, 1, 3, 2)).reshape(B, 3, COUT * NPOINT)
    gamma_rep = jnp.repeat(gamma.reshape(-1), NPOINT).reshape(1, COUT * NPOINT)
    xw = _whiten(xf, gamma_rep)
    out_feat = xw.reshape(B, 3, COUT, NPOINT).transpose(0, 2, 1, 3)
    return new_xyz, out_feat

# --- scband reference (transcript-rebuilt; emitter-appended) ---
"""Pipeline reference for scband-vnset-abstraction-60189671686866 (READ-ONLY COPY).

The authoritative reference and input builder live on the scoring server;
editing this copy changes nothing except your own understanding.
"""

import jax, jax.numpy as jnp
import numpy as np

EPS = 1e-6
NPOINT = 512
K = 24
NEG_SLOPE = 0.1

def farthest_point_sample(xyz, npoint):
    B, N, _ = xyz.shape
    batch = jnp.arange(B)
    def body(i, state):
        centroids, distance, farthest = state
        centroids = centroids.at[:, i].set(farthest)
        centroid = xyz[batch, farthest][:, None, :]
        dist = jnp.sum((xyz - centroid) ** 2, axis=-1)
        distance = jnp.minimum(distance, dist)
        farthest = jnp.argmax(distance, axis=-1).astype(jnp.int32)
        return (centroids, distance, farthest)
    centroids0 = jnp.zeros((B, npoint), dtype=jnp.int32)
    distance0 = jnp.full((B, N), 1e10, dtype=xyz.dtype)
    farthest0 = jnp.zeros((B,), dtype=jnp.int32)
    centroids, _, _ = jax.lax.fori_loop(0, npoint, body, (centroids0, distance0, farthest0))
    return centroids

def index_points(points, idx):
    B = points.shape[0]
    D = points.shape[-1]
    idx_flat = idx.reshape(B, -1)
    idxb = jnp.broadcast_to(idx_flat[:, :, None], (B, idx_flat.shape[1], D))
    out = jnp.take_along_axis(points, idxb, axis=1)
    return out.reshape(idx.shape + (D,))

def index_points_vn(x, idx):
    B, C, _, N = x.shape
    idx_flat = idx.reshape(B, -1)
    idxb = jnp.broadcast_to(idx_flat[:, None, None, :], (B, C, 3, idx_flat.shape[1]))
    out = jnp.take_along_axis(x, idxb, axis=3)
    return out.reshape((B, C, 3) + idx.shape[1:])

def knn_point(k, xyz, new_xyz):
    d2 = jnp.sum((new_xyz[:, :, None, :] - xyz[:, None, :, :]) ** 2, axis=-1)
    _, idx = jax.lax.top_k(-d2, k)
    return idx

def setup_inputs(seed: int = 0):
    key = jax.random.key(seed)
    k1, k2, k3, k4 = jax.random.split(key, 4)
    B, N, C, Cout = 4, 2048, 64, 128
    edge_in = 2 * C + 1
    xyz = jax.random.normal(k1, (B, N, 3), dtype=jnp.float32)
    feat = jax.random.normal(k2, (B, C, 3, N), dtype=jnp.float32)
    W_feat = jax.random.normal(k3, (Cout, edge_in), dtype=jnp.float32) / np.sqrt(edge_in)
    W_dir = jax.random.normal(k4, (Cout, edge_in), dtype=jnp.float32) / np.sqrt(edge_in)
    gamma = jnp.ones((1, Cout, 1, 1), dtype=jnp.float32)
    return {"xyz": xyz, "feat": feat, "W_feat": W_feat, "W_dir": W_dir, "gamma": gamma}

def _forward(xyz, feat, W_feat, W_dir, gamma):
    B, N, _ = xyz.shape
    M = NPOINT
    fps_idx = farthest_point_sample(xyz, M)
    new_xyz = index_points(xyz, fps_idx)
    anchor_feat = index_points_vn(feat, fps_idx)
    group_idx = knn_point(K, xyz, new_xyz)
    neigh_xyz = index_points(xyz, group_idx)
    rel_xyz = neigh_xyz - new_xyz[:, :, None, :]
    rel_xyz_vn = jnp.transpose(rel_xyz, (0, 3, 1, 2))[:, None]
    neigh_feat = index_points_vn(feat, group_idx)
    anchor_rep = jnp.broadcast_to(anchor_feat[..., None], neigh_feat.shape)
    edge = jnp.concatenate([neigh_feat - anchor_rep, anchor_rep, rel_xyz_vn], axis=1)
    p = jnp.einsum('oi,bivmk->bovmk', W_feat, edge)
    d = jnp.einsum('oi,bivmk->bovmk', W_dir, edge)
    dotprod = jnp.sum(p * d, axis=2, keepdims=True)
    mask = (dotprod >= 0).astype(p.dtype)
    dns = jnp.sum(d * d, axis=2, keepdims=True)
    h = NEG_SLOPE * p + (1 - NEG_SLOPE) * (mask * p + (1 - mask) * (p - dotprod / (dns + EPS) * d))
    new_feat = jnp.mean(h, axis=-1)
    Bc, Cc = new_feat.shape[:2]
    xf = jnp.transpose(new_feat, (0, 2, 1, 3)).reshape(Bc, 3, -1)
    mu = jnp.mean(xf, axis=-1, keepdims=True)
    xc = xf - mu
    Mtot = xc.shape[-1]
    cov = xc @ jnp.transpose(xc, (0, 2, 1)) / (float(Mtot) + EPS)
    cov = cov + 1e-5 * jnp.eye(3, dtype=xc.dtype)[None]
    w, v = jnp.linalg.eigh(cov)
    w = jnp.clip(w, 1e-5, None)
    inv_sqrt = 1.0 / jnp.sqrt(w)
    Wz = jnp.einsum('bij,bj,bkj->bik', v, inv_sqrt, v)
    xw = Wz @ xc
    xw = jnp.transpose(xw.reshape(Bc, 3, Cc, -1), (0, 2, 1, 3))
    out_feat = xw * gamma
    return new_xyz, out_feat

def reference(xyz, feat, W_feat, W_dir, gamma):
    return _forward(xyz, feat, W_feat, W_dir, gamma)

if __name__ == "__main__":
    import jax
    _d = setup_inputs()
    print(jax.jit(kernel)(*tuple(_d.values())))

</pallas_src>

<mosaic_0001>
#map = affine_map<(d0, d1) -> (0, 0)>
#map1 = affine_map<(d0, d1) -> (0)>
module attributes {stable_mosaic.version = 14 : i64} {
  func.func @gk(%arg0: i32, %arg1: i32, %arg2: memref<8192x256xf32, #tpu.memory_space<hbm>>, %arg3: memref<51200xi32, #tpu.memory_space<hbm>>, %arg4: memref<51200x256xf32, #tpu.memory_space<hbm>>, %arg5: memref<400xi32, #tpu.memory_space<vmem>>, %arg6: memref<400x256xf32, #tpu.memory_space<vmem>>, %arg7: memref<!tpu.dma_semaphore, #tpu.memory_space<semaphore_mem>>) attributes {dimension_semantics = [#tpu.dimension_semantics<core_parallel>, #tpu.dimension_semantics<subcore_parallel>], iteration_bounds = array<i64: 2, 16>, scalar_prefetch = 0 : i64, scratch_operands = 3 : i64, tpu.core_type = #tpu.core_type<sc_vector_subcore>, window_params = [{transform_indices = #map}, {transform_indices = #map1}, {transform_indices = #map}]} {
    %mul3A = arith.constant 2 : i32
    %mul3A_0 = arith.muli %arg1, %mul3A : i32
    %add3A = arith.addi %mul3A_0, %arg0 : i32
    %mul3A_1 = arith.constant 1600 : i32
    %mul3A_2 = arith.muli %add3A, %mul3A_1 : i32
    %add3A_3 = arith.constant 0 : i32
    %add3A_4 = arith.addi %mul3A_2, %add3A_3 : i32
    "tpu.region"() ({
      %run_scoped3A = tpu.sem_alloc : memref<!tpu.dma_semaphore, #tpu.memory_space<semaphore_mem>>
      %dma_start3A_33 = tpu.memref_slice %arg3[%add3A_4] : memref<51200xi32, #tpu.memory_space<hbm>> -> memref<400xi32, #tpu.memory_space<hbm>>
      %dma_start3A_34 = tpu.memref_slice %arg3[%add3A_4] : memref<51200xi32, #tpu.memory_space<hbm>> -> memref<400xi32, #tpu.memory_space<hbm>>
      tpu.enqueue_dma source(%dma_start3A_34 : memref<400xi32, #tpu.memory_space<hbm>>) target(%arg5 : memref<400xi32, #tpu.memory_space<vmem>>) target_semaphore(%run_scoped3A : memref<!tpu.dma_semaphore, #tpu.memory_space<semaphore_mem>>)
      %dma_wait3A_35 = tpu.memref_slice %arg3[%add3A_4] : memref<51200xi32, #tpu.memory_space<hbm>> -> memref<400xi32, #tpu.memory_space<hbm>>
      %dma_wait3A_36 = tpu.memref_slice %arg3[%add3A_4] : memref<51200xi32, #tpu.memory_space<hbm>> -> memref<400xi32, #tpu.memory_space<hbm>>
      tpu.wait_dma2 semaphore(%run_scoped3A : memref<!tpu.dma_semaphore, #tpu.memory_space<semaphore_mem>>) src(%dma_wait3A_36 : memref<400xi32, #tpu.memory_space<hbm>>) dst(%arg5 : memref<400xi32, #tpu.memory_space<vmem>>)
      tpu.yield
    }) : () -> ()
    %dma_start3A = arith.constant 0 : i32
    %dma_start3A_5 = arith.constant 0 : i32
    %dma_start3A_6 = tpu.memref_slice %arg2[%dma_start3A, %dma_start3A_5] : memref<8192x256xf32, #tpu.memory_space<hbm>> -> memref<8192x256xf32, #tpu.memory_space<hbm>>
    tpu.enqueue_indirect_dma source(%dma_start3A_6 : memref<8192x256xf32, #tpu.memory_space<hbm>>) target(%arg6 : memref<400x256xf32, #tpu.memory_space<vmem>>) offsets(%arg5 : memref<400xi32, #tpu.memory_space<vmem>>) semaphore(%arg7 : memref<!tpu.dma_semaphore, #tpu.memory_space<semaphore_mem>>)
    %dma_wait3A = arith.constant 0 : i32
    %dma_wait3A_7 = arith.constant 0 : i32
    %dma_wait3A_8 = tpu.memref_slice %arg2[%dma_wait3A, %dma_wait3A_7] : memref<8192x256xf32, #tpu.memory_space<hbm>> -> memref<8192x256xf32, #tpu.memory_space<hbm>>
    tpu.wait_indirect_dma semaphore(%arg7 : memref<!tpu.dma_semaphore, #tpu.memory_space<semaphore_mem>>) src(%dma_wait3A_8 : memref<8192x256xf32, #tpu.memory_space<hbm>>) dst(%arg6 : memref<400x256xf32, #tpu.memory_space<vmem>>)
    "tpu.region"() ({
      %run_scoped3A = tpu.sem_alloc : memref<!tpu.dma_semaphore, #tpu.memory_space<semaphore_mem>>
      %dma_start3A_33 = arith.constant 0 : i32
      %dma_start3A_34 = tpu.memref_slice %arg4[%add3A_4, %dma_start3A_33] : memref<51200x256xf32, #tpu.memory_space<hbm>> -> memref<400x256xf32, #tpu.memory_space<hbm>>
      %dma_start3A_35 = arith.constant 0 : i32
      %dma_start3A_36 = tpu.memref_slice %arg4[%add3A_4, %dma_start3A_35] : memref<51200x256xf32, #tpu.memory_space<hbm>> -> memref<400x256xf32, #tpu.memory_space<hbm>>
      tpu.enqueue_dma source(%arg6 : memref<400x256xf32, #tpu.memory_space<vmem>>) target(%dma_start3A_36 : memref<400x256xf32, #tpu.memory_space<hbm>>) target_semaphore(%run_scoped3A : memref<!tpu.dma_semaphore, #tpu.memory_space<semaphore_mem>>)
      %dma_wait3A_37 = arith.constant 0 : i32
      %dma_wait3A_38 = tpu.memref_slice %arg4[%add3A_4, %dma_wait3A_37] : memref<51200x256xf32, #tpu.memory_space<hbm>> -> memref<400x256xf32, #tpu.memory_space<hbm>>
      %dma_wait3A_39 = arith.constant 0 : i32
      %dma_wait3A_40 = tpu.memref_slice %arg4[%add3A_4, %dma_wait3A_39] : memref<51200x256xf32, #tpu.memory_space<hbm>> -> memref<400x256xf32, #tpu.memory_space<hbm>>
      tpu.wait_dma2 semaphore(%run_scoped3A : memref<!tpu.dma_semaphore, #tpu.memory_space<semaphore_mem>>) src(%arg6 : memref<400x256xf32, #tpu.memory_space<vmem>>) dst(%dma_wait3A_40 : memref<400x256xf32, #tpu.memory_space<hbm>>)
      tpu.yield
    }) : () -> ()
    %add3A_9 = arith.constant 400 : i32
    %add3A_10 = arith.addi %mul3A_2, %add3A_9 : i32
    "tpu.region"() ({
      %run_scoped3A = tpu.sem_alloc : memref<!tpu.dma_semaphore, #tpu.memory_space<semaphore_mem>>
      %dma_start3A_33 = tpu.memref_slice %arg3[%add3A_10] : memref<51200xi32, #tpu.memory_space<hbm>> -> memref<400xi32, #tpu.memory_space<hbm>>
      %dma_start3A_34 = tpu.memref_slice %arg3[%add3A_10] : memref<51200xi32, #tpu.memory_space<hbm>> -> memref<400xi32, #tpu.memory_space<hbm>>
      tpu.enqueue_dma source(%dma_start3A_34 : memref<400xi32, #tpu.memory_space<hbm>>) target(%arg5 : memref<400xi32, #tpu.memory_space<vmem>>) target_semaphore(%run_scoped3A : memref<!tpu.dma_semaphore, #tpu.memory_space<semaphore_mem>>)
      %dma_wait3A_35 = tpu.memref_slice %arg3[%add3A_10] : memref<51200xi32, #tpu.memory_space<hbm>> -> memref<400xi32, #tpu.memory_space<hbm>>
      %dma_wait3A_36 = tpu.memref_slice %arg3[%add3A_10] : memref<51200xi32, #tpu.memory_space<hbm>> -> memref<400xi32, #tpu.memory_space<hbm>>
      tpu.wait_dma2 semaphore(%run_scoped3A : memref<!tpu.dma_semaphore, #tpu.memory_space<semaphore_mem>>) src(%dma_wait3A_36 : memref<400xi32, #tpu.memory_space<hbm>>) dst(%arg5 : memref<400xi32, #tpu.memory_space<vmem>>)
      tpu.yield
    }) : () -> ()
    %dma_start3A_11 = arith.constant 0 : i32
    %dma_start3A_12 = arith.constant 0 : i32
    %dma_start3A_13 = tpu.memref_slice %arg2[%dma_start3A_11, %dma_start3A_12] : memref<8192x256xf32, #tpu.memory_space<hbm>> -> memref<8192x256xf32, #tpu.memory_space<hbm>>
    tpu.enqueue_indirect_dma source(%dma_start3A_13 : memref<8192x256xf32, #tpu.memory_space<hbm>>) target(%arg6 : memref<400x256xf32, #tpu.memory_space<vmem>>) offsets(%arg5 : memref<400xi32, #tpu.memory_space<vmem>>) semaphore(%arg7 : memref<!tpu.dma_semaphore, #tpu.memory_space<semaphore_mem>>)
    %dma_wait3A_14 = arith.constant 0 : i32
    %dma_wait3A_15 = arith.constant 0 : i32
    %dma_wait3A_16 = tpu.memref_slice %arg2[%dma_wait3A_14, %dma_wait3A_15] : memref<8192x256xf32, #tpu.memory_space<hbm>> -> memref<8192x256xf32, #tpu.memory_space<hbm>>
    tpu.wait_indirect_dma semaphore(%arg7 : memref<!tpu.dma_semaphore, #tpu.memory_space<semaphore_mem>>) src(%dma_wait3A_16 : memref<8192x256xf32, #tpu.memory_space<hbm>>) dst(%arg6 : memref<400x256xf32, #tpu.memory_space<vmem>>)
    "tpu.region"() ({
      %run_scoped3A = tpu.sem_alloc : memref<!tpu.dma_semaphore, #tpu.memory_space<semaphore_mem>>
      %dma_start3A_33 = arith.constant 0 : i32
      %dma_start3A_34 = tpu.memref_slice %arg4[%add3A_10, %dma_start3A_33] : memref<51200x256xf32, #tpu.memory_space<hbm>> -> memref<400x256xf32, #tpu.memory_space<hbm>>
      %dma_start3A_35 = arith.constant 0 : i32
      %dma_start3A_36 = tpu.memref_slice %arg4[%add3A_10, %dma_start3A_35] : memref<51200x256xf32, #tpu.memory_space<hbm>> -> memref<400x256xf32, #tpu.memory_space<hbm>>
      tpu.enqueue_dma source(%arg6 : memref<400x256xf32, #tpu.memory_space<vmem>>) target(%dma_start3A_36 : memref<400x256xf32, #tpu.memory_space<hbm>>) target_semaphore(%run_scoped3A : memref<!tpu.dma_semaphore, #tpu.memory_space<semaphore_mem>>)
      %dma_wait3A_37 = arith.constant 0 : i32
      %dma_wait3A_38 = tpu.memref_slice %arg4[%add3A_10, %dma_wait3A_37] : memref<51200x256xf32, #tpu.memory_space<hbm>> -> memref<400x256xf32, #tpu.memory_space<hbm>>
      %dma_wait3A_39 = arith.constant 0 : i32
      %dma_wait3A_40 = tpu.memref_slice %arg4[%add3A_10, %dma_wait3A_39] : memref<51200x256xf32, #tpu.memory_space<hbm>> -> memref<400x256xf32, #tpu.memory_space<hbm>>
      tpu.wait_dma2 semaphore(%run_scoped3A : memref<!tpu.dma_semaphore, #tpu.memory_space<semaphore_mem>>) src(%arg6 : memref<400x256xf32, #tpu.memory_space<vmem>>) dst(%dma_wait3A_40 : memref<400x256xf32, #tpu.memory_space<hbm>>)
      tpu.yield
    }) : () -> ()
    %add3A_17 = arith.constant 800 : i32
    %add3A_18 = arith.addi %mul3A_2, %add3A_17 : i32
    "tpu.region"() ({
      %run_scoped3A = tpu.sem_alloc : memref<!tpu.dma_semaphore, #tpu.memory_space<semaphore_mem>>
      %dma_start3A_33 = tpu.memref_slice %arg3[%add3A_18] : memref<51200xi32, #tpu.memory_space<hbm>> -> memref<400xi32, #tpu.memory_space<hbm>>
      %dma_start3A_34 = tpu.memref_slice %arg3[%add3A_18] : memref<51200xi32, #tpu.memory_space<hbm>> -> memref<400xi32, #tpu.memory_space<hbm>>
      tpu.enqueue_dma source(%dma_start3A_34 : memref<400xi32, #tpu.memory_space<hbm>>) target(%arg5 : memref<400xi32, #tpu.memory_space<vmem>>) target_semaphore(%run_scoped3A : memref<!tpu.dma_semaphore, #tpu.memory_space<semaphore_mem>>)
      %dma_wait3A_35 = tpu.memref_slice %arg3[%add3A_18] : memref<51200xi32, #tpu.memory_space<hbm>> -> memref<400xi32, #tpu.memory_space<hbm>>
      %dma_wait3A_36 = tpu.memref_slice %arg3[%add3A_18] : memref<51200xi32, #tpu.memory_space<hbm>> -> memref<400xi32, #tpu.memory_space<hbm>>
      tpu.wait_dma2 semaphore(%run_scoped3A : memref<!tpu.dma_semaphore, #tpu.memory_space<semaphore_mem>>) src(%dma_wait3A_36 : memref<400xi32, #tpu.memory_space<hbm>>) dst(%arg5 : memref<400xi32, #tpu.memory_space<vmem>>)
      tpu.yield
    }) : () -> ()
    %dma_start3A_19 = arith.constant 0 : i32
    %dma_start3A_20 = arith.constant 0 : i32
    %dma_start3A_21 = tpu.memref_slice %arg2[%dma_start3A_19, %dma_start3A_20] : memref<8192x256xf32, #tpu.memory_space<hbm>> -> memref<8192x256xf32, #tpu.memory_space<hbm>>
    tpu.enqueue_indirect_dma source(%dma_start3A_21 : memref<8192x256xf32, #tpu.memory_space<hbm>>) target(%arg6 : memref<400x256xf32, #tpu.memory_space<vmem>>) offsets(%arg5 : memref<400xi32, #tpu.memory_space<vmem>>) semaphore(%arg7 : memref<!tpu.dma_semaphore, #tpu.memory_space<semaphore_mem>>)
    %dma_wait3A_22 = arith.constant 0 : i32
    %dma_wait3A_23 = arith.constant 0 : i32
    %dma_wait3A_24 = tpu.memref_slice %arg2[%dma_wait3A_22, %dma_wait3A_23] : memref<8192x256xf32, #tpu.memory_space<hbm>> -> memref<8192x256xf32, #tpu.memory_space<hbm>>
    tpu.wait_indirect_dma semaphore(%arg7 : memref<!tpu.dma_semaphore, #tpu.memory_space<semaphore_mem>>) src(%dma_wait3A_24 : memref<8192x256xf32, #tpu.memory_space<hbm>>) dst(%arg6 : memref<400x256xf32, #tpu.memory_space<vmem>>)
    "tpu.region"() ({
      %run_scoped3A = tpu.sem_alloc : memref<!tpu.dma_semaphore, #tpu.memory_space<semaphore_mem>>
      %dma_start3A_33 = arith.constant 0 : i32
      %dma_start3A_34 = tpu.memref_slice %arg4[%add3A_18, %dma_start3A_33] : memref<51200x256xf32, #tpu.memory_space<hbm>> -> memref<400x256xf32, #tpu.memory_space<hbm>>
      %dma_start3A_35 = arith.constant 0 : i32
      %dma_start3A_36 = tpu.memref_slice %arg4[%add3A_18, %dma_start3A_35] : memref<51200x256xf32, #tpu.memory_space<hbm>> -> memref<400x256xf32, #tpu.memory_space<hbm>>
      tpu.enqueue_dma source(%arg6 : memref<400x256xf32, #tpu.memory_space<vmem>>) target(%dma_start3A_36 : memref<400x256xf32, #tpu.memory_space<hbm>>) target_semaphore(%run_scoped3A : memref<!tpu.dma_semaphore, #tpu.memory_space<semaphore_mem>>)
      %dma_wait3A_37 = arith.constant 0 : i32
      %dma_wait3A_38 = tpu.memref_slice %arg4[%add3A_18, %dma_wait3A_37] : memref<51200x256xf32, #tpu.memory_space<hbm>> -> memref<400x256xf32, #tpu.memory_space<hbm>>
      %dma_wait3A_39 = arith.constant 0 : i32
      %dma_wait3A_40 = tpu.memref_slice %arg4[%add3A_18, %dma_wait3A_39] : memref<51200x256xf32, #tpu.memory_space<hbm>> -> memref<400x256xf32, #tpu.memory_space<hbm>>
      tpu.wait_dma2 semaphore(%run_scoped3A : memref<!tpu.dma_semaphore, #tpu.memory_space<semaphore_mem>>) src(%arg6 : memref<400x256xf32, #tpu.memory_space<vmem>>) dst(%dma_wait3A_40 : memref<400x256xf32, #tpu.memory_space<hbm>>)
      tpu.yield
    }) : () -> ()
    %add3A_25 = arith.constant 1200 : i32
    %add3A_26 = arith.addi %mul3A_2, %add3A_25 : i32
    "tpu.region"() ({
      %run_scoped3A = tpu.sem_alloc : memref<!tpu.dma_semaphore, #tpu.memory_space<semaphore_mem>>
      %dma_start3A_33 = tpu.memref_slice %arg3[%add3A_26] : memref<51200xi32, #tpu.memory_space<hbm>> -> memref<400xi32, #tpu.memory_space<hbm>>
      %dma_start3A_34 = tpu.memref_slice %arg3[%add3A_26] : memref<51200xi32, #tpu.memory_space<hbm>> -> memref<400xi32, #tpu.memory_space<hbm>>
      tpu.enqueue_dma source(%dma_start3A_34 : memref<400xi32, #tpu.memory_space<hbm>>) target(%arg5 : memref<400xi32, #tpu.memory_space<vmem>>) target_semaphore(%run_scoped3A : memref<!tpu.dma_semaphore, #tpu.memory_space<semaphore_mem>>)
      %dma_wait3A_35 = tpu.memref_slice %arg3[%add3A_26] : memref<51200xi32, #tpu.memory_space<hbm>> -> memref<400xi32, #tpu.memory_space<hbm>>
      %dma_wait3A_36 = tpu.memref_slice %arg3[%add3A_26] : memref<51200xi32, #tpu.memory_space<hbm>> -> memref<400xi32, #tpu.memory_space<hbm>>
      tpu.wait_dma2 semaphore(%run_scoped3A : memref<!tpu.dma_semaphore, #tpu.memory_space<semaphore_mem>>) src(%dma_wait3A_36 : memref<400xi32, #tpu.memory_space<hbm>>) dst(%arg5 : memref<400xi32, #tpu.memory_space<vmem>>)
      tpu.yield
    }) : () -> ()
    %dma_start3A_27 = arith.constant 0 : i32
    %dma_start3A_28 = arith.constant 0 : i32
    %dma_start3A_29 = tpu.memref_slice %arg2[%dma_start3A_27, %dma_start3A_28] : memref<8192x256xf32, #tpu.memory_space<hbm>> -> memref<8192x256xf32, #tpu.memory_space<hbm>>
    tpu.enqueue_indirect_dma source(%dma_start3A_29 : memref<8192x256xf32, #tpu.memory_space<hbm>>) target(%arg6 : memref<400x256xf32, #tpu.memory_space<vmem>>) offsets(%arg5 : memref<400xi32, #tpu.memory_space<vmem>>) semaphore(%arg7 : memref<!tpu.dma_semaphore, #tpu.memory_space<semaphore_mem>>)
    %dma_wait3A_30 = arith.constant 0 : i32
    %dma_wait3A_31 = arith.constant 0 : i32
    %dma_wait3A_32 = tpu.memref_slice %arg2[%dma_wait3A_30, %dma_wait3A_31] : memref<8192x256xf32, #tpu.memory_space<hbm>> -> memref<8192x256xf32, #tpu.memory_space<hbm>>
    tpu.wait_indirect_dma semaphore(%arg7 : memref<!tpu.dma_semaphore, #tpu.memory_space<semaphore_mem>>) src(%dma_wait3A_32 : memref<8192x256xf32, #tpu.memory_space<hbm>>) dst(%arg6 : memref<400x256xf32, #tpu.memory_space<vmem>>)
    "tpu.region"() ({
      %run_scoped3A = tpu.sem_alloc : memref<!tpu.dma_semaphore, #tpu.memory_space<semaphore_mem>>
      %dma_start3A_33 = arith.constant 0 : i32
      %dma_start3A_34 = tpu.memref_slice %arg4[%add3A_26, %dma_start3A_33] : memref<51200x256xf32, #tpu.memory_space<hbm>> -> memref<400x256xf32, #tpu.memory_space<hbm>>
      %dma_start3A_35 = arith.constant 0 : i32
      %dma_start3A_36 = tpu.memref_slice %arg4[%add3A_26, %dma_start3A_35] : memref<51200x256xf32, #tpu.memory_space<hbm>> -> memref<400x256xf32, #tpu.memory_space<hbm>>
      tpu.enqueue_dma source(%arg6 : memref<400x256xf32, #tpu.memory_space<vmem>>) target(%dma_start3A_36 : memref<400x256xf32, #tpu.memory_space<hbm>>) target_semaphore(%run_scoped3A : memref<!tpu.dma_semaphore, #tpu.memory_space<semaphore_mem>>)
      %dma_wait3A_37 = arith.constant 0 : i32
      %dma_wait3A_38 = tpu.memref_slice %arg4[%add3A_26, %dma_wait3A_37] : memref<51200x256xf32, #tpu.memory_space<hbm>> -> memref<400x256xf32, #tpu.memory_space<hbm>>
      %dma_wait3A_39 = arith.constant 0 : i32
      %dma_wait3A_40 = tpu.memref_slice %arg4[%add3A_26, %dma_wait3A_39] : memref<51200x256xf32, #tpu.memory_space<hbm>> -> memref<400x256xf32, #tpu.memory_space<hbm>>
      tpu.wait_dma2 semaphore(%run_scoped3A : memref<!tpu.dma_semaphore, #tpu.memory_space<semaphore_mem>>) src(%arg6 : memref<400x256xf32, #tpu.memory_space<vmem>>) dst(%dma_wait3A_40 : memref<400x256xf32, #tpu.memory_space<hbm>>)
      tpu.yield
    }) : () -> ()
    return
  }
}

module attributes {stable_mosaic.version = 14 : i64} {
  func.func @_fps_body(%arg0: memref<4x3x2048xf32, #tpu.memory_space<vmem>>, %arg1: memref<4x2048xi32, #tpu.memory_space<vmem>>, %arg2: memref<4x512xi32, #tpu.memory_space<vmem>>, %arg3: memref<4x512xi32, #tpu.memory_space<vmem>>) attributes {dimension_semantics = [], scalar_prefetch = 0 : i64, scratch_operands = 0 : i64, tpu.core_type = #tpu.core_type<tc>} {
    %get3A = arith.constant 0 : index
    %get3A_0 = arith.constant 0 : index
    %get3A_1 = arith.constant 0 : index
    %get3A_2 = vector.load %arg0[%get3A, %get3A_0, %get3A_1] : memref<4x3x2048xf32, #tpu.memory_space<vmem>>, vector<4x1x2048xf32>
    %get3A_3 = vector.shape_cast %get3A_2 : vector<4x1x2048xf32> to vector<4x2048xf32>
    %get3A_4 = arith.constant 0 : index
    %get3A_5 = arith.constant 1 : index
    %get3A_6 = arith.constant 0 : index
    %get3A_7 = vector.load %arg0[%get3A_4, %get3A_5, %get3A_6] : memref<4x3x2048xf32, #tpu.memory_space<vmem>>, vector<4x1x2048xf32>
    %get3A_8 = vector.shape_cast %get3A_7 : vector<4x1x2048xf32> to vector<4x2048xf32>
    %get3A_9 = arith.constant 0 : index
    %get3A_10 = arith.constant 2 : index
    %get3A_11 = arith.constant 0 : index
    %get3A_12 = vector.load %arg0[%get3A_9, %get3A_10, %get3A_11] : memref<4x3x2048xf32, #tpu.memory_space<vmem>>, vector<4x1x2048xf32>
    %get3A_13 = vector.shape_cast %get3A_12 : vector<4x1x2048xf32> to vector<4x2048xf32>
    %get3A_14 = arith.constant 0 : index
    %get3A_15 = arith.constant 0 : index
    %get3A_16 = vector.load %arg1[%get3A_14, %get3A_15] : memref<4x2048xi32, #tpu.memory_space<vmem>>, vector<4x2048xi32>
    %get3A_17 = arith.constant 0 : index
    %get3A_18 = arith.constant 0 : index
    %get3A_19 = vector.load %arg2[%get3A_17, %get3A_18] : memref<4x512xi32, #tpu.memory_space<vmem>>, vector<4x512xi32>
    %mul3A = arith.constant 0.000000e+00 : f32
    %mul3A_20 = vector.broadcast %mul3A : f32 to vector<4x2048xf32>
    %mul3A_21 = arith.mulf %get3A_3, %mul3A_20 : vector<4x2048xf32>
    %add3A = arith.constant 1.000000e+10 : f32
    %add3A_22 = vector.broadcast %add3A : f32 to vector<4x2048xf32>
    %add3A_23 = arith.addf %mul3A_21, %add3A_22 : vector<4x2048xf32>
    %broadcast_in_dim3A = arith.constant 0 : i32
    %broadcast_in_dim3A_24 = vector.broadcast %broadcast_in_dim3A : i32 to vector<4x1xi32>
    %mul3A_25 = arith.constant 0 : i32
    %mul3A_26 = vector.broadcast %mul3A_25 : i32 to vector<4x512xi32>
    %mul3A_27 = arith.muli %get3A_19, %mul3A_26 : vector<4x512xi32>
    %scan3A = arith.constant 0 : i32
    %scan3A_28 = arith.constant 512 : i32
    %scan3A_29 = arith.addi %scan3A, %scan3A_28 : i32
    %scan3A_30 = arith.constant 1 : i32
    %scan3A_31:3 = scf.for %scan3A_35 = %scan3A to %scan3A_29 step %scan3A_30 iter_args(%scan3A_36 = %add3A_23, %scan3A_37 = %broadcast_in_dim3A_24, %scan3A_38 = %mul3A_27) -> (vector<4x2048xf32>, vector<4x1xi32>, vector<4x512xi32>)  : i32 {
      %eq3A = vector.broadcast %scan3A_35 : i32 to vector<4x512xi32>
      %eq3A_39 = arith.cmpi eq, %get3A_19, %eq3A : vector<4x512xi32>
      %broadcast_in_dim3A_40 = vector.shape_cast %scan3A_37 : vector<4x1xi32> to vector<4x1xi32>
      %broadcast_in_dim3A_41 = vector.broadcast %broadcast_in_dim3A_40 : vector<4x1xi32> to vector<4x512xi32>
      %select_n3A = arith.select %eq3A_39, %broadcast_in_dim3A_41, %scan3A_38 : vector<4x512xi1>, vector<4x512xi32>
      %eq3A_42 = vector.broadcast %scan3A_37 : vector<4x1xi32> to vector<4x2048xi32>
      %eq3A_43 = arith.cmpi eq, %get3A_16, %eq3A_42 : vector<4x2048xi32>
      %jit3A = arith.constant 0.000000e+00 : f32
      %broadcast_in_dim3A_44 = vector.broadcast %jit3A : f32 to vector<4x2048xf32>
      %select_n3A_45 = arith.select %eq3A_43, %get3A_3, %broadcast_in_dim3A_44 : vector<4x2048xi1>, vector<4x2048xf32>
      %reduce_sum3A = arith.constant dense<0.000000e+00> : vector<4xf32>
      %reduce_sum3A_46 = vector.multi_reduction <add>, %select_n3A_45, %reduce_sum3A [1] : vector<4x2048xf32> to vector<4xf32>
      %broadcast_in_dim3A_47 = vector.shape_cast %reduce_sum3A_46 : vector<4xf32> to vector<4x1xf32>
      %jit3A_48 = arith.constant 0.000000e+00 : f32
      %broadcast_in_dim3A_49 = vector.broadcast %jit3A_48 : f32 to vector<4x2048xf32>
      %select_n3A_50 = arith.select %eq3A_43, %get3A_8, %broadcast_in_dim3A_49 : vector<4x2048xi1>, vector<4x2048xf32>
      %reduce_sum3A_51 = arith.constant dense<0.000000e+00> : vector<4xf32>
      %reduce_sum3A_52 = vector.multi_reduction <add>, %select_n3A_50, %reduce_sum3A_51 [1] : vector<4x2048xf32> to vector<4xf32>
      %broadcast_in_dim3A_53 = vector.shape_cast %reduce_sum3A_52 : vector<4xf32> to vector<4x1xf32>
      %jit3A_54 = arith.constant 0.000000e+00 : f32
      %broadcast_in_dim3A_55 = vector.broadcast %jit3A_54 : f32 to vector<4x2048xf32>
      %select_n3A_56 = arith.select %eq3A_43, %get3A_13, %broadcast_in_dim3A_55 : vector<4x2048xi1>, vector<4x2048xf32>
      %reduce_sum3A_57 = arith.constant dense<0.000000e+00> : vector<4xf32>
      %reduce_sum3A_58 = vector.multi_reduction <add>, %select_n3A_56, %reduce_sum3A_57 [1] : vector<4x2048xf32> to vector<4xf32>
      %broadcast_in_dim3A_59 = vector.shape_cast %reduce_sum3A_58 : vector<4xf32> to vector<4x1xf32>
      %sub3A = vector.broadcast %broadcast_in_dim3A_47 : vector<4x1xf32> to vector<4x2048xf32>
      %sub3A_60 = arith.subf %get3A_3, %sub3A : vector<4x2048xf32>
      %sub3A_61 = vector.broadcast %broadcast_in_dim3A_53 : vector<4x1xf32> to vector<4x2048xf32>
      %sub3A_62 = arith.subf %get3A_8, %sub3A_61 : vector<4x2048xf32>
      %sub3A_63 = vector.broadcast %broadcast_in_dim3A_59 : vector<4x1xf32> to vector<4x2048xf32>
      %sub3A_64 = arith.subf %get3A_13, %sub3A_63 : vector<4x2048xf32>
      %mul3A_65 = arith.mulf %sub3A_60, %sub3A_60 : vector<4x2048xf32>
      %mul3A_66 = arith.mulf %sub3A_62, %sub3A_62 : vector<4x2048xf32>
      %add3A_67 = arith.addf %mul3A_65, %mul3A_66 : vector<4x2048xf32>
      %mul3A_68 = arith.mulf %sub3A_64, %sub3A_64 : vector<4x2048xf32>
      %add3A_69 = arith.addf %add3A_67, %mul3A_68 : vector<4x2048xf32>
      %min3A = arith.minimumf %scan3A_36, %add3A_69 : vector<4x2048xf32>
      %reduce_max3A = arith.constant dense<0xFF800000> : vector<4xf32>
      %reduce_max3A_70 = vector.multi_reduction <maximumf>, %min3A, %reduce_max3A [1] : vector<4x2048xf32> to vector<4xf32>
      %broadcast_in_dim3A_71 = vector.shape_cast %reduce_max3A_70 : vector<4xf32> to vector<4x1xf32>
      %eq3A_72 = vector.broadcast %broadcast_in_dim3A_71 : vector<4x1xf32> to vector<4x2048xf32>
      %eq3A_73 = arith.cmpf oeq, %min3A, %eq3A_72 : vector<4x2048xf32>
      %jit3A_74 = arith.constant 2048 : i32
      %broadcast_in_dim3A_75 = vector.broadcast %jit3A_74 : i32 to vector<4x2048xi32>
      %select_n3A_76 = arith.select %eq3A_73, %get3A_16, %broadcast_in_dim3A_75 : vector<4x2048xi1>, vector<4x2048xi32>
      %reduce_min3A = arith.constant dense<2147483647> : vector<4xi32>
      %reduce_min3A_77 = vector.multi_reduction <minsi>, %select_n3A_76, %reduce_min3A [1] : vector<4x2048xi32> to vector<4xi32>
      %broadcast_in_dim3A_78 = vector.shape_cast %reduce_min3A_77 : vector<4xi32> to vector<4x1xi32>
      scf.yield %min3A, %broadcast_in_dim3A_78, %select_n3A : vector<4x2048xf32>, vector<4x1xi32>, vector<4x512xi32>
    }
    %scan3A_32 = arith.constant 512 : i32
    %swap3A = arith.constant 0 : index
    %swap3A_33 = arith.constant 0 : index
    %swap3A_34 = vector.load %arg3[%swap3A, %swap3A_33] : memref<4x512xi32, #tpu.memory_space<vmem>>, vector<4x512xi32>
    tpu.vector_store %arg3[%swap3A, %swap3A_33], %scan3A_31#2 {strides = array<i32>} : memref<4x512xi32, #tpu.memory_space<vmem>>, vector<4x512xi32>,
    return
  }
}

module attributes {stable_mosaic.version = 14 : i64} {
  func.func @_knn_body(%arg0: i32, %arg1: i32, %arg2: memref<1x3x2048xf32, #tpu.memory_space<vmem>>, %arg3: memref<1x128x1xi32, #tpu.memory_space<vmem>>, %arg4: memref<128x2048xi32, #tpu.memory_space<vmem>>, %arg5: memref<1x128x24xi32, #tpu.memory_space<vmem>>, %arg6: memref<1x128x3xf32, #tpu.memory_space<vmem>>) attributes {dimension_semantics = [#tpu.dimension_semantics<arbitrary>, #tpu.dimension_semantics<arbitrary>], iteration_bounds = array<i64: 4, 4>, scalar_prefetch = 0 : i64, scratch_operands = 0 : i64, tpu.core_type = #tpu.core_type<tc>, window_params = [{transform_indices = @transform_0, window_bounds = array<i64: 1, 3, 2048>}, {transform_indices = @transform_1, window_bounds = array<i64: 1, 128, 1>}, {pipeline_mode = #tpu.pipeline_mode<synchronous>, transform_indices = @transform_2, window_bounds = array<i64: 128, 2048>}, {transform_indices = @transform_3, window_bounds = array<i64: 1, 128, 24>}, {transform_indices = @transform_4, window_bounds = array<i64: 1, 128, 3>}]} {
    %get3A = arith.constant 0 : index
    %get3A_0 = arith.constant 0 : index
    %get3A_1 = arith.constant 0 : index
    %get3A_2 = vector.load %arg2[%get3A, %get3A_0, %get3A_1] : memref<1x3x2048xf32, #tpu.memory_space<vmem>>, vector<1x1x2048xf32>
    %get3A_3 = vector.shape_cast %get3A_2 : vector<1x1x2048xf32> to vector<1x2048xf32>
    %get3A_4 = arith.constant 0 : index
    %get3A_5 = arith.constant 1 : index
    %get3A_6 = arith.constant 0 : index
    %get3A_7 = vector.load %arg2[%get3A_4, %get3A_5, %get3A_6] : memref<1x3x2048xf32, #tpu.memory_space<vmem>>, vector<1x1x2048xf32>
    %get3A_8 = vector.shape_cast %get3A_7 : vector<1x1x2048xf32> to vector<1x2048xf32>
    %get3A_9 = arith.constant 0 : index
    %get3A_10 = arith.constant 2 : index
    %get3A_11 = arith.constant 0 : index
    %get3A_12 = vector.load %arg2[%get3A_9, %get3A_10, %get3A_11] : memref<1x3x2048xf32, #tpu.memory_space<vmem>>, vector<1x1x2048xf32>
    %get3A_13 = vector.shape_cast %get3A_12 : vector<1x1x2048xf32> to vector<1x2048xf32>
    %get3A_14 = arith.constant 0 : index
    %get3A_15 = arith.constant 0 : index
    %get3A_16 = arith.constant 0 : index
    %get3A_17 = vector.load %arg3[%get3A_14, %get3A_15, %get3A_16] : memref<1x128x1xi32, #tpu.memory_space<vmem>>, vector<1x128x1xi32>
    %get3A_18 = vector.shape_cast %get3A_17 : vector<1x128x1xi32> to vector<128x1xi32>
    %get3A_19 = arith.constant 0 : index
    %get3A_20 = arith.constant 0 : index
    %get3A_21 = vector.load %arg4[%get3A_19, %get3A_20] : memref<128x2048xi32, #tpu.memory_space<vmem>>, vector<128x2048xi32>
    %eq3A = vector.broadcast %get3A_18 : vector<128x1xi32> to vector<128x2048xi32>
    %eq3A_22 = arith.cmpi eq, %get3A_21, %eq3A : vector<128x2048xi32>
    %jit3A = arith.constant 0.000000e+00 : f32
    %broadcast_in_dim3A = vector.shape_cast %get3A_3 : vector<1x2048xf32> to vector<1x2048xf32>
    %broadcast_in_dim3A_23 = vector.broadcast %broadcast_in_dim3A : vector<1x2048xf32> to vector<128x2048xf32>
    %broadcast_in_dim3A_24 = vector.broadcast %jit3A : f32 to vector<128x2048xf32>
    %select_n3A = arith.select %eq3A_22, %broadcast_in_dim3A_23, %broadcast_in_dim3A_24 : vector<128x2048xi1>, vector<128x2048xf32>
    %reduce_sum3A = arith.constant dense<0.000000e+00> : vector<128xf32>
    %reduce_sum3A_25 = vector.multi_reduction <add>, %select_n3A, %reduce_sum3A [1] : vector<128x2048xf32> to vector<128xf32>
    %broadcast_in_dim3A_26 = vector.shape_cast %reduce_sum3A_25 : vector<128xf32> to vector<128x1xf32>
    %jit3A_27 = arith.constant 0.000000e+00 : f32
    %broadcast_in_dim3A_28 = vector.shape_cast %get3A_8 : vector<1x2048xf32> to vector<1x2048xf32>
    %broadcast_in_dim3A_29 = vector.broadcast %broadcast_in_dim3A_28 : vector<1x2048xf32> to vector<128x2048xf32>
    %broadcast_in_dim3A_30 = vector.broadcast %jit3A_27 : f32 to vector<128x2048xf32>
    %select_n3A_31 = arith.select %eq3A_22, %broadcast_in_dim3A_29, %broadcast_in_dim3A_30 : vector<128x2048xi1>, vector<128x2048xf32>
    %reduce_sum3A_32 = arith.constant dense<0.000000e+00> : vector<128xf32>
    %reduce_sum3A_33 = vector.multi_reduction <add>, %select_n3A_31, %reduce_sum3A_32 [1] : vector<128x2048xf32> to vector<128xf32>
    %broadcast_in_dim3A_34 = vector.shape_cast %reduce_sum3A_33 : vector<128xf32> to vector<128x1xf32>
    %jit3A_35 = arith.constant 0.000000e+00 : f32
    %broadcast_in_dim3A_36 = vector.shape_cast %get3A_13 : vector<1x2048xf32> to vector<1x2048xf32>
    %broadcast_in_dim3A_37 = vector.broadcast %broadcast_in_dim3A_36 : vector<1x2048xf32> to vector<128x2048xf32>
    %broadcast_in_dim3A_38 = vector.broadcast %jit3A_35 : f32 to vector<128x2048xf32>
    %select_n3A_39 = arith.select %eq3A_22, %broadcast_in_dim3A_37, %broadcast_in_dim3A_38 : vector<128x2048xi1>, vector<128x2048xf32>
    %reduce_sum3A_40 = arith.constant dense<0.000000e+00> : vector<128xf32>
    %reduce_sum3A_41 = vector.multi_reduction <add>, %select_n3A_39, %reduce_sum3A_40 [1] : vector<128x2048xf32> to vector<128xf32>
    %broadcast_in_dim3A_42 = vector.shape_cast %reduce_sum3A_41 : vector<128xf32> to vector<128x1xf32>
    %concatenate3A = tpu.concatenate %broadcast_in_dim3A_26, %broadcast_in_dim3A_34, %broadcast_in_dim3A_42 in 1 : vector<128x1xf32>, vector<128x1xf32>, vector<128x1xf32> -> vector<128x3xf32>
    %swap3A = arith.constant 0 : index
    %swap3A_43 = arith.constant 0 : index
    %swap3A_44 = arith.constant 0 : index
    %swap3A_45 = vector.load %arg6[%swap3A, %swap3A_43, %swap3A_44] : memref<1x128x3xf32, #tpu.memory_space<vmem>>, vector<1x128x3xf32>
    %swap3A_46 = vector.shape_cast %swap3A_45 : vector<1x128x3xf32> to vector<128x3xf32>
    %swap3A_47 = vector.shape_cast %concatenate3A : vector<128x3xf32> to vector<1x128x3xf32>
    tpu.vector_store %arg6[%swap3A, %swap3A_43, %swap3A_44], %swap3A_47 {strides = array<i32>} : memref<1x128x3xf32, #tpu.memory_space<vmem>>, vector<1x128x3xf32>,
    %sub3A = vector.broadcast %broadcast_in_dim3A_26 : vector<128x1xf32> to vector<128x2048xf32>
    %sub3A_48 = vector.broadcast %get3A_3 : vector<1x2048xf32> to vector<128x2048xf32>
    %sub3A_49 = arith.subf %sub3A, %sub3A_48 : vector<128x2048xf32>
    %sub3A_50 = vector.broadcast %broadcast_in_dim3A_34 : vector<128x1xf32> to vector<128x2048xf32>
    %sub3A_51 = vector.broadcast %get3A_8 : vector<1x2048xf32> to vector<128x2048xf32>
    %sub3A_52 = arith.subf %sub3A_50, %sub3A_51 : vector<128x2048xf32>
    %sub3A_53 = vector.broadcast %broadcast_in_dim3A_42 : vector<128x1xf32> to vector<128x2048xf32>
    %sub3A_54 = vector.broadcast %get3A_13 : vector<1x2048xf32> to vector<128x2048xf32>
    %sub3A_55 = arith.subf %sub3A_53, %sub3A_54 : vector<128x2048xf32>
    %mul3A = arith.mulf %sub3A_49, %sub3A_49 : vector<128x2048xf32>
    %mul3A_56 = arith.mulf %sub3A_52, %sub3A_52 : vector<128x2048xf32>
    %add3A = arith.addf %mul3A, %mul3A_56 : vector<128x2048xf32>
    %mul3A_57 = arith.mulf %sub3A_55, %sub3A_55 : vector<128x2048xf32>
    %add3A_58 = arith.addf %add3A, %mul3A_57 : vector<128x2048xf32>
    %reduce_min3A = arith.constant dense<0x7F800000> : vector<128xf32>
    %reduce_min3A_59 = vector.multi_reduction <minimumf>, %add3A_58, %reduce_min3A [1] : vector<128x2048xf32> to vector<128xf32>
    %broadcast_in_dim3A_60 = vector.shape_cast %reduce_min3A_59 : vector<128xf32> to vector<128x1xf32>
    %eq3A_61 = vector.broadcast %broadcast_in_dim3A_60 : vector<128x1xf32> to vector<128x2048xf32>
    %eq3A_62 = arith.cmpf oeq, %add3A_58, %eq3A_61 : vector<128x2048xf32>
    %jit3A_63 = arith.constant 2048 : i32
    %broadcast_in_dim3A_64 = vector.broadcast %jit3A_63 : i32 to vector<128x2048xi32>
    %select_n3A_65 = arith.select %eq3A_62, %get3A_21, %broadcast_in_dim3A_64 : vector<128x2048xi1>, vector<128x2048xi32>
    %reduce_min3A_66 = arith.constant dense<2147483647> : vector<128xi32>
    %reduce_min3A_67 = vector.multi_reduction <minsi>, %select_n3A_65, %reduce_min3A_66 [1] : vector<128x2048xi32> to vector<128xi32>
    %broadcast_in_dim3A_68 = vector.shape_cast %reduce_min3A_67 : vector<128xi32> to vector<128x1xi32>
    %eq3A_69 = vector.broadcast %broadcast_in_dim3A_68 : vector<128x1xi32> to vector<128x2048xi32>
    %eq3A_70 = arith.cmpi eq, %get3A_21, %eq3A_69 : vector<128x2048xi32>
    %jit3A_71 = arith.constant 3.000000e+38 : f32
    %broadcast_in_dim3A_72 = vector.broadcast %jit3A_71 : f32 to vector<128x2048xf32>
    %select_n3A_73 = arith.select %eq3A_70, %broadcast_in_dim3A_72, %add3A_58 : vector<128x2048xi1>, vector<128x2048xf32>
    %reduce_min3A_74 = arith.constant dense<0x7F800000> : vector<128xf32>
    %reduce_min3A_75 = vector.multi_reduction <minimumf>, %select_n3A_73, %reduce_min3A_74 [1] : vector<128x2048xf32> to vector<128xf32>
    %broadcast_in_dim3A_76 = vector.shape_cast %reduce_min3A_75 : vector<128xf32> to vector<128x1xf32>
    %eq3A_77 = vector.broadcast %broadcast_in_dim3A_76 : vector<128x1xf32> to vector<128x2048xf32>
    %eq3A_78 = arith.cmpf oeq, %select_n3A_73, %eq3A_77 : vector<128x2048xf32>
    %jit3A_79 = arith.constant 2048 : i32
    %broadcast_in_dim3A_80 = vector.broadcast %jit3A_79 : i32 to vector<128x2048xi32>
    %select_n3A_81 = arith.select %eq3A_78, %get3A_21, %broadcast_in_dim3A_80 : vector<128x2048xi1>, vector<128x2048xi32>
    %reduce_min3A_82 = arith.constant dense<2147483647> : vector<128xi32>
    %reduce_min3A_83 = vector.multi_reduction <minsi>, %select_n3A_81, %reduce_min3A_82 [1] : vector<128x2048xi32> to vector<128xi32>
    %broadcast_in_dim3A_84 = vector.shape_cast %reduce_min3A_83 : vector<128xi32> to vector<128x1xi32>
    %eq3A_85 = vector.broadcast %broadcast_in_dim3A_84 : vector<128x1xi32> to vector<128x2048xi32>
    %eq3A_86 = arith.cmpi eq, %get3A_21, %eq3A_85 : vector<128x2048xi32>
    %jit3A_87 = arith.constant 3.000000e+38 : f32
    %broadcast_in_dim3A_88 = vector.broadcast %jit3A_87 : f32 to vector<128x2048xf32>
    %select_n3A_89 = arith.select %eq3A_86, %broadcast_in_dim3A_88, %select_n3A_73 : vector<128x2048xi1>, vector<128x2048xf32>
    %reduce_min3A_90 = arith.constant dense<0x7F800000> : vector<128xf32>
    %reduce_min3A_91 = vector.multi_reduction <minimumf>, %select_n3A_89, %reduce_min3A_90 [1] : vector<128x2048xf32> to vector<128xf32>
    %broadcast_in_dim3A_92 = vector.shape_cast %reduce_min3A_91 : vector<128xf32> to vector<128x1xf32>
    %eq3A_93 = vector.broadcast %broadcast_in_dim3A_92 : vector<128x1xf32> to vector<128x2048xf32>
    %eq3A_94 = arith.cmpf oeq, %select_n3A_89, %eq3A_93 : vector<128x2048xf32>
    %jit3A_95 = arith.constant 2048 : i32
    %broadcast_in_dim3A_96 = vector.broadcast %jit3A_95 : i32 to vector<128x2048xi32>
    %select_n3A_97 = arith.select %eq3A_94, %get3A_21, %broadcast_in_dim3A_96 : vector<128x2048xi1>, vector<128x2048xi32>
    %reduce_min3A_98 = arith.constant dense<2147483647> : vector<128xi32>
    %reduce_min3A_99 = vector.multi_reduction <minsi>, %select_n3A_97, %reduce_min3A_98 [1] : vector<128x2048xi32> to vector<128xi32>
    %broadcast_in_dim3A_100 = vector.shape_cast %reduce_min3A_99 : vector<128xi32> to vector<128x1xi32>
    %eq3A_101 = vector.broadcast %broadcast_in_dim3A_100 : vector<128x1xi32> to vector<128x2048xi32>
    %eq3A_102 = arith.cmpi eq, %get3A_21, %eq3A_101 : vector<128x2048xi32>
    %jit3A_103 = arith.constant 3.000000e+38 : f32
    %broadcast_in_dim3A_104 = vector.broadcast %jit3A_103 : f32 to vector<128x2048xf32>
    %select_n3A_105 = arith.select %eq3A_102, %broadcast_in_dim3A_104, %select_n3A_89 : vector<128x2048xi1>, vector<128x2048xf32>
    %reduce_min3A_106 = arith.constant dense<0x7F800000> : vector<128xf32>
    %reduce_min3A_107 = vector.multi_reduction <minimumf>, %select_n3A_105, %reduce_min3A_106 [1] : vector<128x2048xf32> to vector<128xf32>
    %broadcast_in_dim3A_108 = vector.shape_cast %reduce_min3A_107 : vector<128xf32> to vector<128x1xf32>
    %eq3A_109 = vector.broadcast %broadcast_in_dim3A_108 : vector<128x1xf32> to vector<128x2048xf32>
    %eq3A_110 = arith.cmpf oeq, %select_n3A_105, %eq3A_109 : vector<128x2048xf32>
    %jit3A_111 = arith.constant 2048 : i32
    %broadcast_in_dim3A_112 = vector.broadcast %jit3A_111 : i32 to vector<128x2048xi32>
    %select_n3A_113 = arith.select %eq3A_110, %get3A_21, %broadcast_in_dim3A_112 : vector<128x2048xi1>, vector<128x2048xi32>
    %reduce_min3A_114 = arith.constant dense<2147483647> : vector<128xi32>
    %reduce_min3A_115 = vector.multi_reduction <minsi>, %select_n3A_113, %reduce_min3A_114 [1] : vector<128x2048xi32> to vector<128xi32>
    %broadcast_in_dim3A_116 = vector.shape_cast %reduce_min3A_115 : vector<128xi32> to vector<128x1xi32>
    %eq3A_117 = vector.broadcast %broadcast_in_dim3A_116 : vector<128x1xi32> to vector<128x2048xi32>
    %eq3A_118 = arith.cmpi eq, %get3A_21, %eq3A_117 : vector<128x2048xi32>
    %jit3A_119 = arith.constant 3.000000e+38 : f32
    %broadcast_in_dim3A_120 = vector.broadcast %jit3A_119 : f32 to vector<128x2048xf32>
    %select_n3A_121 = arith.select %eq3A_118, %broadcast_in_dim3A_120, %select_n3A_105 : vector<128x2048xi1>, vector<128x2048xf32>
    %reduce_min3A_122 = arith.constant dense<0x7F800000> : vector<128xf32>
    %reduce_min3A_123 = vector.multi_reduction <minimumf>, %select_n3A_121, %reduce_min3A_122 [1] : vector<128x2048xf32> to vector<128xf32>
    %broadcast_in_dim3A_124 = vector.shape_cast %reduce_min3A_123 : vector<128xf32> to vector<128x1xf32>
    %eq3A_125 = vector.broadcast %broadcast_in_dim3A_124 : vector<128x1xf32> to vector<128x2048xf32>
    %eq3A_126 = arith.cmpf oeq, %select_n3A_121, %eq3A_125 : vector<128x2048xf32>
    %jit3A_127 = arith.constant 2048 : i32
    %broadcast_in_dim3A_128 = vector.broadcast %jit3A_127 : i32 to vector<128x2048xi32>
    %select_n3A_129 = arith.select %eq3A_126, %get3A_21, %broadcast_in_dim3A_128 : vector<128x2048xi1>, vector<128x2048xi32>
    %reduce_min3A_130 = arith.constant dense<2147483647> : vector<128xi32>
    %reduce_min3A_131 = vector.multi_reduction <minsi>, %select_n3A_129, %reduce_min3A_130 [1] : vector<128x2048xi32> to vector<128xi32>
    %broadcast_in_dim3A_132 = vector.shape_cast %reduce_min3A_131 : vector<128xi32> to vector<128x1xi32>
    %eq3A_133 = vector.broadcast %broadcast_in_dim3A_132 : vector<128x1xi32> to vector<128x2048xi32>
    %eq3A_134 = arith.cmpi eq, %get3A_21, %eq3A_133 : vector<128x2048xi32>
    %jit3A_135 = arith.constant 3.000000e+38 : f32
    %broadcast_in_dim3A_136 = vector.broadcast %jit3A_135 : f32 to vector<128x2048xf32>
    %select_n3A_137 = arith.select %eq3A_134, %broadcast_in_dim3A_136, %select_n3A_121 : vector<128x2048xi1>, vector<128x2048xf32>
    %reduce_min3A_138 = arith.constant dense<0x7F800000> : vector<128xf32>
    %reduce_min3A_139 = vector.multi_reduction <minimumf>, %select_n3A_137, %reduce_min3A_138 [1] : vector<128x2048xf32> to vector<128xf32>
    %broadcast_in_dim3A_140 = vector.shape_cast %reduce_min3A_139 : vector<128xf32> to vector<128x1xf32>
    %eq3A_141 = vector.broadcast %broadcast_in_dim3A_140 : vector<128x1xf32> to vector<128x2048xf32>
    %eq3A_142 = arith.cmpf oeq, %select_n3A_137, %eq3A_141 : vector<128x2048xf32>
    %jit3A_143 = arith.constant 2048 : i32
    %broadcast_in_dim3A_144 = vector.broadcast %jit3A_143 : i32 to vector<128x2048xi32>
    %select_n3A_145 = arith.select %eq3A_142, %get3A_21, %broadcast_in_dim3A_144 : vector<128x2048xi1>, vector<128x2048xi32>
    %reduce_min3A_146 = arith.constant dense<2147483647> : vector<128xi32>
    %reduce_min3A_147 = vector.multi_reduction <minsi>, %select_n3A_145, %reduce_min3A_146 [1] : vector<128x2048xi32> to vector<128xi32>
    %broadcast_in_dim3A_148 = vector.shape_cast %reduce_min3A_147 : vector<128xi32> to vector<128x1xi32>
    %eq3A_149 = vector.broadcast %broadcast_in_dim3A_148 : vector<128x1xi32> to vector<128x2048xi32>
    %eq3A_150 = arith.cmpi eq, %get3A_21, %eq3A_149 : vector<128x2048xi32>
    %jit3A_151 = arith.constant 3.000000e+38 : f32
    %broadcast_in_dim3A_152 = vector.broadcast %jit3A_151 : f32 to vector<128x2048xf32>
    %select_n3A_153 = arith.select %eq3A_150, %broadcast_in_dim3A_152, %select_n3A_137 : vector<128x2048xi1>, vector<128x2048xf32>
    %reduce_min3A_154 = arith.constant dense<0x7F800000> : vector<128xf32>
    %reduce_min3A_155 = vector.multi_reduction <minimumf>, %select_n3A_153, %reduce_min3A_154 [1] : vector<128x2048xf32> to vector<128xf32>
    %broadcast_in_dim3A_156 = vector.shape_cast %reduce_min3A_155 : vector<128xf32> to vector<128x1xf32>
    %eq3A_157 = vector.broadcast %broadcast_in_dim3A_156 : vector<128x1xf32> to vector<128x2048xf32>
    %eq3A_158 = arith.cmpf oeq, %select_n3A_153, %eq3A_157 : vector<128x2048xf32>
    %jit3A_159 = arith.constant 2048 : i32
    %broadcast_in_dim3A_160 = vector.broadcast %jit3A_159 : i32 to vector<128x2048xi32>
    %select_n3A_161 = arith.select %eq3A_158, %get3A_21, %broadcast_in_dim3A_160 : vector<128x2048xi1>, vector<128x2048xi32>
    %reduce_min3A_162 = arith.constant dense<2147483647> : vector<128xi32>
    %reduce_min3A_163 = vector.multi_reduction <minsi>, %select_n3A_161, %reduce_min3A_162 [1] : vector<128x2048xi32> to vector<128xi32>
    %broadcast_in_dim3A_164 = vector.shape_cast %reduce_min3A_163 : vector<128xi32> to vector<128x1xi32>
    %eq3A_165 = vector.broadcast %broadcast_in_dim3A_164 : vector<128x1xi32> to vector<128x2048xi32>
    %eq3A_166 = arith.cmpi eq, %get3A_21, %eq3A_165 : vector<128x2048xi32>
    %jit3A_167 = arith.constant 3.000000e+38 : f32
    %broadcast_in_dim3A_168 = vector.broadcast %jit3A_167 : f32 to vector<128x2048xf32>
    %select_n3A_169 = arith.select %eq3A_166, %broadcast_in_dim3A_168, %select_n3A_153 : vector<128x2048xi1>, vector<128x2048xf32>
    %reduce_min3A_170 = arith.constant dense<0x7F800000> : vector<128xf32>
    %reduce_min3A_171 = vector.multi_reduction <minimumf>, %select_n3A_169, %reduce_min3A_170 [1] : vector<128x2048xf32> to vector<128xf32>
    %broadcast_in_dim3A_172 = vector.shape_cast %reduce_min3A_171 : vector<128xf32> to vector<128x1xf32>
    %eq3A_173 = vector.broadcast %broadcast_in_dim3A_172 : vector<128x1xf32> to vector<128x2048xf32>
    %eq3A_174 = arith.cmpf oeq, %select_n3A_169, %eq3A_173 : vector<128x2048xf32>
    %jit3A_175 = arith.constant 2048 : i32
    %broadcast_in_dim3A_176 = vector.broadcast %jit3A_175 : i32 to vector<128x2048xi32>
    %select_n3A_177 = arith.select %eq3A_174, %get3A_21, %broadcast_in_dim3A_176 : vector<128x2048xi1>, vector<128x2048xi32>
    %reduce_min3A_178 = arith.constant dense<2147483647> : vector<128xi32>
    %reduce_min3A_179 = vector.multi_reduction <minsi>, %select_n3A_177, %reduce_min3A_178 [1] : vector<128x2048xi32> to vector<128xi32>
    %broadcast_in_dim3A_180 = vector.shape_cast %reduce_min3A_179 : vector<128xi32> to vector<128x1xi32>
    %eq3A_181 = vector.broadcast %broadcast_in_dim3A_180 : vector<128x1xi32> to vector<128x2048xi32>
    %eq3A_182 = arith.cmpi eq, %get3A_21, %eq3A_181 : vector<128x2048xi32>
    %jit3A_183 = arith.constant 3.000000e+38 : f32
    %broadcast_in_dim3A_184 = vector.broadcast %jit3A_183 : f32 to vector<128x2048xf32>
    %select_n3A_185 = arith.select %eq3A_182, %broadcast_in_dim3A_184, %select_n3A_169 : vector<128x2048xi1>, vector<128x2048xf32>
    %reduce_min3A_186 = arith.constant dense<0x7F800000> : vector<128xf32>
    %reduce_min3A_187 = vector.multi_reduction <minimumf>, %select_n3A_185, %reduce_min3A_186 [1] : vector<128x2048xf32> to vector<128xf32>
    %broadcast_in_dim3A_188 = vector.shape_cast %reduce_min3A_187 : vector<128xf32> to vector<128x1xf32>
    %eq3A_189 = vector.broadcast %broadcast_in_dim3A_188 : vector<128x1xf32> to vector<128x2048xf32>
    %eq3A_190 = arith.cmpf oeq, %select_n3A_185, %eq3A_189 : vector<128x2048xf32>
    %jit3A_191 = arith.constant 2048 : i32
    %broadcast_in_dim3A_192 = vector.broadcast %jit3A_191 : i32 to vector<128x2048xi32>
    %select_n3A_193 = arith.select %eq3A_190, %get3A_21, %broadcast_in_dim3A_192 : vector<128x2048xi1>, vector<128x2048xi32>
    %reduce_min3A_194 = arith.constant dense<2147483647> : vector<128xi32>
    %reduce_min3A_195 = vector.multi_reduction <minsi>, %select_n3A_193, %reduce_min3A_194 [1] : vector<128x2048xi32> to vector<128xi32>
    %broadcast_in_dim3A_196 = vector.shape_cast %reduce_min3A_195 : vector<128xi32> to vector<128x1xi32>
    %eq3A_197 = vector.broadcast %broadcast_in_dim3A_196 : vector<128x1xi32> to vector<128x2048xi32>
    %eq3A_198 = arith.cmpi eq, %get3A_21, %eq3A_197 : vector<128x2048xi32>
    %jit3A_199 = arith.constant 3.000000e+38 : f32
    %broadcast_in_dim3A_200 = vector.broadcast %jit3A_199 : f32 to vector<128x2048xf32>
    %select_n3A_201 = arith.select %eq3A_198, %broadcast_in_dim3A_200, %select_n3A_185 : vector<128x2048xi1>, vector<128x2048xf32>
    %reduce_min3A_202 = arith.constant dense<0x7F800000> : vector<128xf32>
    %reduce_min3A_203 = vector.multi_reduction <minimumf>, %select_n3A_201, %reduce_min3A_202 [1] : vector<128x2048xf32> to vector<128xf32>
    %broadcast_in_dim3A_204 = vector.shape_cast %reduce_min3A_203 : vector<128xf32> to vector<128x1xf32>
    %eq3A_205 = vector.broadcast %broadcast_in_dim3A_204 : vector<128x1xf32> to vector<128x2048xf32>
    %eq3A_206 = arith.cmpf oeq, %select_n3A_201, %eq3A_205 : vector<128x2048xf32>
    %jit3A_207 = arith.constant 2048 : i32
    %broadcast_in_dim3A_208 = vector.broadcast %jit3A_207 : i32 to vector<128x2048xi32>
    %select_n3A_209 = arith.select %eq3A_206, %get3A_21, %broadcast_in_dim3A_208 : vector<128x2048xi1>, vector<128x2048xi32>
    %reduce_min3A_210 = arith.constant dense<2147483647> : vector<128xi32>
    %reduce_min3A_211 = vector.multi_reduction <minsi>, %select_n3A_209, %reduce_min3A_210 [1] : vector<128x2048xi32> to vector<128xi32>
    %broadcast_in_dim3A_212 = vector.shape_cast %reduce_min3A_211 : vector<128xi32> to vector<128x1xi32>
    %eq3A_213 = vector.broadcast %broadcast_in_dim3A_212 : vector<128x1xi32> to vector<128x2048xi32>
    %eq3A_214 = arith.cmpi eq, %get3A_21, %eq3A_213 : vector<128x2048xi32>
    %jit3A_215 = arith.constant 3.000000e+38 : f32
    %broadcast_in_dim3A_216 = vector.broadcast %jit3A_215 : f32 to vector<128x2048xf32>
    %select_n3A_217 = arith.select %eq3A_214, %broadcast_in_dim3A_216, %select_n3A_201 : vector<128x2048xi1>, vector<128x2048xf32>
    %reduce_min3A_218 = arith.constant dense<0x7F800000> : vector<128xf32>
    %reduce_min3A_219 = vector.multi_reduction <minimumf>, %select_n3A_217, %reduce_min3A_218 [1] : vector<128x2048xf32> to vector<128xf32>
    %broadcast_in_dim3A_220 = vector.shape_cast %reduce_min3A_219 : vector<128xf32> to vector<128x1xf32>
    %eq3A_221 = vector.broadcast %broadcast_in_dim3A_220 : vector<128x1xf32> to vector<128x2048xf32>
    %eq3A_222 = arith.cmpf oeq, %select_n3A_217, %eq3A_221 : vector<128x2048xf32>
    %jit3A_223 = arith.constant 2048 : i32
    %broadcast_in_dim3A_224 = vector.broadcast %jit3A_223 : i32 to vector<128x2048xi32>
    %select_n3A_225 = arith.select %eq3A_222, %get3A_21, %broadcast_in_dim3A_224 : vector<128x2048xi1>, vector<128x2048xi32>
    %reduce_min3A_226 = arith.constant dense<2147483647> : vector<128xi32>
    %reduce_min3A_227 = vector.multi_reduction <minsi>, %select_n3A_225, %reduce_min3A_226 [1] : vector<128x2048xi32> to vector<128xi32>
    %broadcast_in_dim3A_228 = vector.shape_cast %reduce_min3A_227 : vector<128xi32> to vector<128x1xi32>
    %eq3A_229 = vector.broadcast %broadcast_in_dim3A_228 : vector<128x1xi32> to vector<128x2048xi32>
    %eq3A_230 = arith.cmpi eq, %get3A_21, %eq3A_229 : vector<128x2048xi32>
    %jit3A_231 = arith.constant 3.000000e+38 : f32
    %broadcast_in_dim3A_232 = vector.broadcast %jit3A_231 : f32 to vector<128x2048xf32>
    %select_n3A_233 = arith.select %eq3A_230, %broadcast_in_dim3A_232, %select_n3A_217 : vector<128x2048xi1>, vector<128x2048xf32>
    %reduce_min3A_234 = arith.constant dense<0x7F800000> : vector<128xf32>
    %reduce_min3A_235 = vector.multi_reduction <minimumf>, %select_n3A_233, %reduce_min3A_234 [1] : vector<128x2048xf32> to vector<128xf32>
    %broadcast_in_dim3A_236 = vector.shape_cast %reduce_min3A_235 : vector<128xf32> to vector<128x1xf32>
    %eq3A_237 = vector.broadcast %broadcast_in_dim3A_236 : vector<128x1xf32> to vector<128x2048xf32>
    %eq3A_238 = arith.cmpf oeq, %select_n3A_233, %eq3A_237 : vector<128x2048xf32>
    %jit3A_239 = arith.constant 2048 : i32
    %broadcast_in_dim3A_240 = vector.broadcast %jit3A_239 : i32 to vector<128x2048xi32>
    %select_n3A_241 = arith.select %eq3A_238, %get3A_21, %broadcast_in_dim3A_240 : vector<128x2048xi1>, vector<128x2048xi32>
    %reduce_min3A_242 = arith.constant dense<2147483647> : vector<128xi32>
    %reduce_min3A_243 = vector.multi_reduction <minsi>, %select_n3A_241, %reduce_min3A_242 [1] : vector<128x2048xi32> to vector<128xi32>
    %broadcast_in_dim3A_244 = vector.shape_cast %reduce_min3A_243 : vector<128xi32> to vector<128x1xi32>
    %eq3A_245 = vector.broadcast %broadcast_in_dim3A_244 : vector<128x1xi32> to vector<128x2048xi32>
    %eq3A_246 = arith.cmpi eq, %get3A_21, %eq3A_245 : vector<128x2048xi32>
    %jit3A_247 = arith.constant 3.000000e+38 : f32
    %broadcast_in_dim3A_248 = vector.broadcast %jit3A_247 : f32 to vector<128x2048xf32>
    %select_n3A_249 = arith.select %eq3A_246, %broadcast_in_dim3A_248, %select_n3A_233 : vector<128x2048xi1>, vector<128x2048xf32>
    %reduce_min3A_250 = arith.constant dense<0x7F800000> : vector<128xf32>
    %reduce_min3A_251 = vector.multi_reduction <minimumf>, %select_n3A_249, %reduce_min3A_250 [1] : vector<128x2048xf32> to vector<128xf32>
    %broadcast_in_dim3A_252 = vector.shape_cast %reduce_min3A_251 : vector<128xf32> to vector<128x1xf32>
    %eq3A_253 = vector.broadcast %broadcast_in_dim3A_252 : vector<128x1xf32> to vector<128x2048xf32>
    %eq3A_254 = arith.cmpf oeq, %select_n3A_249, %eq3A_253 : vector<128x2048xf32>
    %jit3A_255 = arith.constant 2048 : i32
    %broadcast_in_dim3A_256 = vector.broadcast %jit3A_255 : i32 to vector<128x2048xi32>
    %select_n3A_257 = arith.select %eq3A_254, %get3A_21, %broadcast_in_dim3A_256 : vector<128x2048xi1>, vector<128x2048xi32>
    %reduce_min3A_258 = arith.constant dense<2147483647> : vector<128xi32>
    %reduce_min3A_259 = vector.multi_reduction <minsi>, %select_n3A_257, %reduce_min3A_258 [1] : vector<128x2048xi32> to vector<128xi32>
    %broadcast_in_dim3A_260 = vector.shape_cast %reduce_min3A_259 : vector<128xi32> to vector<128x1xi32>
    %eq3A_261 = vector.broadcast %broadcast_in_dim3A_260 : vector<128x1xi32> to vector<128x2048xi32>
    %eq3A_262 = arith.cmpi eq, %get3A_21, %eq3A_261 : vector<128x2048xi32>
    %jit3A_263 = arith.constant 3.000000e+38 : f32
    %broadcast_in_dim3A_264 = vector.broadcast %jit3A_263 : f32 to vector<128x2048xf32>
    %select_n3A_265 = arith.select %eq3A_262, %broadcast_in_dim3A_264, %select_n3A_249 : vector<128x2048xi1>, vector<128x2048xf32>
    %reduce_min3A_266 = arith.constant dense<0x7F800000> : vector<128xf32>
    %reduce_min3A_267 = vector.multi_reduction <minimumf>, %select_n3A_265, %reduce_min3A_266 [1] : vector<128x2048xf32> to vector<128xf32>
    %broadcast_in_dim3A_268 = vector.shape_cast %reduce_min3A_267 : vector<128xf32> to vector<128x1xf32>
    %eq3A_269 = vector.broadcast %broadcast_in_dim3A_268 : vector<128x1xf32> to vector<128x2048xf32>
    %eq3A_270 = arith.cmpf oeq, %select_n3A_265, %eq3A_269 : vector<128x2048xf32>
    %jit3A_271 = arith.constant 2048 : i32
    %broadcast_in_dim3A_272 = vector.broadcast %jit3A_271 : i32 to vector<128x2048xi32>
    %select_n3A_273 = arith.select %eq3A_270, %get3A_21, %broadcast_in_dim3A_272 : vector<128x2048xi1>, vector<128x2048xi32>
    %reduce_min3A_274 = arith.constant dense<2147483647> : vector<128xi32>
    %reduce_min3A_275 = vector.multi_reduction <minsi>, %select_n3A_273, %reduce_min3A_274 [1] : vector<128x2048xi32> to vector<128xi32>
    %broadcast_in_dim3A_276 = vector.shape_cast %reduce_min3A_275 : vector<128xi32> to vector<128x1xi32>
    %eq3A_277 = vector.broadcast %broadcast_in_dim3A_276 : vector<128x1xi32> to vector<128x2048xi32>
    %eq3A_278 = arith.cmpi eq, %get3A_21, %eq3A_277 : vector<128x2048xi32>
    %jit3A_279 = arith.constant 3.000000e+38 : f32
    %broadcast_in_dim3A_280 = vector.broadcast %jit3A_279 : f32 to vector<128x2048xf32>
    %select_n3A_281 = arith.select %eq3A_278, %broadcast_in_dim3A_280, %select_n3A_265 : vector<128x2048xi1>, vector<128x2048xf32>
    %reduce_min3A_282 = arith.constant dense<0x7F800000> : vector<128xf32>
    %reduce_min3A_283 = vector.multi_reduction <minimumf>, %select_n3A_281, %reduce_min3A_282 [1] : vector<128x2048xf32> to vector<128xf32>
    %broadcast_in_dim3A_284 = vector.shape_cast %reduce_min3A_283 : vector<128xf32> to vector<128x1xf32>
    %eq3A_285 = vector.broadcast %broadcast_in_dim3A_284 : vector<128x1xf32> to vector<128x2048xf32>
    %eq3A_286 = arith.cmpf oeq, %select_n3A_281, %eq3A_285 : vector<128x2048xf32>
    %jit3A_287 = arith.constant 2048 : i32
    %broadcast_in_dim3A_288 = vector.broadcast %jit3A_287 : i32 to vector<128x2048xi32>
    %select_n3A_289 = arith.select %eq3A_286, %get3A_21, %broadcast_in_dim3A_288 : vector<128x2048xi1>, vector<128x2048xi32>
    %reduce_min3A_290 = arith.constant dense<2147483647> : vector<128xi32>
    %reduce_min3A_291 = vector.multi_reduction <minsi>, %select_n3A_289, %reduce_min3A_290 [1] : vector<128x2048xi32> to vector<128xi32>
    %broadcast_in_dim3A_292 = vector.shape_cast %reduce_min3A_291 : vector<128xi32> to vector<128x1xi32>
    %eq3A_293 = vector.broadcast %broadcast_in_dim3A_292 : vector<128x1xi32> to vector<128x2048xi32>
    %eq3A_294 = arith.cmpi eq, %get3A_21, %eq3A_293 : vector<128x2048xi32>
    %jit3A_295 = arith.constant 3.000000e+38 : f32
    %broadcast_in_dim3A_296 = vector.broadcast %jit3A_295 : f32 to vector<128x2048xf32>
    %select_n3A_297 = arith.select %eq3A_294, %broadcast_in_dim3A_296, %select_n3A_281 : vector<128x2048xi1>, vector<128x2048xf32>
    %reduce_min3A_298 = arith.constant dense<0x7F800000> : vector<128xf32>
    %reduce_min3A_299 = vector.multi_reduction <minimumf>, %select_n3A_297, %reduce_min3A_298 [1] : vector<128x2048xf32> to vector<128xf32>
    %broadcast_in_dim3A_300 = vector.shape_cast %reduce_min3A_299 : vector<128xf32> to vector<128x1xf32>
    %eq3A_301 = vector.broadcast %broadcast_in_dim3A_300 : vector<128x1xf32> to vector<128x2048xf32>
    %eq3A_302 = arith.cmpf oeq, %select_n3A_297, %eq3A_301 : vector<128x2048xf32>
    %jit3A_303 = arith.constant 2048 : i32
    %broadcast_in_dim3A_304 = vector.broadcast %jit3A_303 : i32 to vector<128x2048xi32>
    %select_n3A_305 = arith.select %eq3A_302, %get3A_21, %broadcast_in_dim3A_304 : vector<128x2048xi1>, vector<128x2048xi32>
    %reduce_min3A_306 = arith.constant dense<2147483647> : vector<128xi32>
    %reduce_min3A_307 = vector.multi_reduction <minsi>, %select_n3A_305, %reduce_min3A_306 [1] : vector<128x2048xi32> to vector<128xi32>
    %broadcast_in_dim3A_308 = vector.shape_cast %reduce_min3A_307 : vector<128xi32> to vector<128x1xi32>
    %eq3A_309 = vector.broadcast %broadcast_in_dim3A_308 : vector<128x1xi32> to vector<128x2048xi32>
    %eq3A_310 = arith.cmpi eq, %get3A_21, %eq3A_309 : vector<128x2048xi32>
    %jit3A_311 = arith.constant 3.000000e+38 : f32
    %broadcast_in_dim3A_312 = vector.broadcast %jit3A_311 : f32 to vector<128x2048xf32>
    %select_n3A_313 = arith.select %eq3A_310, %broadcast_in_dim3A_312, %select_n3A_297 : vector<128x2048xi1>, vector<128x2048xf32>
    %reduce_min3A_314 = arith.constant dense<0x7F800000> : vector<128xf32>
    %reduce_min3A_315 = vector.multi_reduction <minimumf>, %select_n3A_313, %reduce_min3A_314 [1] : vector<128x2048xf32> to vector<128xf32>
    %broadcast_in_dim3A_316 = vector.shape_cast %reduce_min3A_315 : vector<128xf32> to vector<128x1xf32>
    %eq3A_317 = vector.broadcast %broadcast_in_dim3A_316 : vector<128x1xf32> to vector<128x2048xf32>
    %eq3A_318 = arith.cmpf oeq, %select_n3A_313, %eq3A_317 : vector<128x2048xf32>
    %jit3A_319 = arith.constant 2048 : i32
    %broadcast_in_dim3A_320 = vector.broadcast %jit3A_319 : i32 to vector<128x2048xi32>
    %select_n3A_321 = arith.select %eq3A_318, %get3A_21, %broadcast_in_dim3A_320 : vector<128x2048xi1>, vector<128x2048xi32>
    %reduce_min3A_322 = arith.constant dense<2147483647> : vector<128xi32>
    %reduce_min3A_323 = vector.multi_reduction <minsi>, %select_n3A_321, %reduce_min3A_322 [1] : vector<128x2048xi32> to vector<128xi32>
    %broadcast_in_dim3A_324 = vector.shape_cast %reduce_min3A_323 : vector<128xi32> to vector<128x1xi32>
    %eq3A_325 = vector.broadcast %broadcast_in_dim3A_324 : vector<128x1xi32> to vector<128x2048xi32>
    %eq3A_326 = arith.cmpi eq, %get3A_21, %eq3A_325 : vector<128x2048xi32>
    %jit3A_327 = arith.constant 3.000000e+38 : f32
    %broadcast_in_dim3A_328 = vector.broadcast %jit3A_327 : f32 to vector<128x2048xf32>
    %select_n3A_329 = arith.select %eq3A_326, %broadcast_in_dim3A_328, %select_n3A_313 : vector<128x2048xi1>, vector<128x2048xf32>
    %reduce_min3A_330 = arith.constant dense<0x7F800000> : vector<128xf32>
    %reduce_min3A_331 = vector.multi_reduction <minimumf>, %select_n3A_329, %reduce_min3A_330 [1] : vector<128x2048xf32> to vector<128xf32>
    %broadcast_in_dim3A_332 = vector.shape_cast %reduce_min3A_331 : vector<128xf32> to vector<128x1xf32>
    %eq3A_333 = vector.broadcast %broadcast_in_dim3A_332 : vector<128x1xf32> to vector<128x2048xf32>
    %eq3A_334 = arith.cmpf oeq, %select_n3A_329, %eq3A_333 : vector<128x2048xf32>
    %jit3A_335 = arith.constant 2048 : i32
    %broadcast_in_dim3A_336 = vector.broadcast %jit3A_335 : i32 to vector<128x2048xi32>
    %select_n3A_337 = arith.select %eq3A_334, %get3A_21, %broadcast_in_dim3A_336 : vector<128x2048xi1>, vector<128x2048xi32>
    %reduce_min3A_338 = arith.constant dense<2147483647> : vector<128xi32>
    %reduce_min3A_339 = vector.multi_reduction <minsi>, %select_n3A_337, %reduce_min3A_338 [1] : vector<128x2048xi32> to vector<128xi32>
    %broadcast_in_dim3A_340 = vector.shape_cast %reduce_min3A_339 : vector<128xi32> to vector<128x1xi32>
    %eq3A_341 = vector.broadcast %broadcast_in_dim3A_340 : vector<128x1xi32> to vector<128x2048xi32>
    %eq3A_342 = arith.cmpi eq, %get3A_21, %eq3A_341 : vector<128x2048xi32>
    %jit3A_343 = arith.constant 3.000000e+38 : f32
    %broadcast_in_dim3A_344 = vector.broadcast %jit3A_343 : f32 to vector<128x2048xf32>
    %select_n3A_345 = arith.select %eq3A_342, %broadcast_in_dim3A_344, %select_n3A_329 : vector<128x2048xi1>, vector<128x2048xf32>
    %reduce_min3A_346 = arith.constant dense<0x7F800000> : vector<128xf32>
    %reduce_min3A_347 = vector.multi_reduction <minimumf>, %select_n3A_345, %reduce_min3A_346 [1] : vector<128x2048xf32> to vector<128xf32>
    %broadcast_in_dim3A_348 = vector.shape_cast %reduce_min3A_347 : vector<128xf32> to vector<128x1xf32>
    %eq3A_349 = vector.broadcast %broadcast_in_dim3A_348 : vector<128x1xf32> to vector<128x2048xf32>
    %eq3A_350 = arith.cmpf oeq, %select_n3A_345, %eq3A_349 : vector<128x2048xf32>
    %jit3A_351 = arith.constant 2048 : i32
    %broadcast_in_dim3A_352 = vector.broadcast %jit3A_351 : i32 to vector<128x2048xi32>
    %select_n3A_353 = arith.select %eq3A_350, %get3A_21, %broadcast_in_dim3A_352 : vector<128x2048xi1>, vector<128x2048xi32>
    %reduce_min3A_354 = arith.constant dense<2147483647> : vector<128xi32>
    %reduce_min3A_355 = vector.multi_reduction <minsi>, %select_n3A_353, %reduce_min3A_354 [1] : vector<128x2048xi32> to vector<128xi32>
    %broadcast_in_dim3A_356 = vector.shape_cast %reduce_min3A_355 : vector<128xi32> to vector<128x1xi32>
    %eq3A_357 = vector.broadcast %broadcast_in_dim3A_356 : vector<128x1xi32> to vector<128x2048xi32>
    %eq3A_358 = arith.cmpi eq, %get3A_21, %eq3A_357 : vector<128x2048xi32>
    %jit3A_359 = arith.constant 3.000000e+38 : f32
    %broadcast_in_dim3A_360 = vector.broadcast %jit3A_359 : f32 to vector<128x2048xf32>
    %select_n3A_361 = arith.select %eq3A_358, %broadcast_in_dim3A_360, %select_n3A_345 : vector<128x2048xi1>, vector<128x2048xf32>
    %reduce_min3A_362 = arith.constant dense<0x7F800000> : vector<128xf32>
    %reduce_min3A_363 = vector.multi_reduction <minimumf>, %select_n3A_361, %reduce_min3A_362 [1] : vector<128x2048xf32> to vector<128xf32>
    %broadcast_in_dim3A_364 = vector.shape_cast %reduce_min3A_363 : vector<128xf32> to vector<128x1xf32>
    %eq3A_365 = vector.broadcast %broadcast_in_dim3A_364 : vector<128x1xf32> to vector<128x2048xf32>
    %eq3A_366 = arith.cmpf oeq, %select_n3A_361, %eq3A_365 : vector<128x2048xf32>
    %jit3A_367 = arith.constant 2048 : i32
    %broadcast_in_dim3A_368 = vector.broadcast %jit3A_367 : i32 to vector<128x2048xi32>
    %select_n3A_369 = arith.select %eq3A_366, %get3A_21, %broadcast_in_dim3A_368 : vector<128x2048xi1>, vector<128x2048xi32>
    %reduce_min3A_370 = arith.constant dense<2147483647> : vector<128xi32>
    %reduce_min3A_371 = vector.multi_reduction <minsi>, %select_n3A_369, %reduce_min3A_370 [1] : vector<128x2048xi32> to vector<128xi32>
    %broadcast_in_dim3A_372 = vector.shape_cast %reduce_min3A_371 : vector<128xi32> to vector<128x1xi32>
    %eq3A_373 = vector.broadcast %broadcast_in_dim3A_372 : vector<128x1xi32> to vector<128x2048xi32>
    %eq3A_374 = arith.cmpi eq, %get3A_21, %eq3A_373 : vector<128x2048xi32>
    %jit3A_375 = arith.constant 3.000000e+38 : f32
    %broadcast_in_dim3A_376 = vector.broadcast %jit3A_375 : f32 to vector<128x2048xf32>
    %select_n3A_377 = arith.select %eq3A_374, %broadcast_in_dim3A_376, %select_n3A_361 : vector<128x2048xi1>, vector<128x2048xf32>
    %reduce_min3A_378 = arith.constant dense<0x7F800000> : vector<128xf32>
    %reduce_min3A_379 = vector.multi_reduction <minimumf>, %select_n3A_377, %reduce_min3A_378 [1] : vector<128x2048xf32> to vector<128xf32>
    %broadcast_in_dim3A_380 = vector.shape_cast %reduce_min3A_379 : vector<128xf32> to vector<128x1xf32>
    %eq3A_381 = vector.broadcast %broadcast_in_dim3A_380 : vector<128x1xf32> to vector<128x2048xf32>
    %eq3A_382 = arith.cmpf oeq, %select_n3A_377, %eq3A_381 : vector<128x2048xf32>
    %jit3A_383 = arith.constant 2048 : i32
    %broadcast_in_dim3A_384 = vector.broadcast %jit3A_383 : i32 to vector<128x2048xi32>
    %select_n3A_385 = arith.select %eq3A_382, %get3A_21, %broadcast_in_dim3A_384 : vector<128x2048xi1>, vector<128x2048xi32>
    %reduce_min3A_386 = arith.constant dense<2147483647> : vector<128xi32>
    %reduce_min3A_387 = vector.multi_reduction <minsi>, %select_n3A_385, %reduce_min3A_386 [1] : vector<128x2048xi32> to vector<128xi32>
    %broadcast_in_dim3A_388 = vector.shape_cast %reduce_min3A_387 : vector<128xi32> to vector<128x1xi32>
    %eq3A_389 = vector.broadcast %broadcast_in_dim3A_388 : vector<128x1xi32> to vector<128x2048xi32>
    %eq3A_390 = arith.cmpi eq, %get3A_21, %eq3A_389 : vector<128x2048xi32>
    %jit3A_391 = arith.constant 3.000000e+38 : f32
    %broadcast_in_dim3A_392 = vector.broadcast %jit3A_391 : f32 to vector<128x2048xf32>
    %select_n3A_393 = arith.select %eq3A_390, %broadcast_in_dim3A_392, %select_n3A_377 : vector<128x2048xi1>, vector<128x2048xf32>
    %reduce_min3A_394 = arith.constant dense<0x7F800000> : vector<128xf32>
    %reduce_min3A_395 = vector.multi_reduction <minimumf>, %select_n3A_393, %reduce_min3A_394 [1] : vector<128x2048xf32> to vector<128xf32>
    %broadcast_in_dim3A_396 = vector.shape_cast %reduce_min3A_395 : vector<128xf32> to vector<128x1xf32>
    %eq3A_397 = vector.broadcast %broadcast_in_dim3A_396 : vector<128x1xf32> to vector<128x2048xf32>
    %eq3A_398 = arith.cmpf oeq, %select_n3A_393, %eq3A_397 : vector<128x2048xf32>
    %jit3A_399 = arith.constant 2048 : i32
    %broadcast_in_dim3A_400 = vector.broadcast %jit3A_399 : i32 to vector<128x2048xi32>
    %select_n3A_401 = arith.select %eq3A_398, %get3A_21, %broadcast_in_dim3A_400 : vector<128x2048xi1>, vector<128x2048xi32>
    %reduce_min3A_402 = arith.constant dense<2147483647> : vector<128xi32>
    %reduce_min3A_403 = vector.multi_reduction <minsi>, %select_n3A_401, %reduce_min3A_402 [1] : vector<128x2048xi32> to vector<128xi32>
    %broadcast_in_dim3A_404 = vector.shape_cast %reduce_min3A_403 : vector<128xi32> to vector<128x1xi32>
    %eq3A_405 = vector.broadcast %broadcast_in_dim3A_404 : vector<128x1xi32> to vector<128x2048xi32>
    %eq3A_406 = arith.cmpi eq, %get3A_21, %eq3A_405 : vector<128x2048xi32>
    %jit3A_407 = arith.constant 3.000000e+38 : f32
    %broadcast_in_dim3A_408 = vector.broadcast %jit3A_407 : f32 to vector<128x2048xf32>
    %select_n3A_409 = arith.select %eq3A_406, %broadcast_in_dim3A_408, %select_n3A_393 : vector<128x2048xi1>, vector<128x2048xf32>
    %reduce_min3A_410 = arith.constant dense<0x7F800000> : vector<128xf32>
    %reduce_min3A_411 = vector.multi_reduction <minimumf>, %select_n3A_409, %reduce_min3A_410 [1] : vector<128x2048xf32> to vector<128xf32>
    %broadcast_in_dim3A_412 = vector.shape_cast %reduce_min3A_411 : vector<128xf32> to vector<128x1xf32>
    %eq3A_413 = vector.broadcast %broadcast_in_dim3A_412 : vector<128x1xf32> to vector<128x2048xf32>
    %eq3A_414 = arith.cmpf oeq, %select_n3A_409, %eq3A_413 : vector<128x2048xf32>
    %jit3A_415 = arith.constant 2048 : i32
    %broadcast_in_dim3A_416 = vector.broadcast %jit3A_415 : i32 to vector<128x2048xi32>
    %select_n3A_417 = arith.select %eq3A_414, %get3A_21, %broadcast_in_dim3A_416 : vector<128x2048xi1>, vector<128x2048xi32>
    %reduce_min3A_418 = arith.constant dense<2147483647> : vector<128xi32>
    %reduce_min3A_419 = vector.multi_reduction <minsi>, %select_n3A_417, %reduce_min3A_418 [1] : vector<128x2048xi32> to vector<128xi32>
    %broadcast_in_dim3A_420 = vector.shape_cast %reduce_min3A_419 : vector<128xi32> to vector<128x1xi32>
    %eq3A_421 = vector.broadcast %broadcast_in_dim3A_420 : vector<128x1xi32> to vector<128x2048xi32>
    %eq3A_422 = arith.cmpi eq, %get3A_21, %eq3A_421 : vector<128x2048xi32>
    %jit3A_423 = arith.constant 3.000000e+38 : f32
    %broadcast_in_dim3A_424 = vector.broadcast %jit3A_423 : f32 to vector<128x2048xf32>
    %select_n3A_425 = arith.select %eq3A_422, %broadcast_in_dim3A_424, %select_n3A_409 : vector<128x2048xi1>, vector<128x2048xf32>
    %reduce_min3A_426 = arith.constant dense<0x7F800000> : vector<128xf32>
    %reduce_min3A_427 = vector.multi_reduction <minimumf>, %select_n3A_425, %reduce_min3A_426 [1] : vector<128x2048xf32> to vector<128xf32>
    %broadcast_in_dim3A_428 = vector.shape_cast %reduce_min3A_427 : vector<128xf32> to vector<128x1xf32>
    %eq3A_429 = vector.broadcast %broadcast_in_dim3A_428 : vector<128x1xf32> to vector<128x2048xf32>
    %eq3A_430 = arith.cmpf oeq, %select_n3A_425, %eq3A_429 : vector<128x2048xf32>
    %jit3A_431 = arith.constant 2048 : i32
    %broadcast_in_dim3A_432 = vector.broadcast %jit3A_431 : i32 to vector<128x2048xi32>
    %select_n3A_433 = arith.select %eq3A_430, %get3A_21, %broadcast_in_dim3A_432 : vector<128x2048xi1>, vector<128x2048xi32>
    %reduce_min3A_434 = arith.constant dense<2147483647> : vector<128xi32>
    %reduce_min3A_435 = vector.multi_reduction <minsi>, %select_n3A_433, %reduce_min3A_434 [1] : vector<128x2048xi32> to vector<128xi32>
    %broadcast_in_dim3A_436 = vector.shape_cast %reduce_min3A_435 : vector<128xi32> to vector<128x1xi32>
    %concatenate3A_437 = tpu.concatenate %broadcast_in_dim3A_68, %broadcast_in_dim3A_84, %broadcast_in_dim3A_100, %broadcast_in_dim3A_116, %broadcast_in_dim3A_132, %broadcast_in_dim3A_148, %broadcast_in_dim3A_164, %broadcast_in_dim3A_180, %broadcast_in_dim3A_196, %broadcast_in_dim3A_212, %broadcast_in_dim3A_228, %broadcast_in_dim3A_244, %broadcast_in_dim3A_260, %broadcast_in_dim3A_276, %broadcast_in_dim3A_292, %broadcast_in_dim3A_308, %broadcast_in_dim3A_324, %broadcast_in_dim3A_340, %broadcast_in_dim3A_356, %broadcast_in_dim3A_372, %broadcast_in_dim3A_388, %broadcast_in_dim3A_404, %broadcast_in_dim3A_420, %broadcast_in_dim3A_436 in 1 : vector<128x1xi32>, vector<128x1xi32>, vector<128x1xi32>, vector<128x1xi32>, vector<128x1xi32>, vector<128x1xi32>, vector<128x1xi32>, vector<128x1xi32>, vector<128x1xi32>, vector<128x1xi32>, vector<128x1xi32>, vector<128x1xi32>, vector<128x1xi32>, vector<128x1xi32>, vector<128x1xi32>, vector<128x1xi32>, vector<128x1xi32>, vector<128x1xi32>, vector<128x1xi32>, vector<128x1xi32>, vector<128x1xi32>, vector<128x1xi32>, vector<128x1xi32>, vector<128x1xi32> -> vector<128x24xi32>
    %swap3A_438 = arith.constant 0 : index
    %swap3A_439 = arith.constant 0 : index
    %swap3A_440 = arith.constant 0 : index
    %swap3A_441 = vector.load %arg5[%swap3A_438, %swap3A_439, %swap3A_440] : memref<1x128x24xi32, #tpu.memory_space<vmem>>, vector<1x128x24xi32>
    %swap3A_442 = vector.shape_cast %swap3A_441 : vector<1x128x24xi32> to vector<128x24xi32>
    %swap3A_443 = vector.shape_cast %concatenate3A_437 : vector<128x24xi32> to vector<1x128x24xi32>
    tpu.vector_store %arg5[%swap3A_438, %swap3A_439, %swap3A_440], %swap3A_443 {strides = array<i32>} : memref<1x128x24xi32, #tpu.memory_space<vmem>>, vector<1x128x24xi32>,
    return
  }
  func.func @transform_0(%arg0: i32, %arg1: i32) -> (i32, i32, i32) {
    %c0_i32 = arith.constant 0 : i32
    %c0_i32_0 = arith.constant 0 : i32
    %c0_i32_1 = arith.constant 0 : i32
    return %arg0, %c0_i32, %c0_i32_0 : i32, i32, i32
  }
  func.func @transform_1(%arg0: i32, %arg1: i32) -> (i32, i32, i32) {
    %c0_i32 = arith.constant 0 : i32
    %c0_i32_0 = arith.constant 0 : i32
    return %arg0, %arg1, %c0_i32 : i32, i32, i32
  }
  func.func @transform_2(%arg0: i32, %arg1: i32) -> (i32, i32) {
    %c0_i32 = arith.constant 0 : i32
    %c0_i32_0 = arith.constant 0 : i32
    %c0_i32_1 = arith.constant 0 : i32
    return %c0_i32, %c0_i32_0 : i32, i32
  }
  func.func @transform_3(%arg0: i32, %arg1: i32) -> (i32, i32, i32) {
    %c0_i32 = arith.constant 0 : i32
    %c0_i32_0 = arith.constant 0 : i32
    return %arg0, %arg1, %c0_i32 : i32, i32, i32
  }
  func.func @transform_4(%arg0: i32, %arg1: i32) -> (i32, i32, i32) {
    %c0_i32 = arith.constant 0 : i32
    %c0_i32_0 = arith.constant 0 : i32
    return %arg0, %arg1, %c0_i32 : i32, i32, i32
  }
}

module attributes {stable_mosaic.version = 14 : i64} {
  func.func @_edge_body(%arg0: i32, %arg1: i32, %arg2: memref<1x3072x256xf32, #tpu.memory_space<vmem>>, %arg3: memref<1x128x256xf32, #tpu.memory_space<vmem>>, %arg4: memref<64x128xf32, #tpu.memory_space<vmem>>, %arg5: memref<64x128xf32, #tpu.memory_space<vmem>>, %arg6: memref<1x128xf32, #tpu.memory_space<vmem>>, %arg7: memref<64x128xf32, #tpu.memory_space<vmem>>, %arg8: memref<64x128xf32, #tpu.memory_space<vmem>>, %arg9: memref<1x128xf32, #tpu.memory_space<vmem>>, %arg10: memref<1x3x128x128xf32, #tpu.memory_space<vmem>>) attributes {dimension_semantics = [#tpu.dimension_semantics<arbitrary>, #tpu.dimension_semantics<arbitrary>], iteration_bounds = array<i64: 4, 4>, scalar_prefetch = 0 : i64, scratch_operands = 0 : i64, tpu.core_type = #tpu.core_type<tc>, window_params = [{transform_indices = @transform_0, window_bounds = array<i64: 1, 3072, 256>}, {transform_indices = @transform_1, window_bounds = array<i64: 1, 128, 256>}, {pipeline_mode = #tpu.pipeline_mode<synchronous>, transform_indices = @transform_2, window_bounds = array<i64: 64, 128>}, {pipeline_mode = #tpu.pipeline_mode<synchronous>, transform_indices = @transform_3, window_bounds = array<i64: 64, 128>}, {pipeline_mode = #tpu.pipeline_mode<synchronous>, transform_indices = @transform_4, window_bounds = array<i64: 1, 128>}, {pipeline_mode = #tpu.pipeline_mode<synchronous>, transform_indices = @transform_5, window_bounds = array<i64: 64, 128>}, {pipeline_mode = #tpu.pipeline_mode<synchronous>, transform_indices = @transform_6, window_bounds = array<i64: 64, 128>}, {pipeline_mode = #tpu.pipeline_mode<synchronous>, transform_indices = @transform_7, window_bounds = array<i64: 1, 128>}, {transform_indices = @transform_8, window_bounds = array<i64: 1, 3, 128, 128>}]} {
    %get3A = arith.constant 0 : index
    %get3A_0 = arith.constant 0 : index
    %get3A_1 = arith.constant 0 : index
    %get3A_2 = vector.load %arg2[%get3A, %get3A_0, %get3A_1] : memref<1x3072x256xf32, #tpu.memory_space<vmem>>, vector<1x3072x256xf32>
    %get3A_3 = vector.shape_cast %get3A_2 : vector<1x3072x256xf32> to vector<3072x256xf32>
    %get3A_4 = arith.constant 0 : index
    %get3A_5 = arith.constant 0 : index
    %get3A_6 = arith.constant 0 : index
    %get3A_7 = vector.load %arg3[%get3A_4, %get3A_5, %get3A_6] : memref<1x128x256xf32, #tpu.memory_space<vmem>>, vector<1x128x256xf32>
    %get3A_8 = vector.shape_cast %get3A_7 : vector<1x128x256xf32> to vector<128x256xf32>
    %slice3A = vector.extract_strided_slice %get3A_3 {offsets = [0, 0], sizes = [3072, 64], strides = [1, 1]} : vector<3072x256xf32> to vector<3072x64xf32>
    %slice3A_9 = vector.extract_strided_slice %get3A_8 {offsets = [0, 0], sizes = [128, 64], strides = [1, 1]} : vector<128x256xf32> to vector<128x64xf32>
    %slice3A_10 = vector.extract_strided_slice %get3A_3 {offsets = [0, 192], sizes = [3072, 1], strides = [1, 1]} : vector<3072x256xf32> to vector<3072x1xf32>
    %slice3A_11 = vector.extract_strided_slice %get3A_8 {offsets = [0, 192], sizes = [128, 1], strides = [1, 1]} : vector<128x256xf32> to vector<128x1xf32>
    %broadcast_in_dim3A = vector.shape_cast %slice3A_11 : vector<128x1xf32> to vector<128x1x1xf32>
    %broadcast_in_dim3A_12 = vector.shape_cast %broadcast_in_dim3A : vector<128x1x1xf32> to vector<128x1x1xf32>
    %broadcast_in_dim3A_13 = vector.broadcast %broadcast_in_dim3A_12 : vector<128x1x1xf32> to vector<128x24x1xf32>
    %reshape3A = vector.shape_cast %broadcast_in_dim3A_13 : vector<128x24x1xf32> to vector<3072x1xf32>
    %sub3A = arith.subf %slice3A_10, %reshape3A : vector<3072x1xf32>
    %get3A_14 = arith.constant 0 : index
    %get3A_15 = arith.constant 0 : index
    %get3A_16 = vector.load %arg4[%get3A_14, %get3A_15] : memref<64x128xf32, #tpu.memory_space<vmem>>, vector<64x128xf32>
    %dot_general3A = arith.constant dense<0.000000e+00> : vector<3072x128xf32>
    %dot_general3A_17 = tpu.matmul %slice3A, %get3A_16, %dot_general3A {dimension_numbers = #tpu.dot_dimension_numbers<[1], [0], [0], [1], [0, 0, 1, 1], [], []>, transpose_lhs_hint = false} : vector<3072x64xf32>, vector<64x128xf32>, vector<3072x128xf32> -> vector<3072x128xf32>
    %get3A_18 = arith.constant 0 : index
    %get3A_19 = arith.constant 0 : index
    %get3A_20 = vector.load %arg5[%get3A_18, %get3A_19] : memref<64x128xf32, #tpu.memory_space<vmem>>, vector<64x128xf32>
    %dot_general3A_21 = arith.constant dense<0.000000e+00> : vector<128x128xf32>
    %dot_general3A_22 = tpu.matmul %slice3A_9, %get3A_20, %dot_general3A_21 {dimension_numbers = #tpu.dot_dimension_numbers<[1], [0], [0], [1], [0, 0, 1, 1], [], []>, transpose_lhs_hint = false} : vector<128x64xf32>, vector<64x128xf32>, vector<128x128xf32> -> vector<128x128xf32>
    %broadcast_in_dim3A_23 = vector.shape_cast %dot_general3A_22 : vector<128x128xf32> to vector<128x1x128xf32>
    %broadcast_in_dim3A_24 = vector.shape_cast %broadcast_in_dim3A_23 : vector<128x1x128xf32> to vector<128x1x128xf32>
    %broadcast_in_dim3A_25 = vector.broadcast %broadcast_in_dim3A_24 : vector<128x1x128xf32> to vector<128x24x128xf32>
    %reshape3A_26 = vector.shape_cast %broadcast_in_dim3A_25 : vector<128x24x128xf32> to vector<3072x128xf32>
    %add3A = arith.addf %dot_general3A_17, %reshape3A_26 : vector<3072x128xf32>
    %get3A_27 = arith.constant 0 : index
    %get3A_28 = arith.constant 0 : index
    %get3A_29 = vector.load %arg6[%get3A_27, %get3A_28] : memref<1x128xf32, #tpu.memory_space<vmem>>, vector<1x128xf32>
    %mul3A = vector.broadcast %sub3A : vector<3072x1xf32> to vector<3072x128xf32>
    %mul3A_30 = vector.broadcast %get3A_29 : vector<1x128xf32> to vector<3072x128xf32>
    %mul3A_31 = arith.mulf %mul3A, %mul3A_30 : vector<3072x128xf32>
    %add3A_32 = arith.addf %add3A, %mul3A_31 : vector<3072x128xf32>
    %get3A_33 = arith.constant 0 : index
    %get3A_34 = arith.constant 0 : index
    %get3A_35 = vector.load %arg7[%get3A_33, %get3A_34] : memref<64x128xf32, #tpu.memory_space<vmem>>, vector<64x128xf32>
    %dot_general3A_36 = arith.constant dense<0.000000e+00> : vector<3072x128xf32>
    %dot_general3A_37 = tpu.matmul %slice3A, %get3A_35, %dot_general3A_36 {dimension_numbers = #tpu.dot_dimension_numbers<[1], [0], [0], [1], [0, 0, 1, 1], [], []>, transpose_lhs_hint = false} : vector<3072x64xf32>, vector<64x128xf32>, vector<3072x128xf32> -> vector<3072x128xf32>
    %get3A_38 = arith.constant 0 : index
    %get3A_39 = arith.constant 0 : index
    %get3A_40 = vector.load %arg8[%get3A_38, %get3A_39] : memref<64x128xf32, #tpu.memory_space<vmem>>, vector<64x128xf32>
    %dot_general3A_41 = arith.constant dense<0.000000e+00> : vector<128x128xf32>
    %dot_general3A_42 = tpu.matmul %slice3A_9, %get3A_40, %dot_general3A_41 {dimension_numbers = #tpu.dot_dimension_numbers<[1], [0], [0], [1], [0, 0, 1, 1], [], []>, transpose_lhs_hint = false} : vector<128x64xf32>, vector<64x128xf32>, vector<128x128xf32> -> vector<128x128xf32>
    %broadcast_in_dim3A_43 = vector.shape_cast %dot_general3A_42 : vector<128x128xf32> to vector<128x1x128xf32>
    %broadcast_in_dim3A_44 = vector.shape_cast %broadcast_in_dim3A_43 : vector<128x1x128xf32> to vector<128x1x128xf32>
    %broadcast_in_dim3A_45 = vector.broadcast %broadcast_in_dim3A_44 : vector<128x1x128xf32> to vector<128x24x128xf32>
    %reshape3A_46 = vector.shape_cast %broadcast_in_dim3A_45 : vector<128x24x128xf32> to vector<3072x128xf32>
    %add3A_47 = arith.addf %dot_general3A_37, %reshape3A_46 : vector<3072x128xf32>
    %get3A_48 = arith.constant 0 : index
    %get3A_49 = arith.constant 0 : index
    %get3A_50 = vector.load %arg9[%get3A_48, %get3A_49] : memref<1x128xf32, #tpu.memory_space<vmem>>, vector<1x128xf32>
    %mul3A_51 = vector.broadcast %sub3A : vector<3072x1xf32> to vector<3072x128xf32>
    %mul3A_52 = vector.broadcast %get3A_50 : vector<1x128xf32> to vector<3072x128xf32>
    %mul3A_53 = arith.mulf %mul3A_51, %mul3A_52 : vector<3072x128xf32>
    %add3A_54 = arith.addf %add3A_47, %mul3A_53 : vector<3072x128xf32>
    %slice3A_55 = vector.extract_strided_slice %get3A_3 {offsets = [0, 64], sizes = [3072, 64], strides = [1, 1]} : vector<3072x256xf32> to vector<3072x64xf32>
    %slice3A_56 = vector.extract_strided_slice %get3A_8 {offsets = [0, 64], sizes = [128, 64], strides = [1, 1]} : vector<128x256xf32> to vector<128x64xf32>
    %slice3A_57 = vector.extract_strided_slice %get3A_3 {offsets = [0, 193], sizes = [3072, 1], strides = [1, 1]} : vector<3072x256xf32> to vector<3072x1xf32>
    %slice3A_58 = vector.extract_strided_slice %get3A_8 {offsets = [0, 193], sizes = [128, 1], strides = [1, 1]} : vector<128x256xf32> to vector<128x1xf32>
    %broadcast_in_dim3A_59 = vector.shape_cast %slice3A_58 : vector<128x1xf32> to vector<128x1x1xf32>
    %broadcast_in_dim3A_60 = vector.shape_cast %broadcast_in_dim3A_59 : vector<128x1x1xf32> to vector<128x1x1xf32>
    %broadcast_in_dim3A_61 = vector.broadcast %broadcast_in_dim3A_60 : vector<128x1x1xf32> to vector<128x24x1xf32>
    %reshape3A_62 = vector.shape_cast %broadcast_in_dim3A_61 : vector<128x24x1xf32> to vector<3072x1xf32>
    %sub3A_63 = arith.subf %slice3A_57, %reshape3A_62 : vector<3072x1xf32>
    %get3A_64 = arith.constant 0 : index
    %get3A_65 = arith.constant 0 : index
    %get3A_66 = vector.load %arg4[%get3A_64, %get3A_65] : memref<64x128xf32, #tpu.memory_space<vmem>>, vector<64x128xf32>
    %dot_general3A_67 = arith.constant dense<0.000000e+00> : vector<3072x128xf32>
    %dot_general3A_68 = tpu.matmul %slice3A_55, %get3A_66, %dot_general3A_67 {dimension_numbers = #tpu.dot_dimension_numbers<[1], [0], [0], [1], [0, 0, 1, 1], [], []>, transpose_lhs_hint = false} : vector<3072x64xf32>, vector<64x128xf32>, vector<3072x128xf32> -> vector<3072x128xf32>
    %get3A_69 = arith.constant 0 : index
    %get3A_70 = arith.constant 0 : index
    %get3A_71 = vector.load %arg5[%get3A_69, %get3A_70] : memref<64x128xf32, #tpu.memory_space<vmem>>, vector<64x128xf32>
    %dot_general3A_72 = arith.constant dense<0.000000e+00> : vector<128x128xf32>
    %dot_general3A_73 = tpu.matmul %slice3A_56, %get3A_71, %dot_general3A_72 {dimension_numbers = #tpu.dot_dimension_numbers<[1], [0], [0], [1], [0, 0, 1, 1], [], []>, transpose_lhs_hint = false} : vector<128x64xf32>, vector<64x128xf32>, vector<128x128xf32> -> vector<128x128xf32>
    %broadcast_in_dim3A_74 = vector.shape_cast %dot_general3A_73 : vector<128x128xf32> to vector<128x1x128xf32>
    %broadcast_in_dim3A_75 = vector.shape_cast %broadcast_in_dim3A_74 : vector<128x1x128xf32> to vector<128x1x128xf32>
    %broadcast_in_dim3A_76 = vector.broadcast %broadcast_in_dim3A_75 : vector<128x1x128xf32> to vector<128x24x128xf32>
    %reshape3A_77 = vector.shape_cast %broadcast_in_dim3A_76 : vector<128x24x128xf32> to vector<3072x128xf32>
    %add3A_78 = arith.addf %dot_general3A_68, %reshape3A_77 : vector<3072x128xf32>
    %get3A_79 = arith.constant 0 : index
    %get3A_80 = arith.constant 0 : index
    %get3A_81 = vector.load %arg6[%get3A_79, %get3A_80] : memref<1x128xf32, #tpu.memory_space<vmem>>, vector<1x128xf32>
    %mul3A_82 = vector.broadcast %sub3A_63 : vector<3072x1xf32> to vector<3072x128xf32>
    %mul3A_83 = vector.broadcast %get3A_81 : vector<1x128xf32> to vector<3072x128xf32>
    %mul3A_84 = arith.mulf %mul3A_82, %mul3A_83 : vector<3072x128xf32>
    %add3A_85 = arith.addf %add3A_78, %mul3A_84 : vector<3072x128xf32>
    %get3A_86 = arith.constant 0 : index
    %get3A_87 = arith.constant 0 : index
    %get3A_88 = vector.load %arg7[%get3A_86, %get3A_87] : memref<64x128xf32, #tpu.memory_space<vmem>>, vector<64x128xf32>
    %dot_general3A_89 = arith.constant dense<0.000000e+00> : vector<3072x128xf32>
    %dot_general3A_90 = tpu.matmul %slice3A_55, %get3A_88, %dot_general3A_89 {dimension_numbers = #tpu.dot_dimension_numbers<[1], [0], [0], [1], [0, 0, 1, 1], [], []>, transpose_lhs_hint = false} : vector<3072x64xf32>, vector<64x128xf32>, vector<3072x128xf32> -> vector<3072x128xf32>
    %get3A_91 = arith.constant 0 : index
    %get3A_92 = arith.constant 0 : index
    %get3A_93 = vector.load %arg8[%get3A_91, %get3A_92] : memref<64x128xf32, #tpu.memory_space<vmem>>, vector<64x128xf32>
    %dot_general3A_94 = arith.constant dense<0.000000e+00> : vector<128x128xf32>
    %dot_general3A_95 = tpu.matmul %slice3A_56, %get3A_93, %dot_general3A_94 {dimension_numbers = #tpu.dot_dimension_numbers<[1], [0], [0], [1], [0, 0, 1, 1], [], []>, transpose_lhs_hint = false} : vector<128x64xf32>, vector<64x128xf32>, vector<128x128xf32> -> vector<128x128xf32>
    %broadcast_in_dim3A_96 = vector.shape_cast %dot_general3A_95 : vector<128x128xf32> to vector<128x1x128xf32>
    %broadcast_in_dim3A_97 = vector.shape_cast %broadcast_in_dim3A_96 : vector<128x1x128xf32> to vector<128x1x128xf32>
    %broadcast_in_dim3A_98 = vector.broadcast %broadcast_in_dim3A_97 : vector<128x1x128xf32> to vector<128x24x128xf32>
    %reshape3A_99 = vector.shape_cast %broadcast_in_dim3A_98 : vector<128x24x128xf32> to vector<3072x128xf32>
    %add3A_100 = arith.addf %dot_general3A_90, %reshape3A_99 : vector<3072x128xf32>
    %get3A_101 = arith.constant 0 : index
    %get3A_102 = arith.constant 0 : index
    %get3A_103 = vector.load %arg9[%get3A_101, %get3A_102] : memref<1x128xf32, #tpu.memory_space<vmem>>, vector<1x128xf32>
    %mul3A_104 = vector.broadcast %sub3A_63 : vector<3072x1xf32> to vector<3072x128xf32>
    %mul3A_105 = vector.broadcast %get3A_103 : vector<1x128xf32> to vector<3072x128xf32>
    %mul3A_106 = arith.mulf %mul3A_104, %mul3A_105 : vector<3072x128xf32>
    %add3A_107 = arith.addf %add3A_100, %mul3A_106 : vector<3072x128xf32>
    %slice3A_108 = vector.extract_strided_slice %get3A_3 {offsets = [0, 128], sizes = [3072, 64], strides = [1, 1]} : vector<3072x256xf32> to vector<3072x64xf32>
    %slice3A_109 = vector.extract_strided_slice %get3A_8 {offsets = [0, 128], sizes = [128, 64], strides = [1, 1]} : vector<128x256xf32> to vector<128x64xf32>
    %slice3A_110 = vector.extract_strided_slice %get3A_3 {offsets = [0, 194], sizes = [3072, 1], strides = [1, 1]} : vector<3072x256xf32> to vector<3072x1xf32>
    %slice3A_111 = vector.extract_strided_slice %get3A_8 {offsets = [0, 194], sizes = [128, 1], strides = [1, 1]} : vector<128x256xf32> to vector<128x1xf32>
    %broadcast_in_dim3A_112 = vector.shape_cast %slice3A_111 : vector<128x1xf32> to vector<128x1x1xf32>
    %broadcast_in_dim3A_113 = vector.shape_cast %broadcast_in_dim3A_112 : vector<128x1x1xf32> to vector<128x1x1xf32>
    %broadcast_in_dim3A_114 = vector.broadcast %broadcast_in_dim3A_113 : vector<128x1x1xf32> to vector<128x24x1xf32>
    %reshape3A_115 = vector.shape_cast %broadcast_in_dim3A_114 : vector<128x24x1xf32> to vector<3072x1xf32>
    %sub3A_116 = arith.subf %slice3A_110, %reshape3A_115 : vector<3072x1xf32>
    %get3A_117 = arith.constant 0 : index
    %get3A_118 = arith.constant 0 : index
    %get3A_119 = vector.load %arg4[%get3A_117, %get3A_118] : memref<64x128xf32, #tpu.memory_space<vmem>>, vector<64x128xf32>
    %dot_general3A_120 = arith.constant dense<0.000000e+00> : vector<3072x128xf32>
    %dot_general3A_121 = tpu.matmul %slice3A_108, %get3A_119, %dot_general3A_120 {dimension_numbers = #tpu.dot_dimension_numbers<[1], [0], [0], [1], [0, 0, 1, 1], [], []>, transpose_lhs_hint = false} : vector<3072x64xf32>, vector<64x128xf32>, vector<3072x128xf32> -> vector<3072x128xf32>
    %get3A_122 = arith.constant 0 : index
    %get3A_123 = arith.constant 0 : index
    %get3A_124 = vector.load %arg5[%get3A_122, %get3A_123] : memref<64x128xf32, #tpu.memory_space<vmem>>, vector<64x128xf32>
    %dot_general3A_125 = arith.constant dense<0.000000e+00> : vector<128x128xf32>
    %dot_general3A_126 = tpu.matmul %slice3A_109, %get3A_124, %dot_general3A_125 {dimension_numbers = #tpu.dot_dimension_numbers<[1], [0], [0], [1], [0, 0, 1, 1], [], []>, transpose_lhs_hint = false} : vector<128x64xf32>, vector<64x128xf32>, vector<128x128xf32> -> vector<128x128xf32>
    %broadcast_in_dim3A_127 = vector.shape_cast %dot_general3A_126 : vector<128x128xf32> to vector<128x1x128xf32>
    %broadcast_in_dim3A_128 = vector.shape_cast %broadcast_in_dim3A_127 : vector<128x1x128xf32> to vector<128x1x128xf32>
    %broadcast_in_dim3A_129 = vector.broadcast %broadcast_in_dim3A_128 : vector<128x1x128xf32> to vector<128x24x128xf32>
    %reshape3A_130 = vector.shape_cast %broadcast_in_dim3A_129 : vector<128x24x128xf32> to vector<3072x128xf32>
    %add3A_131 = arith.addf %dot_general3A_121, %reshape3A_130 : vector<3072x128xf32>
    %get3A_132 = arith.constant 0 : index
    %get3A_133 = arith.constant 0 : index
    %get3A_134 = vector.load %arg6[%get3A_132, %get3A_133] : memref<1x128xf32, #tpu.memory_space<vmem>>, vector<1x128xf32>
    %mul3A_135 = vector.broadcast %sub3A_116 : vector<3072x1xf32> to vector<3072x128xf32>
    %mul3A_136 = vector.broadcast %get3A_134 : vector<1x128xf32> to vector<3072x128xf32>
    %mul3A_137 = arith.mulf %mul3A_135, %mul3A_136 : vector<3072x128xf32>
    %add3A_138 = arith.addf %add3A_131, %mul3A_137 : vector<3072x128xf32>
    %get3A_139 = arith.constant 0 : index
    %get3A_140 = arith.constant 0 : index
    %get3A_141 = vector.load %arg7[%get3A_139, %get3A_140] : memref<64x128xf32, #tpu.memory_space<vmem>>, vector<64x128xf32>
    %dot_general3A_142 = arith.constant dense<0.000000e+00> : vector<3072x128xf32>
    %dot_general3A_143 = tpu.matmul %slice3A_108, %get3A_141, %dot_general3A_142 {dimension_numbers = #tpu.dot_dimension_numbers<[1], [0], [0], [1], [0, 0, 1, 1], [], []>, transpose_lhs_hint = false} : vector<3072x64xf32>, vector<64x128xf32>, vector<3072x128xf32> -> vector<3072x128xf32>
    %get3A_144 = arith.constant 0 : index
    %get3A_145 = arith.constant 0 : index
    %get3A_146 = vector.load %arg8[%get3A_144, %get3A_145] : memref<64x128xf32, #tpu.memory_space<vmem>>, vector<64x128xf32>
    %dot_general3A_147 = arith.constant dense<0.000000e+00> : vector<128x128xf32>
    %dot_general3A_148 = tpu.matmul %slice3A_109, %get3A_146, %dot_general3A_147 {dimension_numbers = #tpu.dot_dimension_numbers<[1], [0], [0], [1], [0, 0, 1, 1], [], []>, transpose_lhs_hint = false} : vector<128x64xf32>, vector<64x128xf32>, vector<128x128xf32> -> vector<128x128xf32>
    %broadcast_in_dim3A_149 = vector.shape_cast %dot_general3A_148 : vector<128x128xf32> to vector<128x1x128xf32>
    %broadcast_in_dim3A_150 = vector.shape_cast %broadcast_in_dim3A_149 : vector<128x1x128xf32> to vector<128x1x128xf32>
    %broadcast_in_dim3A_151 = vector.broadcast %broadcast_in_dim3A_150 : vector<128x1x128xf32> to vector<128x24x128xf32>
    %reshape3A_152 = vector.shape_cast %broadcast_in_dim3A_151 : vector<128x24x128xf32> to vector<3072x128xf32>
    %add3A_153 = arith.addf %dot_general3A_143, %reshape3A_152 : vector<3072x128xf32>
    %get3A_154 = arith.constant 0 : index
    %get3A_155 = arith.constant 0 : index
    %get3A_156 = vector.load %arg9[%get3A_154, %get3A_155] : memref<1x128xf32, #tpu.memory_space<vmem>>, vector<1x128xf32>
    %mul3A_157 = vector.broadcast %sub3A_116 : vector<3072x1xf32> to vector<3072x128xf32>
    %mul3A_158 = vector.broadcast %get3A_156 : vector<1x128xf32> to vector<3072x128xf32>
    %mul3A_159 = arith.mulf %mul3A_157, %mul3A_158 : vector<3072x128xf32>
    %add3A_160 = arith.addf %add3A_153, %mul3A_159 : vector<3072x128xf32>
    %mul3A_161 = arith.mulf %add3A_32, %add3A_54 : vector<3072x128xf32>
    %mul3A_162 = arith.mulf %add3A_85, %add3A_107 : vector<3072x128xf32>
    %add3A_163 = arith.addf %mul3A_161, %mul3A_162 : vector<3072x128xf32>
    %mul3A_164 = arith.mulf %add3A_138, %add3A_160 : vector<3072x128xf32>
    %add3A_165 = arith.addf %add3A_163, %mul3A_164 : vector<3072x128xf32>
    %mul3A_166 = arith.mulf %add3A_54, %add3A_54 : vector<3072x128xf32>
    %mul3A_167 = arith.mulf %add3A_107, %add3A_107 : vector<3072x128xf32>
    %add3A_168 = arith.addf %mul3A_166, %mul3A_167 : vector<3072x128xf32>
    %mul3A_169 = arith.mulf %add3A_160, %add3A_160 : vector<3072x128xf32>
    %add3A_170 = arith.addf %add3A_168, %mul3A_169 : vector<3072x128xf32>
    %ge3A = arith.constant 0.000000e+00 : f32
    %ge3A_171 = vector.broadcast %ge3A : f32 to vector<3072x128xf32>
    %ge3A_172 = arith.cmpf oge, %add3A_165, %ge3A_171 : vector<3072x128xf32>
    %convert_element_type3A = arith.extui %ge3A_172 : vector<3072x128xi1> to vector<3072x128xi32>
    %convert_element_type3A_173 = arith.sitofp %convert_element_type3A : vector<3072x128xi32> to vector<3072x128xf32>
    %add3A_174 = arith.constant 9.99999997E-7 : f32
    %add3A_175 = vector.broadcast %add3A_174 : f32 to vector<3072x128xf32>
    %add3A_176 = arith.addf %add3A_170, %add3A_175 : vector<3072x128xf32>
    %div3A = arith.divf %add3A_165, %add3A_176 : vector<3072x128xf32>
    %mul3A_177 = arith.constant 1.000000e-01 : f32
    %mul3A_178 = vector.broadcast %mul3A_177 : f32 to vector<3072x128xf32>
    %mul3A_179 = arith.mulf %mul3A_178, %add3A_32 : vector<3072x128xf32>
    %mul3A_180 = arith.mulf %convert_element_type3A_173, %add3A_32 : vector<3072x128xf32>
    %sub3A_181 = arith.constant 1.000000e+00 : f32
    %sub3A_182 = vector.broadcast %sub3A_181 : f32 to vector<3072x128xf32>
    %sub3A_183 = arith.subf %sub3A_182, %convert_element_type3A_173 : vector<3072x128xf32>
    %mul3A_184 = arith.mulf %div3A, %add3A_54 : vector<3072x128xf32>
    %sub3A_185 = arith.subf %add3A_32, %mul3A_184 : vector<3072x128xf32>
    %mul3A_186 = arith.mulf %sub3A_183, %sub3A_185 : vector<3072x128xf32>
    %add3A_187 = arith.addf %mul3A_180, %mul3A_186 : vector<3072x128xf32>
    %mul3A_188 = arith.constant 0.899999976 : f32
    %mul3A_189 = vector.broadcast %mul3A_188 : f32 to vector<3072x128xf32>
    %mul3A_190 = arith.mulf %mul3A_189, %add3A_187 : vector<3072x128xf32>
    %add3A_191 = arith.addf %mul3A_179, %mul3A_190 : vector<3072x128xf32>
    %reshape3A_192 = vector.shape_cast %add3A_191 : vector<3072x128xf32> to vector<128x24x128xf32>
    %reduce_sum3A = arith.constant dense<0.000000e+00> : vector<128x128xf32>
    %reduce_sum3A_193 = vector.multi_reduction <add>, %reshape3A_192, %reduce_sum3A [1] : vector<128x24x128xf32> to vector<128x128xf32>
    %div3A_194 = arith.constant 2.400000e+01 : f32
    %div3A_195 = vector.broadcast %div3A_194 : f32 to vector<128x128xf32>
    %div3A_196 = arith.divf %reduce_sum3A_193, %div3A_195 : vector<128x128xf32>
    %swap3A = arith.constant 0 : index
    %swap3A_197 = arith.constant 0 : index
    %swap3A_198 = arith.constant 0 : index
    %swap3A_199 = arith.constant 0 : index
    %swap3A_200 = vector.load %arg10[%swap3A, %swap3A_197, %swap3A_198, %swap3A_199] : memref<1x3x128x128xf32, #tpu.memory_space<vmem>>, vector<1x1x128x128xf32>
    %swap3A_201 = vector.shape_cast %swap3A_200 : vector<1x1x128x128xf32> to vector<128x128xf32>
    %swap3A_202 = vector.shape_cast %div3A_196 : vector<128x128xf32> to vector<1x1x128x128xf32>
    tpu.vector_store %arg10[%swap3A, %swap3A_197, %swap3A_198, %swap3A_199], %swap3A_202 {strides = array<i32>} : memref<1x3x128x128xf32, #tpu.memory_space<vmem>>, vector<1x1x128x128xf32>,
    %mul3A_203 = arith.constant 1.000000e-01 : f32
    %mul3A_204 = vector.broadcast %mul3A_203 : f32 to vector<3072x128xf32>
    %mul3A_205 = arith.mulf %mul3A_204, %add3A_85 : vector<3072x128xf32>
    %mul3A_206 = arith.mulf %convert_element_type3A_173, %add3A_85 : vector<3072x128xf32>
    %sub3A_207 = arith.constant 1.000000e+00 : f32
    %sub3A_208 = vector.broadcast %sub3A_207 : f32 to vector<3072x128xf32>
    %sub3A_209 = arith.subf %sub3A_208, %convert_element_type3A_173 : vector<3072x128xf32>
    %mul3A_210 = arith.mulf %div3A, %add3A_107 : vector<3072x128xf32>
    %sub3A_211 = arith.subf %add3A_85, %mul3A_210 : vector<3072x128xf32>
    %mul3A_212 = arith.mulf %sub3A_209, %sub3A_211 : vector<3072x128xf32>
    %add3A_213 = arith.addf %mul3A_206, %mul3A_212 : vector<3072x128xf32>
    %mul3A_214 = arith.constant 0.899999976 : f32
    %mul3A_215 = vector.broadcast %mul3A_214 : f32 to vector<3072x128xf32>
    %mul3A_216 = arith.mulf %mul3A_215, %add3A_213 : vector<3072x128xf32>
    %add3A_217 = arith.addf %mul3A_205, %mul3A_216 : vector<3072x128xf32>
    %reshape3A_218 = vector.shape_cast %add3A_217 : vector<3072x128xf32> to vector<128x24x128xf32>
    %reduce_sum3A_219 = arith.constant dense<0.000000e+00> : vector<128x128xf32>
    %reduce_sum3A_220 = vector.multi_reduction <add>, %reshape3A_218, %reduce_sum3A_219 [1] : vector<128x24x128xf32> to vector<128x128xf32>
    %div3A_221 = arith.constant 2.400000e+01 : f32
    %div3A_222 = vector.broadcast %div3A_221 : f32 to vector<128x128xf32>
    %div3A_223 = arith.divf %reduce_sum3A_220, %div3A_222 : vector<128x128xf32>
    %swap3A_224 = arith.constant 0 : index
    %swap3A_225 = arith.constant 1 : index
    %swap3A_226 = arith.constant 0 : index
    %swap3A_227 = arith.constant 0 : index
    %swap3A_228 = vector.load %arg10[%swap3A_224, %swap3A_225, %swap3A_226, %swap3A_227] : memref<1x3x128x128xf32, #tpu.memory_space<vmem>>, vector<1x1x128x128xf32>
    %swap3A_229 = vector.shape_cast %swap3A_228 : vector<1x1x128x128xf32> to vector<128x128xf32>
    %swap3A_230 = vector.shape_cast %div3A_223 : vector<128x128xf32> to vector<1x1x128x128xf32>
    tpu.vector_store %arg10[%swap3A_224, %swap3A_225, %swap3A_226, %swap3A_227], %swap3A_230 {strides = array<i32>} : memref<1x3x128x128xf32, #tpu.memory_space<vmem>>, vector<1x1x128x128xf32>,
    %mul3A_231 = arith.constant 1.000000e-01 : f32
    %mul3A_232 = vector.broadcast %mul3A_231 : f32 to vector<3072x128xf32>
    %mul3A_233 = arith.mulf %mul3A_232, %add3A_138 : vector<3072x128xf32>
    %mul3A_234 = arith.mulf %convert_element_type3A_173, %add3A_138 : vector<3072x128xf32>
    %sub3A_235 = arith.constant 1.000000e+00 : f32
    %sub3A_236 = vector.broadcast %sub3A_235 : f32 to vector<3072x128xf32>
    %sub3A_237 = arith.subf %sub3A_236, %convert_element_type3A_173 : vector<3072x128xf32>
    %mul3A_238 = arith.mulf %div3A, %add3A_160 : vector<3072x128xf32>
    %sub3A_239 = arith.subf %add3A_138, %mul3A_238 : vector<3072x128xf32>
    %mul3A_240 = arith.mulf %sub3A_237, %sub3A_239 : vector<3072x128xf32>
    %add3A_241 = arith.addf %mul3A_234, %mul3A_240 : vector<3072x128xf32>
    %mul3A_242 = arith.constant 0.899999976 : f32
    %mul3A_243 = vector.broadcast %mul3A_242 : f32 to vector<3072x128xf32>
    %mul3A_244 = arith.mulf %mul3A_243, %add3A_241 : vector<3072x128xf32>
    %add3A_245 = arith.addf %mul3A_233, %mul3A_244 : vector<3072x128xf32>
    %reshape3A_246 = vector.shape_cast %add3A_245 : vector<3072x128xf32> to vector<128x24x128xf32>
    %reduce_sum3A_247 = arith.constant dense<0.000000e+00> : vector<128x128xf32>
    %reduce_sum3A_248 = vector.multi_reduction <add>, %reshape3A_246, %reduce_sum3A_247 [1] : vector<128x24x128xf32> to vector<128x128xf32>
    %div3A_249 = arith.constant 2.400000e+01 : f32
    %div3A_250 = vector.broadcast %div3A_249 : f32 to vector<128x128xf32>
    %div3A_251 = arith.divf %reduce_sum3A_248, %div3A_250 : vector<128x128xf32>
    %swap3A_252 = arith.constant 0 : index
    %swap3A_253 = arith.constant 2 : index
    %swap3A_254 = arith.constant 0 : index
    %swap3A_255 = arith.constant 0 : index
    %swap3A_256 = vector.load %arg10[%swap3A_252, %swap3A_253, %swap3A_254, %swap3A_255] : memref<1x3x128x128xf32, #tpu.memory_space<vmem>>, vector<1x1x128x128xf32>
    %swap3A_257 = vector.shape_cast %swap3A_256 : vector<1x1x128x128xf32> to vector<128x128xf32>
    %swap3A_258 = vector.shape_cast %div3A_251 : vector<128x128xf32> to vector<1x1x128x128xf32>
    tpu.vector_store %arg10[%swap3A_252, %swap3A_253, %swap3A_254, %swap3A_255], %swap3A_258 {strides = array<i32>} : memref<1x3x128x128xf32, #tpu.memory_space<vmem>>, vector<1x1x128x128xf32>,
    return
  }
  func.func @transform_0(%arg0: i32, %arg1: i32) -> (i32, i32, i32) {
    %c0_i32 = arith.constant 0 : i32
    %c0_i32_0 = arith.constant 0 : i32
    return %arg0, %arg1, %c0_i32 : i32, i32, i32
  }
  func.func @transform_1(%arg0: i32, %arg1: i32) -> (i32, i32, i32) {
    %c0_i32 = arith.constant 0 : i32
    %c0_i32_0 = arith.constant 0 : i32
    return %arg0, %arg1, %c0_i32 : i32, i32, i32
  }
  func.func @transform_2(%arg0: i32, %arg1: i32) -> (i32, i32) {
    %c0_i32 = arith.constant 0 : i32
    %c0_i32_0 = arith.constant 0 : i32
    %c0_i32_1 = arith.constant 0 : i32
    return %c0_i32, %c0_i32_0 : i32, i32
  }
  func.func @transform_3(%arg0: i32, %arg1: i32) -> (i32, i32) {
    %c0_i32 = arith.constant 0 : i32
    %c0_i32_0 = arith.constant 0 : i32
    %c0_i32_1 = arith.constant 0 : i32
    return %c0_i32, %c0_i32_0 : i32, i32
  }
  func.func @transform_4(%arg0: i32, %arg1: i32) -> (i32, i32) {
    %c0_i32 = arith.constant 0 : i32
    %c0_i32_0 = arith.constant 0 : i32
    %c0_i32_1 = arith.constant 0 : i32
    return %c0_i32, %c0_i32_0 : i32, i32
  }
  func.func @transform_5(%arg0: i32, %arg1: i32) -> (i32, i32) {
    %c0_i32 = arith.constant 0 : i32
    %c0_i32_0 = arith.constant 0 : i32
    %c0_i32_1 = arith.constant 0 : i32
    return %c0_i32, %c0_i32_0 : i32, i32
  }
  func.func @transform_6(%arg0: i32, %arg1: i32) -> (i32, i32) {
    %c0_i32 = arith.constant 0 : i32
    %c0_i32_0 = arith.constant 0 : i32
    %c0_i32_1 = arith.constant 0 : i32
    return %c0_i32, %c0_i32_0 : i32, i32
  }
  func.func @transform_7(%arg0: i32, %arg1: i32) -> (i32, i32) {
    %c0_i32 = arith.constant 0 : i32
    %c0_i32_0 = arith.constant 0 : i32
    %c0_i32_1 = arith.constant 0 : i32
    return %c0_i32, %c0_i32_0 : i32, i32
  }
  func.func @transform_8(%arg0: i32, %arg1: i32) -> (i32, i32, i32, i32) {
    %c0_i32 = arith.constant 0 : i32
    %c0_i32_0 = arith.constant 0 : i32
    %c0_i32_1 = arith.constant 0 : i32
    return %arg0, %c0_i32, %arg1, %c0_i32_0 : i32, i32, i32, i32
  }
}

module attributes {stable_mosaic.version = 14 : i64} {
  func.func @_whiten_body(%arg0: i32, %arg1: memref<1x3x65536xf32, #tpu.memory_space<vmem>>, %arg2: memref<1x65536xf32, #tpu.memory_space<vmem>>, %arg3: memref<1x3x65536xf32, #tpu.memory_space<vmem>>) attributes {dimension_semantics = [#tpu.dimension_semantics<arbitrary>], iteration_bounds = array<i64: 4>, scalar_prefetch = 0 : i64, scratch_operands = 0 : i64, tpu.core_type = #tpu.core_type<tc>, window_params = [{transform_indices = @transform_0, window_bounds = array<i64: 1, 3, 65536>}, {pipeline_mode = #tpu.pipeline_mode<synchronous>, transform_indices = @transform_1, window_bounds = array<i64: 1, 65536>}, {transform_indices = @transform_2, window_bounds = array<i64: 1, 3, 65536>}]} {
    %get3A = arith.constant 0 : index
    %get3A_0 = arith.constant 0 : index
    %get3A_1 = arith.constant 0 : index
    %get3A_2 = vector.load %arg1[%get3A, %get3A_0, %get3A_1] : memref<1x3x65536xf32, #tpu.memory_space<vmem>>, vector<1x3x65536xf32>
    %get3A_3 = vector.shape_cast %get3A_2 : vector<1x3x65536xf32> to vector<3x65536xf32>
    %reduce_sum3A = arith.constant dense<0.000000e+00> : vector<3xf32>
    %reduce_sum3A_4 = vector.multi_reduction <add>, %get3A_3, %reduce_sum3A [1] : vector<3x65536xf32> to vector<3xf32>
    %broadcast_in_dim3A = vector.shape_cast %reduce_sum3A_4 : vector<3xf32> to vector<3x1xf32>
    %div3A = arith.constant 6.553600e+04 : f32
    %div3A_5 = vector.broadcast %div3A : f32 to vector<3x1xf32>
    %div3A_6 = arith.divf %broadcast_in_dim3A, %div3A_5 : vector<3x1xf32>
    %sub3A = vector.broadcast %div3A_6 : vector<3x1xf32> to vector<3x65536xf32>
    %sub3A_7 = arith.subf %get3A_3, %sub3A : vector<3x65536xf32>
    %slice3A = vector.extract_strided_slice %sub3A_7 {offsets = [0, 0], sizes = [1, 65536], strides = [1, 1]} : vector<3x65536xf32> to vector<1x65536xf32>
    %slice3A_8 = vector.extract_strided_slice %sub3A_7 {offsets = [1, 0], sizes = [1, 65536], strides = [1, 1]} : vector<3x65536xf32> to vector<1x65536xf32>
    %slice3A_9 = vector.extract_strided_slice %sub3A_7 {offsets = [2, 0], sizes = [1, 65536], strides = [1, 1]} : vector<3x65536xf32> to vector<1x65536xf32>
    %mul3A = arith.mulf %slice3A, %slice3A : vector<1x65536xf32>
    %reduce_sum3A_10 = vector.shape_cast %mul3A : vector<1x65536xf32> to vector<1x1x65536xf32>
    %reduce_sum3A_11 = arith.constant dense<0.000000e+00> : vector<1xf32>
    %reduce_sum3A_12 = vector.multi_reduction <add>, %reduce_sum3A_10, %reduce_sum3A_11 [1, 2] : vector<1x1x65536xf32> to vector<1xf32>
    %reduce_sum3A_13 = vector.shape_cast %reduce_sum3A_12 : vector<1xf32> to vector<1x1x1xf32>
    %reduce_sum3A_14 = vector.extract %reduce_sum3A_13[0, 0, 0] : f32 from vector<1x1x1xf32>
    %div3A_15 = arith.constant 6.553600e+04 : f32
    %div3A_16 = arith.divf %reduce_sum3A_14, %div3A_15 : f32
    %add3A = arith.constant 9.99999974E-6 : f32
    %add3A_17 = arith.addf %div3A_16, %add3A : f32
    %mul3A_18 = arith.mulf %slice3A_8, %slice3A_8 : vector<1x65536xf32>
    %reduce_sum3A_19 = vector.shape_cast %mul3A_18 : vector<1x65536xf32> to vector<1x1x65536xf32>
    %reduce_sum3A_20 = arith.constant dense<0.000000e+00> : vector<1xf32>
    %reduce_sum3A_21 = vector.multi_reduction <add>, %reduce_sum3A_19, %reduce_sum3A_20 [1, 2] : vector<1x1x65536xf32> to vector<1xf32>
    %reduce_sum3A_22 = vector.shape_cast %reduce_sum3A_21 : vector<1xf32> to vector<1x1x1xf32>
    %reduce_sum3A_23 = vector.extract %reduce_sum3A_22[0, 0, 0] : f32 from vector<1x1x1xf32>
    %div3A_24 = arith.constant 6.553600e+04 : f32
    %div3A_25 = arith.divf %reduce_sum3A_23, %div3A_24 : f32
    %add3A_26 = arith.constant 9.99999974E-6 : f32
    %add3A_27 = arith.addf %div3A_25, %add3A_26 : f32
    %mul3A_28 = arith.mulf %slice3A_9, %slice3A_9 : vector<1x65536xf32>
    %reduce_sum3A_29 = vector.shape_cast %mul3A_28 : vector<1x65536xf32> to vector<1x1x65536xf32>
    %reduce_sum3A_30 = arith.constant dense<0.000000e+00> : vector<1xf32>
    %reduce_sum3A_31 = vector.multi_reduction <add>, %reduce_sum3A_29, %reduce_sum3A_30 [1, 2] : vector<1x1x65536xf32> to vector<1xf32>
    %reduce_sum3A_32 = vector.shape_cast %reduce_sum3A_31 : vector<1xf32> to vector<1x1x1xf32>
    %reduce_sum3A_33 = vector.extract %reduce_sum3A_32[0, 0, 0] : f32 from vector<1x1x1xf32>
    %div3A_34 = arith.constant 6.553600e+04 : f32
    %div3A_35 = arith.divf %reduce_sum3A_33, %div3A_34 : f32
    %add3A_36 = arith.constant 9.99999974E-6 : f32
    %add3A_37 = arith.addf %div3A_35, %add3A_36 : f32
    %mul3A_38 = arith.mulf %slice3A, %slice3A_8 : vector<1x65536xf32>
    %reduce_sum3A_39 = vector.shape_cast %mul3A_38 : vector<1x65536xf32> to vector<1x1x65536xf32>
    %reduce_sum3A_40 = arith.constant dense<0.000000e+00> : vector<1xf32>
    %reduce_sum3A_41 = vector.multi_reduction <add>, %reduce_sum3A_39, %reduce_sum3A_40 [1, 2] : vector<1x1x65536xf32> to vector<1xf32>
    %reduce_sum3A_42 = vector.shape_cast %reduce_sum3A_41 : vector<1xf32> to vector<1x1x1xf32>
    %reduce_sum3A_43 = vector.extract %reduce_sum3A_42[0, 0, 0] : f32 from vector<1x1x1xf32>
    %div3A_44 = arith.constant 6.553600e+04 : f32
    %div3A_45 = arith.divf %reduce_sum3A_43, %div3A_44 : f32
    %mul3A_46 = arith.mulf %slice3A, %slice3A_9 : vector<1x65536xf32>
    %reduce_sum3A_47 = vector.shape_cast %mul3A_46 : vector<1x65536xf32> to vector<1x1x65536xf32>
    %reduce_sum3A_48 = arith.constant dense<0.000000e+00> : vector<1xf32>
    %reduce_sum3A_49 = vector.multi_reduction <add>, %reduce_sum3A_47, %reduce_sum3A_48 [1, 2] : vector<1x1x65536xf32> to vector<1xf32>
    %reduce_sum3A_50 = vector.shape_cast %reduce_sum3A_49 : vector<1xf32> to vector<1x1x1xf32>
    %reduce_sum3A_51 = vector.extract %reduce_sum3A_50[0, 0, 0] : f32 from vector<1x1x1xf32>
    %div3A_52 = arith.constant 6.553600e+04 : f32
    %div3A_53 = arith.divf %reduce_sum3A_51, %div3A_52 : f32
    %mul3A_54 = arith.mulf %slice3A_8, %slice3A_9 : vector<1x65536xf32>
    %reduce_sum3A_55 = vector.shape_cast %mul3A_54 : vector<1x65536xf32> to vector<1x1x65536xf32>
    %reduce_sum3A_56 = arith.constant dense<0.000000e+00> : vector<1xf32>
    %reduce_sum3A_57 = vector.multi_reduction <add>, %reduce_sum3A_55, %reduce_sum3A_56 [1, 2] : vector<1x1x65536xf32> to vector<1xf32>
    %reduce_sum3A_58 = vector.shape_cast %reduce_sum3A_57 : vector<1xf32> to vector<1x1x1xf32>
    %reduce_sum3A_59 = vector.extract %reduce_sum3A_58[0, 0, 0] : f32 from vector<1x1x1xf32>
    %div3A_60 = arith.constant 6.553600e+04 : f32
    %div3A_61 = arith.divf %reduce_sum3A_59, %div3A_60 : f32
    %iota3A = tpu.iota {dimensions = array<i32: 0>} : vector<3x3xi32>
    %iota3A_62 = tpu.iota {dimensions = array<i32: 1>} : vector<3x3xi32>
    %eq3A = arith.constant 0 : i32
    %eq3A_63 = vector.broadcast %eq3A : i32 to vector<3x3xi32>
    %eq3A_64 = arith.cmpi eq, %iota3A, %eq3A_63 : vector<3x3xi32>
    %eq3A_65 = arith.constant 0 : i32
    %eq3A_66 = vector.broadcast %eq3A_65 : i32 to vector<3x3xi32>
    %eq3A_67 = arith.cmpi eq, %iota3A_62, %eq3A_66 : vector<3x3xi32>
    %and3A = arith.andi %eq3A_64, %eq3A_67 : vector<3x3xi1>
    %convert_element_type3A = arith.extui %and3A : vector<3x3xi1> to vector<3x3xi32>
    %convert_element_type3A_68 = arith.sitofp %convert_element_type3A : vector<3x3xi32> to vector<3x3xf32>
    %eq3A_69 = arith.constant 1 : i32
    %eq3A_70 = vector.broadcast %eq3A_69 : i32 to vector<3x3xi32>
    %eq3A_71 = arith.cmpi eq, %iota3A, %eq3A_70 : vector<3x3xi32>
    %eq3A_72 = arith.constant 1 : i32
    %eq3A_73 = vector.broadcast %eq3A_72 : i32 to vector<3x3xi32>
    %eq3A_74 = arith.cmpi eq, %iota3A_62, %eq3A_73 : vector<3x3xi32>
    %and3A_75 = arith.andi %eq3A_71, %eq3A_74 : vector<3x3xi1>
    %convert_element_type3A_76 = arith.extui %and3A_75 : vector<3x3xi1> to vector<3x3xi32>
    %convert_element_type3A_77 = arith.sitofp %convert_element_type3A_76 : vector<3x3xi32> to vector<3x3xf32>
    %add3A_78 = arith.addf %convert_element_type3A_68, %convert_element_type3A_77 : vector<3x3xf32>
    %eq3A_79 = arith.constant 2 : i32
    %eq3A_80 = vector.broadcast %eq3A_79 : i32 to vector<3x3xi32>
    %eq3A_81 = arith.cmpi eq, %iota3A, %eq3A_80 : vector<3x3xi32>
    %eq3A_82 = arith.constant 2 : i32
    %eq3A_83 = vector.broadcast %eq3A_82 : i32 to vector<3x3xi32>
    %eq3A_84 = arith.cmpi eq, %iota3A_62, %eq3A_83 : vector<3x3xi32>
    %and3A_85 = arith.andi %eq3A_81, %eq3A_84 : vector<3x3xi1>
    %convert_element_type3A_86 = arith.extui %and3A_85 : vector<3x3xi1> to vector<3x3xi32>
    %convert_element_type3A_87 = arith.sitofp %convert_element_type3A_86 : vector<3x3xi32> to vector<3x3xf32>
    %add3A_88 = arith.addf %add3A_78, %convert_element_type3A_87 : vector<3x3xf32>
    %eq3A_89 = arith.constant 0 : i32
    %eq3A_90 = vector.broadcast %eq3A_89 : i32 to vector<3x3xi32>
    %eq3A_91 = arith.cmpi eq, %iota3A, %eq3A_90 : vector<3x3xi32>
    %eq3A_92 = arith.constant 0 : i32
    %eq3A_93 = vector.broadcast %eq3A_92 : i32 to vector<3x3xi32>
    %eq3A_94 = arith.cmpi eq, %iota3A_62, %eq3A_93 : vector<3x3xi32>
    %and3A_95 = arith.andi %eq3A_91, %eq3A_94 : vector<3x3xi1>
    %convert_element_type3A_96 = arith.extui %and3A_95 : vector<3x3xi1> to vector<3x3xi32>
    %convert_element_type3A_97 = arith.sitofp %convert_element_type3A_96 : vector<3x3xi32> to vector<3x3xf32>
    %mul3A_98 = vector.broadcast %add3A_17 : f32 to vector<3x3xf32>
    %mul3A_99 = arith.mulf %mul3A_98, %convert_element_type3A_97 : vector<3x3xf32>
    %eq3A_100 = arith.constant 1 : i32
    %eq3A_101 = vector.broadcast %eq3A_100 : i32 to vector<3x3xi32>
    %eq3A_102 = arith.cmpi eq, %iota3A, %eq3A_101 : vector<3x3xi32>
    %eq3A_103 = arith.constant 1 : i32
    %eq3A_104 = vector.broadcast %eq3A_103 : i32 to vector<3x3xi32>
    %eq3A_105 = arith.cmpi eq, %iota3A_62, %eq3A_104 : vector<3x3xi32>
    %and3A_106 = arith.andi %eq3A_102, %eq3A_105 : vector<3x3xi1>
    %convert_element_type3A_107 = arith.extui %and3A_106 : vector<3x3xi1> to vector<3x3xi32>
    %convert_element_type3A_108 = arith.sitofp %convert_element_type3A_107 : vector<3x3xi32> to vector<3x3xf32>
    %mul3A_109 = vector.broadcast %add3A_27 : f32 to vector<3x3xf32>
    %mul3A_110 = arith.mulf %mul3A_109, %convert_element_type3A_108 : vector<3x3xf32>
    %add3A_111 = arith.addf %mul3A_99, %mul3A_110 : vector<3x3xf32>
    %eq3A_112 = arith.constant 2 : i32
    %eq3A_113 = vector.broadcast %eq3A_112 : i32 to vector<3x3xi32>
    %eq3A_114 = arith.cmpi eq, %iota3A, %eq3A_113 : vector<3x3xi32>
    %eq3A_115 = arith.constant 2 : i32
    %eq3A_116 = vector.broadcast %eq3A_115 : i32 to vector<3x3xi32>
    %eq3A_117 = arith.cmpi eq, %iota3A_62, %eq3A_116 : vector<3x3xi32>
    %and3A_118 = arith.andi %eq3A_114, %eq3A_117 : vector<3x3xi1>
    %convert_element_type3A_119 = arith.extui %and3A_118 : vector<3x3xi1> to vector<3x3xi32>
    %convert_element_type3A_120 = arith.sitofp %convert_element_type3A_119 : vector<3x3xi32> to vector<3x3xf32>
    %mul3A_121 = vector.broadcast %add3A_37 : f32 to vector<3x3xf32>
    %mul3A_122 = arith.mulf %mul3A_121, %convert_element_type3A_120 : vector<3x3xf32>
    %add3A_123 = arith.addf %add3A_111, %mul3A_122 : vector<3x3xf32>
    %eq3A_124 = arith.constant 0 : i32
    %eq3A_125 = vector.broadcast %eq3A_124 : i32 to vector<3x3xi32>
    %eq3A_126 = arith.cmpi eq, %iota3A, %eq3A_125 : vector<3x3xi32>
    %eq3A_127 = arith.constant 1 : i32
    %eq3A_128 = vector.broadcast %eq3A_127 : i32 to vector<3x3xi32>
    %eq3A_129 = arith.cmpi eq, %iota3A_62, %eq3A_128 : vector<3x3xi32>
    %and3A_130 = arith.andi %eq3A_126, %eq3A_129 : vector<3x3xi1>
    %convert_element_type3A_131 = arith.extui %and3A_130 : vector<3x3xi1> to vector<3x3xi32>
    %convert_element_type3A_132 = arith.sitofp %convert_element_type3A_131 : vector<3x3xi32> to vector<3x3xf32>
    %eq3A_133 = arith.constant 1 : i32
    %eq3A_134 = vector.broadcast %eq3A_133 : i32 to vector<3x3xi32>
    %eq3A_135 = arith.cmpi eq, %iota3A, %eq3A_134 : vector<3x3xi32>
    %eq3A_136 = arith.constant 0 : i32
    %eq3A_137 = vector.broadcast %eq3A_136 : i32 to vector<3x3xi32>
    %eq3A_138 = arith.cmpi eq, %iota3A_62, %eq3A_137 : vector<3x3xi32>
    %and3A_139 = arith.andi %eq3A_135, %eq3A_138 : vector<3x3xi1>
    %convert_element_type3A_140 = arith.extui %and3A_139 : vector<3x3xi1> to vector<3x3xi32>
    %convert_element_type3A_141 = arith.sitofp %convert_element_type3A_140 : vector<3x3xi32> to vector<3x3xf32>
    %add3A_142 = arith.addf %convert_element_type3A_132, %convert_element_type3A_141 : vector<3x3xf32>
    %mul3A_143 = vector.broadcast %div3A_45 : f32 to vector<3x3xf32>
    %mul3A_144 = arith.mulf %mul3A_143, %add3A_142 : vector<3x3xf32>
    %add3A_145 = arith.addf %add3A_123, %mul3A_144 : vector<3x3xf32>
    %eq3A_146 = arith.constant 0 : i32
    %eq3A_147 = vector.broadcast %eq3A_146 : i32 to vector<3x3xi32>
    %eq3A_148 = arith.cmpi eq, %iota3A, %eq3A_147 : vector<3x3xi32>
    %eq3A_149 = arith.constant 2 : i32
    %eq3A_150 = vector.broadcast %eq3A_149 : i32 to vector<3x3xi32>
    %eq3A_151 = arith.cmpi eq, %iota3A_62, %eq3A_150 : vector<3x3xi32>
    %and3A_152 = arith.andi %eq3A_148, %eq3A_151 : vector<3x3xi1>
    %convert_element_type3A_153 = arith.extui %and3A_152 : vector<3x3xi1> to vector<3x3xi32>
    %convert_element_type3A_154 = arith.sitofp %convert_element_type3A_153 : vector<3x3xi32> to vector<3x3xf32>
    %eq3A_155 = arith.constant 2 : i32
    %eq3A_156 = vector.broadcast %eq3A_155 : i32 to vector<3x3xi32>
    %eq3A_157 = arith.cmpi eq, %iota3A, %eq3A_156 : vector<3x3xi32>
    %eq3A_158 = arith.constant 0 : i32
    %eq3A_159 = vector.broadcast %eq3A_158 : i32 to vector<3x3xi32>
    %eq3A_160 = arith.cmpi eq, %iota3A_62, %eq3A_159 : vector<3x3xi32>
    %and3A_161 = arith.andi %eq3A_157, %eq3A_160 : vector<3x3xi1>
    %convert_element_type3A_162 = arith.extui %and3A_161 : vector<3x3xi1> to vector<3x3xi32>
    %convert_element_type3A_163 = arith.sitofp %convert_element_type3A_162 : vector<3x3xi32> to vector<3x3xf32>
    %add3A_164 = arith.addf %convert_element_type3A_154, %convert_element_type3A_163 : vector<3x3xf32>
    %mul3A_165 = vector.broadcast %div3A_53 : f32 to vector<3x3xf32>
    %mul3A_166 = arith.mulf %mul3A_165, %add3A_164 : vector<3x3xf32>
    %add3A_167 = arith.addf %add3A_145, %mul3A_166 : vector<3x3xf32>
    %eq3A_168 = arith.constant 1 : i32
    %eq3A_169 = vector.broadcast %eq3A_168 : i32 to vector<3x3xi32>
    %eq3A_170 = arith.cmpi eq, %iota3A, %eq3A_169 : vector<3x3xi32>
    %eq3A_171 = arith.constant 2 : i32
    %eq3A_172 = vector.broadcast %eq3A_171 : i32 to vector<3x3xi32>
    %eq3A_173 = arith.cmpi eq, %iota3A_62, %eq3A_172 : vector<3x3xi32>
    %and3A_174 = arith.andi %eq3A_170, %eq3A_173 : vector<3x3xi1>
    %convert_element_type3A_175 = arith.extui %and3A_174 : vector<3x3xi1> to vector<3x3xi32>
    %convert_element_type3A_176 = arith.sitofp %convert_element_type3A_175 : vector<3x3xi32> to vector<3x3xf32>
    %eq3A_177 = arith.constant 2 : i32
    %eq3A_178 = vector.broadcast %eq3A_177 : i32 to vector<3x3xi32>
    %eq3A_179 = arith.cmpi eq, %iota3A, %eq3A_178 : vector<3x3xi32>
    %eq3A_180 = arith.constant 1 : i32
    %eq3A_181 = vector.broadcast %eq3A_180 : i32 to vector<3x3xi32>
    %eq3A_182 = arith.cmpi eq, %iota3A_62, %eq3A_181 : vector<3x3xi32>
    %and3A_183 = arith.andi %eq3A_179, %eq3A_182 : vector<3x3xi1>
    %convert_element_type3A_184 = arith.extui %and3A_183 : vector<3x3xi1> to vector<3x3xi32>
    %convert_element_type3A_185 = arith.sitofp %convert_element_type3A_184 : vector<3x3xi32> to vector<3x3xf32>
    %add3A_186 = arith.addf %convert_element_type3A_176, %convert_element_type3A_185 : vector<3x3xf32>
    %mul3A_187 = vector.broadcast %div3A_61 : f32 to vector<3x3xf32>
    %mul3A_188 = arith.mulf %mul3A_187, %add3A_186 : vector<3x3xf32>
    %add3A_189 = arith.addf %add3A_167, %mul3A_188 : vector<3x3xf32>
    %add3A_190 = arith.addf %add3A_17, %add3A_27 : f32
    %add3A_191 = arith.addf %add3A_190, %add3A_37 : f32
    %div3A_192 = arith.constant 1.000000e+00 : f32
    %div3A_193 = arith.divf %div3A_192, %add3A_191 : f32
    %mul3A_194 = vector.broadcast %div3A_193 : f32 to vector<3x3xf32>
    %mul3A_195 = arith.mulf %add3A_189, %mul3A_194 : vector<3x3xf32>
    %scan3A = arith.constant 0 : i32
    %scan3A_196 = arith.constant 24 : i32
    %scan3A_197 = arith.addi %scan3A, %scan3A_196 : i32
    %scan3A_198 = arith.constant 1 : i32
    %scan3A_199:2 = scf.for %scan3A_372 = %scan3A to %scan3A_197 step %scan3A_198 iter_args(%scan3A_373 = %mul3A_195, %scan3A_374 = %add3A_88) -> (vector<3x3xf32>, vector<3x3xf32>)  : i32 {
      %mul3A_375 = arith.constant 3.000000e+00 : f32
      %mul3A_376 = vector.broadcast %mul3A_375 : f32 to vector<3x3xf32>
      %mul3A_377 = arith.mulf %mul3A_376, %add3A_88 : vector<3x3xf32>
      %slice3A_378 = vector.extract_strided_slice %scan3A_374 {offsets = [0, 0], sizes = [3, 1], strides = [1, 1]} : vector<3x3xf32> to vector<3x1xf32>
      %slice3A_379 = vector.extract_strided_slice %scan3A_373 {offsets = [0, 0], sizes = [1, 3], strides = [1, 1]} : vector<3x3xf32> to vector<1x3xf32>
      %mul3A_380 = vector.broadcast %slice3A_378 : vector<3x1xf32> to vector<3x3xf32>
      %mul3A_381 = vector.broadcast %slice3A_379 : vector<1x3xf32> to vector<3x3xf32>
      %mul3A_382 = arith.mulf %mul3A_380, %mul3A_381 : vector<3x3xf32>
      %slice3A_383 = vector.extract_strided_slice %scan3A_374 {offsets = [0, 1], sizes = [3, 1], strides = [1, 1]} : vector<3x3xf32> to vector<3x1xf32>
      %slice3A_384 = vector.extract_strided_slice %scan3A_373 {offsets = [1, 0], sizes = [1, 3], strides = [1, 1]} : vector<3x3xf32> to vector<1x3xf32>
      %mul3A_385 = vector.broadcast %slice3A_383 : vector<3x1xf32> to vector<3x3xf32>
      %mul3A_386 = vector.broadcast %slice3A_384 : vector<1x3xf32> to vector<3x3xf32>
      %mul3A_387 = arith.mulf %mul3A_385, %mul3A_386 : vector<3x3xf32>
      %add3A_388 = arith.addf %mul3A_382, %mul3A_387 : vector<3x3xf32>
      %slice3A_389 = vector.extract_strided_slice %scan3A_374 {offsets = [0, 2], sizes = [3, 1], strides = [1, 1]} : vector<3x3xf32> to vector<3x1xf32>
      %slice3A_390 = vector.extract_strided_slice %scan3A_373 {offsets = [2, 0], sizes = [1, 3], strides = [1, 1]} : vector<3x3xf32> to vector<1x3xf32>
      %mul3A_391 = vector.broadcast %slice3A_389 : vector<3x1xf32> to vector<3x3xf32>
      %mul3A_392 = vector.broadcast %slice3A_390 : vector<1x3xf32> to vector<3x3xf32>
      %mul3A_393 = arith.mulf %mul3A_391, %mul3A_392 : vector<3x3xf32>
      %add3A_394 = arith.addf %add3A_388, %mul3A_393 : vector<3x3xf32>
      %sub3A_395 = arith.subf %mul3A_377, %add3A_394 : vector<3x3xf32>
      %slice3A_396 = vector.extract_strided_slice %scan3A_373 {offsets = [0, 0], sizes = [3, 1], strides = [1, 1]} : vector<3x3xf32> to vector<3x1xf32>
      %slice3A_397 = vector.extract_strided_slice %sub3A_395 {offsets = [0, 0], sizes = [1, 3], strides = [1, 1]} : vector<3x3xf32> to vector<1x3xf32>
      %mul3A_398 = vector.broadcast %slice3A_396 : vector<3x1xf32> to vector<3x3xf32>
      %mul3A_399 = vector.broadcast %slice3A_397 : vector<1x3xf32> to vector<3x3xf32>
      %mul3A_400 = arith.mulf %mul3A_398, %mul3A_399 : vector<3x3xf32>
      %slice3A_401 = vector.extract_strided_slice %scan3A_373 {offsets = [0, 1], sizes = [3, 1], strides = [1, 1]} : vector<3x3xf32> to vector<3x1xf32>
      %slice3A_402 = vector.extract_strided_slice %sub3A_395 {offsets = [1, 0], sizes = [1, 3], strides = [1, 1]} : vector<3x3xf32> to vector<1x3xf32>
      %mul3A_403 = vector.broadcast %slice3A_401 : vector<3x1xf32> to vector<3x3xf32>
      %mul3A_404 = vector.broadcast %slice3A_402 : vector<1x3xf32> to vector<3x3xf32>
      %mul3A_405 = arith.mulf %mul3A_403, %mul3A_404 : vector<3x3xf32>
      %add3A_406 = arith.addf %mul3A_400, %mul3A_405 : vector<3x3xf32>
      %slice3A_407 = vector.extract_strided_slice %scan3A_373 {offsets = [0, 2], sizes = [3, 1], strides = [1, 1]} : vector<3x3xf32> to vector<3x1xf32>
      %slice3A_408 = vector.extract_strided_slice %sub3A_395 {offsets = [2, 0], sizes = [1, 3], strides = [1, 1]} : vector<3x3xf32> to vector<1x3xf32>
      %mul3A_409 = vector.broadcast %slice3A_407 : vector<3x1xf32> to vector<3x3xf32>
      %mul3A_410 = vector.broadcast %slice3A_408 : vector<1x3xf32> to vector<3x3xf32>
      %mul3A_411 = arith.mulf %mul3A_409, %mul3A_410 : vector<3x3xf32>
      %add3A_412 = arith.addf %add3A_406, %mul3A_411 : vector<3x3xf32>
      %mul3A_413 = arith.constant 5.000000e-01 : f32
      %mul3A_414 = vector.broadcast %mul3A_413 : f32 to vector<3x3xf32>
      %mul3A_415 = arith.mulf %mul3A_414, %add3A_412 : vector<3x3xf32>
      %slice3A_416 = vector.extract_strided_slice %sub3A_395 {offsets = [0, 0], sizes = [3, 1], strides = [1, 1]} : vector<3x3xf32> to vector<3x1xf32>
      %slice3A_417 = vector.extract_strided_slice %scan3A_374 {offsets = [0, 0], sizes = [1, 3], strides = [1, 1]} : vector<3x3xf32> to vector<1x3xf32>
      %mul3A_418 = vector.broadcast %slice3A_416 : vector<3x1xf32> to vector<3x3xf32>
      %mul3A_419 = vector.broadcast %slice3A_417 : vector<1x3xf32> to vector<3x3xf32>
      %mul3A_420 = arith.mulf %mul3A_418, %mul3A_419 : vector<3x3xf32>
      %slice3A_421 = vector.extract_strided_slice %sub3A_395 {offsets = [0, 1], sizes = [3, 1], strides = [1, 1]} : vector<3x3xf32> to vector<3x1xf32>
      %slice3A_422 = vector.extract_strided_slice %scan3A_374 {offsets = [1, 0], sizes = [1, 3], strides = [1, 1]} : vector<3x3xf32> to vector<1x3xf32>
      %mul3A_423 = vector.broadcast %slice3A_421 : vector<3x1xf32> to vector<3x3xf32>
      %mul3A_424 = vector.broadcast %slice3A_422 : vector<1x3xf32> to vector<3x3xf32>
      %mul3A_425 = arith.mulf %mul3A_423, %mul3A_424 : vector<3x3xf32>
      %add3A_426 = arith.addf %mul3A_420, %mul3A_425 : vector<3x3xf32>
      %slice3A_427 = vector.extract_strided_slice %sub3A_395 {offsets = [0, 2], sizes = [3, 1], strides = [1, 1]} : vector<3x3xf32> to vector<3x1xf32>
      %slice3A_428 = vector.extract_strided_slice %scan3A_374 {offsets = [2, 0], sizes = [1, 3], strides = [1, 1]} : vector<3x3xf32> to vector<1x3xf32>
      %mul3A_429 = vector.broadcast %slice3A_427 : vector<3x1xf32> to vector<3x3xf32>
      %mul3A_430 = vector.broadcast %slice3A_428 : vector<1x3xf32> to vector<3x3xf32>
      %mul3A_431 = arith.mulf %mul3A_429, %mul3A_430 : vector<3x3xf32>
      %add3A_432 = arith.addf %add3A_426, %mul3A_431 : vector<3x3xf32>
      %mul3A_433 = arith.constant 5.000000e-01 : f32
      %mul3A_434 = vector.broadcast %mul3A_433 : f32 to vector<3x3xf32>
      %mul3A_435 = arith.mulf %mul3A_434, %add3A_432 : vector<3x3xf32>
      scf.yield %mul3A_415, %mul3A_435 : vector<3x3xf32>, vector<3x3xf32>
    }
    %rsqrt3A = math.rsqrt %add3A_191 : f32
    %mul3A_200 = vector.broadcast %rsqrt3A : f32 to vector<3x3xf32>
    %mul3A_201 = arith.mulf %scan3A_199#1, %mul3A_200 : vector<3x3xf32>
    %eq3A_202 = arith.constant 0 : i32
    %eq3A_203 = vector.broadcast %eq3A_202 : i32 to vector<3x3xi32>
    %eq3A_204 = arith.cmpi eq, %iota3A, %eq3A_203 : vector<3x3xi32>
    %eq3A_205 = arith.constant 0 : i32
    %eq3A_206 = vector.broadcast %eq3A_205 : i32 to vector<3x3xi32>
    %eq3A_207 = arith.cmpi eq, %iota3A_62, %eq3A_206 : vector<3x3xi32>
    %and3A_208 = arith.andi %eq3A_204, %eq3A_207 : vector<3x3xi1>
    %convert_element_type3A_209 = arith.extui %and3A_208 : vector<3x3xi1> to vector<3x3xi32>
    %convert_element_type3A_210 = arith.sitofp %convert_element_type3A_209 : vector<3x3xi32> to vector<3x3xf32>
    %mul3A_211 = arith.mulf %mul3A_201, %convert_element_type3A_210 : vector<3x3xf32>
    %reduce_sum3A_212 = vector.shape_cast %mul3A_211 : vector<3x3xf32> to vector<1x3x3xf32>
    %reduce_sum3A_213 = arith.constant dense<0.000000e+00> : vector<1xf32>
    %reduce_sum3A_214 = vector.multi_reduction <add>, %reduce_sum3A_212, %reduce_sum3A_213 [1, 2] : vector<1x3x3xf32> to vector<1xf32>
    %reduce_sum3A_215 = vector.shape_cast %reduce_sum3A_214 : vector<1xf32> to vector<1x1x1xf32>
    %reduce_sum3A_216 = vector.extract %reduce_sum3A_215[0, 0, 0] : f32 from vector<1x1x1xf32>
    %eq3A_217 = arith.constant 0 : i32
    %eq3A_218 = vector.broadcast %eq3A_217 : i32 to vector<3x3xi32>
    %eq3A_219 = arith.cmpi eq, %iota3A, %eq3A_218 : vector<3x3xi32>
    %eq3A_220 = arith.constant 1 : i32
    %eq3A_221 = vector.broadcast %eq3A_220 : i32 to vector<3x3xi32>
    %eq3A_222 = arith.cmpi eq, %iota3A_62, %eq3A_221 : vector<3x3xi32>
    %and3A_223 = arith.andi %eq3A_219, %eq3A_222 : vector<3x3xi1>
    %convert_element_type3A_224 = arith.extui %and3A_223 : vector<3x3xi1> to vector<3x3xi32>
    %convert_element_type3A_225 = arith.sitofp %convert_element_type3A_224 : vector<3x3xi32> to vector<3x3xf32>
    %mul3A_226 = arith.mulf %mul3A_201, %convert_element_type3A_225 : vector<3x3xf32>
    %reduce_sum3A_227 = vector.shape_cast %mul3A_226 : vector<3x3xf32> to vector<1x3x3xf32>
    %reduce_sum3A_228 = arith.constant dense<0.000000e+00> : vector<1xf32>
    %reduce_sum3A_229 = vector.multi_reduction <add>, %reduce_sum3A_227, %reduce_sum3A_228 [1, 2] : vector<1x3x3xf32> to vector<1xf32>
    %reduce_sum3A_230 = vector.shape_cast %reduce_sum3A_229 : vector<1xf32> to vector<1x1x1xf32>
    %reduce_sum3A_231 = vector.extract %reduce_sum3A_230[0, 0, 0] : f32 from vector<1x1x1xf32>
    %eq3A_232 = arith.constant 0 : i32
    %eq3A_233 = vector.broadcast %eq3A_232 : i32 to vector<3x3xi32>
    %eq3A_234 = arith.cmpi eq, %iota3A, %eq3A_233 : vector<3x3xi32>
    %eq3A_235 = arith.constant 2 : i32
    %eq3A_236 = vector.broadcast %eq3A_235 : i32 to vector<3x3xi32>
    %eq3A_237 = arith.cmpi eq, %iota3A_62, %eq3A_236 : vector<3x3xi32>
    %and3A_238 = arith.andi %eq3A_234, %eq3A_237 : vector<3x3xi1>
    %convert_element_type3A_239 = arith.extui %and3A_238 : vector<3x3xi1> to vector<3x3xi32>
    %convert_element_type3A_240 = arith.sitofp %convert_element_type3A_239 : vector<3x3xi32> to vector<3x3xf32>
    %mul3A_241 = arith.mulf %mul3A_201, %convert_element_type3A_240 : vector<3x3xf32>
    %reduce_sum3A_242 = vector.shape_cast %mul3A_241 : vector<3x3xf32> to vector<1x3x3xf32>
    %reduce_sum3A_243 = arith.constant dense<0.000000e+00> : vector<1xf32>
    %reduce_sum3A_244 = vector.multi_reduction <add>, %reduce_sum3A_242, %reduce_sum3A_243 [1, 2] : vector<1x3x3xf32> to vector<1xf32>
    %reduce_sum3A_245 = vector.shape_cast %reduce_sum3A_244 : vector<1xf32> to vector<1x1x1xf32>
    %reduce_sum3A_246 = vector.extract %reduce_sum3A_245[0, 0, 0] : f32 from vector<1x1x1xf32>
    %eq3A_247 = arith.constant 1 : i32
    %eq3A_248 = vector.broadcast %eq3A_247 : i32 to vector<3x3xi32>
    %eq3A_249 = arith.cmpi eq, %iota3A, %eq3A_248 : vector<3x3xi32>
    %eq3A_250 = arith.constant 0 : i32
    %eq3A_251 = vector.broadcast %eq3A_250 : i32 to vector<3x3xi32>
    %eq3A_252 = arith.cmpi eq, %iota3A_62, %eq3A_251 : vector<3x3xi32>
    %and3A_253 = arith.andi %eq3A_249, %eq3A_252 : vector<3x3xi1>
    %convert_element_type3A_254 = arith.extui %and3A_253 : vector<3x3xi1> to vector<3x3xi32>
    %convert_element_type3A_255 = arith.sitofp %convert_element_type3A_254 : vector<3x3xi32> to vector<3x3xf32>
    %mul3A_256 = arith.mulf %mul3A_201, %convert_element_type3A_255 : vector<3x3xf32>
    %reduce_sum3A_257 = vector.shape_cast %mul3A_256 : vector<3x3xf32> to vector<1x3x3xf32>
    %reduce_sum3A_258 = arith.constant dense<0.000000e+00> : vector<1xf32>
    %reduce_sum3A_259 = vector.multi_reduction <add>, %reduce_sum3A_257, %reduce_sum3A_258 [1, 2] : vector<1x3x3xf32> to vector<1xf32>
    %reduce_sum3A_260 = vector.shape_cast %reduce_sum3A_259 : vector<1xf32> to vector<1x1x1xf32>
    %reduce_sum3A_261 = vector.extract %reduce_sum3A_260[0, 0, 0] : f32 from vector<1x1x1xf32>
    %eq3A_262 = arith.constant 1 : i32
    %eq3A_263 = vector.broadcast %eq3A_262 : i32 to vector<3x3xi32>
    %eq3A_264 = arith.cmpi eq, %iota3A, %eq3A_263 : vector<3x3xi32>
    %eq3A_265 = arith.constant 1 : i32
    %eq3A_266 = vector.broadcast %eq3A_265 : i32 to vector<3x3xi32>
    %eq3A_267 = arith.cmpi eq, %iota3A_62, %eq3A_266 : vector<3x3xi32>
    %and3A_268 = arith.andi %eq3A_264, %eq3A_267 : vector<3x3xi1>
    %convert_element_type3A_269 = arith.extui %and3A_268 : vector<3x3xi1> to vector<3x3xi32>
    %convert_element_type3A_270 = arith.sitofp %convert_element_type3A_269 : vector<3x3xi32> to vector<3x3xf32>
    %mul3A_271 = arith.mulf %mul3A_201, %convert_element_type3A_270 : vector<3x3xf32>
    %reduce_sum3A_272 = vector.shape_cast %mul3A_271 : vector<3x3xf32> to vector<1x3x3xf32>
    %reduce_sum3A_273 = arith.constant dense<0.000000e+00> : vector<1xf32>
    %reduce_sum3A_274 = vector.multi_reduction <add>, %reduce_sum3A_272, %reduce_sum3A_273 [1, 2] : vector<1x3x3xf32> to vector<1xf32>
    %reduce_sum3A_275 = vector.shape_cast %reduce_sum3A_274 : vector<1xf32> to vector<1x1x1xf32>
    %reduce_sum3A_276 = vector.extract %reduce_sum3A_275[0, 0, 0] : f32 from vector<1x1x1xf32>
    %eq3A_277 = arith.constant 1 : i32
    %eq3A_278 = vector.broadcast %eq3A_277 : i32 to vector<3x3xi32>
    %eq3A_279 = arith.cmpi eq, %iota3A, %eq3A_278 : vector<3x3xi32>
    %eq3A_280 = arith.constant 2 : i32
    %eq3A_281 = vector.broadcast %eq3A_280 : i32 to vector<3x3xi32>
    %eq3A_282 = arith.cmpi eq, %iota3A_62, %eq3A_281 : vector<3x3xi32>
    %and3A_283 = arith.andi %eq3A_279, %eq3A_282 : vector<3x3xi1>
    %convert_element_type3A_284 = arith.extui %and3A_283 : vector<3x3xi1> to vector<3x3xi32>
    %convert_element_type3A_285 = arith.sitofp %convert_element_type3A_284 : vector<3x3xi32> to vector<3x3xf32>
    %mul3A_286 = arith.mulf %mul3A_201, %convert_element_type3A_285 : vector<3x3xf32>
    %reduce_sum3A_287 = vector.shape_cast %mul3A_286 : vector<3x3xf32> to vector<1x3x3xf32>
    %reduce_sum3A_288 = arith.constant dense<0.000000e+00> : vector<1xf32>
    %reduce_sum3A_289 = vector.multi_reduction <add>, %reduce_sum3A_287, %reduce_sum3A_288 [1, 2] : vector<1x3x3xf32> to vector<1xf32>
    %reduce_sum3A_290 = vector.shape_cast %reduce_sum3A_289 : vector<1xf32> to vector<1x1x1xf32>
    %reduce_sum3A_291 = vector.extract %reduce_sum3A_290[0, 0, 0] : f32 from vector<1x1x1xf32>
    %eq3A_292 = arith.constant 2 : i32
    %eq3A_293 = vector.broadcast %eq3A_292 : i32 to vector<3x3xi32>
    %eq3A_294 = arith.cmpi eq, %iota3A, %eq3A_293 : vector<3x3xi32>
    %eq3A_295 = arith.constant 0 : i32
    %eq3A_296 = vector.broadcast %eq3A_295 : i32 to vector<3x3xi32>
    %eq3A_297 = arith.cmpi eq, %iota3A_62, %eq3A_296 : vector<3x3xi32>
    %and3A_298 = arith.andi %eq3A_294, %eq3A_297 : vector<3x3xi1>
    %convert_element_type3A_299 = arith.extui %and3A_298 : vector<3x3xi1> to vector<3x3xi32>
    %convert_element_type3A_300 = arith.sitofp %convert_element_type3A_299 : vector<3x3xi32> to vector<3x3xf32>
    %mul3A_301 = arith.mulf %mul3A_201, %convert_element_type3A_300 : vector<3x3xf32>
    %reduce_sum3A_302 = vector.shape_cast %mul3A_301 : vector<3x3xf32> to vector<1x3x3xf32>
    %reduce_sum3A_303 = arith.constant dense<0.000000e+00> : vector<1xf32>
    %reduce_sum3A_304 = vector.multi_reduction <add>, %reduce_sum3A_302, %reduce_sum3A_303 [1, 2] : vector<1x3x3xf32> to vector<1xf32>
    %reduce_sum3A_305 = vector.shape_cast %reduce_sum3A_304 : vector<1xf32> to vector<1x1x1xf32>
    %reduce_sum3A_306 = vector.extract %reduce_sum3A_305[0, 0, 0] : f32 from vector<1x1x1xf32>
    %eq3A_307 = arith.constant 2 : i32
    %eq3A_308 = vector.broadcast %eq3A_307 : i32 to vector<3x3xi32>
    %eq3A_309 = arith.cmpi eq, %iota3A, %eq3A_308 : vector<3x3xi32>
    %eq3A_310 = arith.constant 1 : i32
    %eq3A_311 = vector.broadcast %eq3A_310 : i32 to vector<3x3xi32>
    %eq3A_312 = arith.cmpi eq, %iota3A_62, %eq3A_311 : vector<3x3xi32>
    %and3A_313 = arith.andi %eq3A_309, %eq3A_312 : vector<3x3xi1>
    %convert_element_type3A_314 = arith.extui %and3A_313 : vector<3x3xi1> to vector<3x3xi32>
    %convert_element_type3A_315 = arith.sitofp %convert_element_type3A_314 : vector<3x3xi32> to vector<3x3xf32>
    %mul3A_316 = arith.mulf %mul3A_201, %convert_element_type3A_315 : vector<3x3xf32>
    %reduce_sum3A_317 = vector.shape_cast %mul3A_316 : vector<3x3xf32> to vector<1x3x3xf32>
    %reduce_sum3A_318 = arith.constant dense<0.000000e+00> : vector<1xf32>
    %reduce_sum3A_319 = vector.multi_reduction <add>, %reduce_sum3A_317, %reduce_sum3A_318 [1, 2] : vector<1x3x3xf32> to vector<1xf32>
    %reduce_sum3A_320 = vector.shape_cast %reduce_sum3A_319 : vector<1xf32> to vector<1x1x1xf32>
    %reduce_sum3A_321 = vector.extract %reduce_sum3A_320[0, 0, 0] : f32 from vector<1x1x1xf32>
    %eq3A_322 = arith.constant 2 : i32
    %eq3A_323 = vector.broadcast %eq3A_322 : i32 to vector<3x3xi32>
    %eq3A_324 = arith.cmpi eq, %iota3A, %eq3A_323 : vector<3x3xi32>
    %eq3A_325 = arith.constant 2 : i32
    %eq3A_326 = vector.broadcast %eq3A_325 : i32 to vector<3x3xi32>
    %eq3A_327 = arith.cmpi eq, %iota3A_62, %eq3A_326 : vector<3x3xi32>
    %and3A_328 = arith.andi %eq3A_324, %eq3A_327 : vector<3x3xi1>
    %convert_element_type3A_329 = arith.extui %and3A_328 : vector<3x3xi1> to vector<3x3xi32>
    %convert_element_type3A_330 = arith.sitofp %convert_element_type3A_329 : vector<3x3xi32> to vector<3x3xf32>
    %mul3A_331 = arith.mulf %mul3A_201, %convert_element_type3A_330 : vector<3x3xf32>
    %reduce_sum3A_332 = vector.shape_cast %mul3A_331 : vector<3x3xf32> to vector<1x3x3xf32>
    %reduce_sum3A_333 = arith.constant dense<0.000000e+00> : vector<1xf32>
    %reduce_sum3A_334 = vector.multi_reduction <add>, %reduce_sum3A_332, %reduce_sum3A_333 [1, 2] : vector<1x3x3xf32> to vector<1xf32>
    %reduce_sum3A_335 = vector.shape_cast %reduce_sum3A_334 : vector<1xf32> to vector<1x1x1xf32>
    %reduce_sum3A_336 = vector.extract %reduce_sum3A_335[0, 0, 0] : f32 from vector<1x1x1xf32>
    %mul3A_337 = vector.broadcast %reduce_sum3A_216 : f32 to vector<1x65536xf32>
    %mul3A_338 = arith.mulf %mul3A_337, %slice3A : vector<1x65536xf32>
    %mul3A_339 = vector.broadcast %reduce_sum3A_231 : f32 to vector<1x65536xf32>
    %mul3A_340 = arith.mulf %mul3A_339, %slice3A_8 : vector<1x65536xf32>
    %add3A_341 = arith.addf %mul3A_338, %mul3A_340 : vector<1x65536xf32>
    %mul3A_342 = vector.broadcast %reduce_sum3A_246 : f32 to vector<1x65536xf32>
    %mul3A_343 = arith.mulf %mul3A_342, %slice3A_9 : vector<1x65536xf32>
    %add3A_344 = arith.addf %add3A_341, %mul3A_343 : vector<1x65536xf32>
    %mul3A_345 = vector.broadcast %reduce_sum3A_261 : f32 to vector<1x65536xf32>
    %mul3A_346 = arith.mulf %mul3A_345, %slice3A : vector<1x65536xf32>
    %mul3A_347 = vector.broadcast %reduce_sum3A_276 : f32 to vector<1x65536xf32>
    %mul3A_348 = arith.mulf %mul3A_347, %slice3A_8 : vector<1x65536xf32>
    %add3A_349 = arith.addf %mul3A_346, %mul3A_348 : vector<1x65536xf32>
    %mul3A_350 = vector.broadcast %reduce_sum3A_291 : f32 to vector<1x65536xf32>
    %mul3A_351 = arith.mulf %mul3A_350, %slice3A_9 : vector<1x65536xf32>
    %add3A_352 = arith.addf %add3A_349, %mul3A_351 : vector<1x65536xf32>
    %mul3A_353 = vector.broadcast %reduce_sum3A_306 : f32 to vector<1x65536xf32>
    %mul3A_354 = arith.mulf %mul3A_353, %slice3A : vector<1x65536xf32>
    %mul3A_355 = vector.broadcast %reduce_sum3A_321 : f32 to vector<1x65536xf32>
    %mul3A_356 = arith.mulf %mul3A_355, %slice3A_8 : vector<1x65536xf32>
    %add3A_357 = arith.addf %mul3A_354, %mul3A_356 : vector<1x65536xf32>
    %mul3A_358 = vector.broadcast %reduce_sum3A_336 : f32 to vector<1x65536xf32>
    %mul3A_359 = arith.mulf %mul3A_358, %slice3A_9 : vector<1x65536xf32>
    %add3A_360 = arith.addf %add3A_357, %mul3A_359 : vector<1x65536xf32>
    %get3A_361 = arith.constant 0 : index
    %get3A_362 = arith.constant 0 : index
    %get3A_363 = vector.load %arg2[%get3A_361, %get3A_362] : memref<1x65536xf32, #tpu.memory_space<vmem>>, vector<1x65536xf32>
    %mul3A_364 = arith.mulf %add3A_344, %get3A_363 : vector<1x65536xf32>
    %mul3A_365 = arith.mulf %add3A_352, %get3A_363 : vector<1x65536xf32>
    %mul3A_366 = arith.mulf %add3A_360, %get3A_363 : vector<1x65536xf32>
    %concatenate3A = tpu.concatenate %mul3A_364, %mul3A_365, %mul3A_366 in 0 : vector<1x65536xf32>, vector<1x65536xf32>, vector<1x65536xf32> -> vector<3x65536xf32>
    %swap3A = arith.constant 0 : index
    %swap3A_367 = arith.constant 0 : index
    %swap3A_368 = arith.constant 0 : index
    %swap3A_369 = vector.load %arg3[%swap3A, %swap3A_367, %swap3A_368] : memref<1x3x65536xf32, #tpu.memory_space<vmem>>, vector<1x3x65536xf32>
    %swap3A_370 = vector.shape_cast %swap3A_369 : vector<1x3x65536xf32> to vector<3x65536xf32>
    %swap3A_371 = vector.shape_cast %concatenate3A : vector<3x65536xf32> to vector<1x3x65536xf32>
    tpu.vector_store %arg3[%swap3A, %swap3A_367, %swap3A_368], %swap3A_371 {strides = array<i32>} : memref<1x3x65536xf32, #tpu.memory_space<vmem>>, vector<1x3x65536xf32>,
    return
  }
  func.func @transform_0(%arg0: i32) -> (i32, i32, i32) {
    %c0_i32 = arith.constant 0 : i32
    %c0_i32_0 = arith.constant 0 : i32
    %c0_i32_1 = arith.constant 0 : i32
    return %arg0, %c0_i32, %c0_i32_0 : i32, i32, i32
  }
  func.func @transform_1(%arg0: i32) -> (i32, i32) {
    %c0_i32 = arith.constant 0 : i32
    %c0_i32_0 = arith.constant 0 : i32
    %c0_i32_1 = arith.constant 0 : i32
    return %c0_i32, %c0_i32_0 : i32, i32
  }
  func.func @transform_2(%arg0: i32) -> (i32, i32, i32) {
    %c0_i32 = arith.constant 0 : i32
    %c0_i32_0 = arith.constant 0 : i32
    %c0_i32_1 = arith.constant 0 : i32
    return %arg0, %c0_i32, %c0_i32_0 : i32, i32, i32
  }
}

</mosaic_0001>

<sc_bundles>
// kernel: kernel.7.cloned.1.call-start
scs
__scs_entry_jumppad:
0x0: {  	(pc) =	sbr.rel $0x88, $3  }
0x1: {  	(tag) =	ssettag $0x0;
	lr =	simm.s32 $0x1  }
0x2: {  	[smem:$0x3F9C] =	sst lr;
	_ =	strace $0xD0000000  }
0x3: {  	_ = 	snop  }
0x4: {  	_ = 	snop  }
0x5: {  	_ = 	snop  }
0x6: {  	_ = 	snop  }
0x7: {  	_ = 	snop  }
__scs_overlays_trampoline_lowered:
0x8: {  	[smem:$0x3FAB] =	sst s0  }
0x9: {  	[smem:$0x3FAC] =	sst s1  }
0xa: {  	[smem:$0x3FAD] =	sst s2  }
0xb: {  	[smem:$0x3FAE] =	sst s3  }
0xc: {  	[smem:$0x3FAF] =	sst s4  }
0xd: {  	[smem:$0x3FB0] =	sst s5  }
0xe: {  	[smem:$0x3FB1] =	sst s6  }
0xf: {  	[smem:$0x3FB2] =	sst s7  }
0x10: {  	[smem:$0x3FB3] =	sst s8  }
0x11: {  	[smem:$0x3FB4] =	sst s9;
	s0 =	simm.s32 @!p0 $0x0  }
0x12: {  	s1 =	sld [smem:$0x3F9A];
	s0 =	simm.s32 @p0 $0x1  }
0x13: {  	[smem:$0x3FB5] =	sst s0;
	s0 =	simm.s32 @!p1 $0x0  }
0x14: {  	s2 =	sld [smem:$0x3F99];
	s0 =	simm.s32 @p1 $0x1  }
0x15: {  	[smem:$0x3FB6] =	sst s0;
	s0 =	simm.s32 @!p2 $0x0  }
0x16: {  	s3 =	sld [smem:$0x3FDB];
	s0 =	simm.s32 @p2 $0x1  }
0x17: {  	s4 =	simm.s32 $0x1BF5;
	[smem:$0x3FB8] =	sst s0  }
0x18: {  	s0 =	sld [smem:$0x3F9B];
	_ =	swait.ge [sflag:s4], $0x0  }
0x19: {  	s7 =	sld [smem:$0x3F9C]  }
0x1a: {  	s8 =	sadd.s32 $0xFFFFE003, lr  }
0x1b: {  	s9 =	sadd.s32 $0xFFFFFEF7, lr;
	s5 =	simm.s32 $0xFFFFFFFF;
	p2 =	slt.u32 s8, $0xFFFFF086  }
0x1c: {  	p1 =	slt.u32 s9, $0xF7A;
	s5 =	simm.s32 @!p2 $0x0  }
0x1d: {  	s5 =	simm.s32 @p1 $0x1;
	p0 =	seq.s32 s7, s2  }
0x1e: {  	s7 =	smul.u32 @!p0 $0xF7A, s2;
	p2 =	seq.s32 @!p0 s5, $0x0  }
0x1f: {  	s9 =	smul.u32 $0xF7A, s1;
	s8 =	simm.s32 @!p0 $0x1BF5;
	p2 =	por !p2, p0  }
0x20: {  	[sflag:s8] =	ssyncset.s32 @!p0 $0xFFFFF086;
	s6 =	sadd.s32 @!p0 s3, s7;
	s7 =	simm.s32 @!p0 $0x108  }
0x21: {  	s3 =	sadd.s32 s3, s9;
	s6 =	sadd.s32 @!p0 $0x88, s6;
	s7 =	simm.s32 @p2 $0x1082  }
0x22: {  	[simem:s7], [sflag:s8] =	dma.local @!p0 [hbm:s6], $0xF7A  }
0x23: {  	s9 =	sor.u32 $0xD0000000, s2;
	s6 =	simm.s32 $0x108;
	_ =	swait.ge @!p0 [sflag:s8], $0x0  }
0x24: {  	s3 =	sadd.s32 $0x88, s3;
	s6 =	simm.s32 @!p1 $0x1082;
	[sflag:s4] =	ssyncset.s32 $0xFFFFF086  }
0x25: {  	[simem:s6], [sflag:s4] =	dma.local [hbm:s3], $0xF7A  }
0x26: {  	[smem:$0x3F9C] =	sst s1;
	(tag) =	ssettag s2;
	_ =	strace s9  }
0x27: {  	s1 =	sld [smem:$0x3FAC]  }
0x28: {  	s2 =	sld [smem:$0x3FAD]  }
0x29: {  	s4 =	sld [smem:$0x3FAF]  }
0x2a: {  	p0 =	seq.s32 s5, $0x0;
	s5 =	sld [smem:$0x3FB0]  }
0x2b: {  	s6 =	sld [smem:$0x3FB1]  }
0x2c: {  	s7 =	sld [smem:$0x3FB2]  }
0x2d: {  	s3 =	simm.s32 $0x108;
	s8 =	sld [smem:$0x3FB3]  }
0x2e: {  	s3 =	simm.s32 @!p0 $0x1082;
	s9 =	sld [smem:$0x3FB4]  }
0x2f: {  	lr =	sadd.s32 s0, s3;
	s0 =	sld [smem:$0x3FAB]  }
0x30: {  	s3 =	sld [smem:$0x3FAE]  }
0x31: {  	[smem:$0x3FB7] =	sst s10  }
0x32: {  	s10 =	sld [smem:$0x3FB5];
	_ =	sdelay $0x3  }
0x33: {  	p0 =	seq.s32 s10, $0x1;
	s10 =	sld [smem:$0x3FB7];
	_ =	sdelay $0x3  }
0x34: {  	[smem:$0x3FB7] =	sst s10  }
0x35: {  	s10 =	sld [smem:$0x3FB6];
	_ =	sdelay $0x3  }
0x36: {  	p1 =	seq.s32 s10, $0x1;
	s10 =	sld [smem:$0x3FB7];
	_ =	sdelay $0x3  }
0x37: {  	[smem:$0x3FB7] =	sst s10  }
0x38: {  	s10 =	sld [smem:$0x3FB8]  }
0x39: {  	_ = 	snop;
	(pc) =	sbr.ind lr, $3  }
0x3a: {  	_ = 	snop  }
0x3b: {  	_ = 	snop  }
0x3c: {  	p2 =	seq.s32 s10, $0x1;
	s10 =	sld [smem:$0x3FB7]  }
0x3d: {  	_ =	shalt  }
0x3e: {  	_ =	shalt  }
0x3f: {  	_ =	shalt  }
0x40: {  	_ =	shalt  }
0x41: {  	_ =	shalt  }
0x42: {  	_ =	shalt  }
0x43: {  	_ =	shalt  }
0x44: {  	_ =	shalt  }
0x45: {  	_ =	shalt  }
0x46: {  	_ =	shalt  }
0x47: {  	_ =	shalt  }
0x48: {  	_ =	shalt  }
0x49: {  	_ =	shalt  }
0x4a: {  	_ =	shalt  }
0x4b: {  	_ =	shalt  }
0x4c: {  	_ =	shalt  }
0x4d: {  	_ =	shalt  }
0x4e: {  	_ =	shalt  }
0x4f: {  	_ =	shalt  }
0x50: {  	_ =	shalt  }
0x51: {  	_ =	shalt  }
0x52: {  	_ =	shalt  }
0x53: {  	_ =	shalt  }
0x54: {  	_ =	shalt  }
0x55: {  	_ =	shalt  }
0x56: {  	_ =	shalt  }
0x57: {  	_ =	shalt  }
0x58: {  	_ =	shalt  }
0x59: {  	_ =	shalt  }
0x5a: {  	_ =	shalt  }
0x5b: {  	_ =	shalt  }
0x5c: {  	_ =	shalt  }
0x5d: {  	_ =	shalt  }
0x5e: {  	_ =	shalt  }
0x5f: {  	_ =	shalt  }
0x60: {  	_ =	shalt  }
0x61: {  	_ =	shalt  }
0x62: {  	_ =	shalt  }
0x63: {  	_ =	shalt  }
0x64: {  	_ =	shalt  }
0x65: {  	_ =	shalt  }
0x66: {  	_ =	shalt  }
0x67: {  	_ =	shalt  }
0x68: {  	_ =	shalt  }
0x69: {  	_ =	shalt  }
0x6a: {  	_ =	shalt  }
0x6b: {  	_ =	shalt  }
0x6c: {  	_ =	shalt  }
0x6d: {  	_ =	shalt  }
0x6e: {  	_ =	shalt  }
0x6f: {  	_ =	shalt  }
0x70: {  	_ =	shalt  }
0x71: {  	_ =	shalt  }
0x72: {  	_ =	shalt  }
0x73: {  	_ =	shalt  }
0x74: {  	_ =	shalt  }
0x75: {  	_ =	shalt  }
0x76: {  	_ =	shalt  }
0x77: {  	_ =	shalt  }
0x78: {  	_ =	shalt  }
0x79: {  	_ =	shalt  }
0x7a: {  	_ =	shalt  }
0x7b: {  	_ =	shalt  }
0x7c: {  	_ =	shalt  }
0x7d: {  	_ =	shalt  }
0x7e: {  	_ =	shalt  }
0x7f: {  	_ =	shalt  }
0x80: {  	_ =	shalt  }
0x81: {  	_ =	shalt  }
0x82: {  	_ =	shalt  }
0x83: {  	_ =	shalt  }
0x84: {  	_ =	shalt  }
0x85: {  	_ =	shalt  }
0x86: {  	_ =	shalt  }
0x87: {  	_ =	shalt  }
.Lfunc_end0:
.L_simem_size_0:
called_computation_lowered:
.L_overlay_start_0:
0x88: {  	s2 =	sld [smem:$0x3FD9]  }
0x89: {  	s3 =	sld [smem:$0x3FFE];
	_ =	sdelay $0x1  }
0x8a: {  	s1 =	srdreg.scid  }
0x8b: {  	s0 =	sand.u32 $0x1, s1  }
0x8c: {  	s14 =	sshll.u32 s0, $0xA;
	s2 =	sadd.s32 s3, s2  }
0x8d: {  	s2 =	sadd.s32 s2, s14  }
0x8e: {  	[smem:$0x3FC3] =	sst s2  }
0x8f: {  	_ = 	snop  }
0x90: {  	s2 =	sld [smem:$0x3FD0];
	_ =	sdelay $0x2  }
0x91: {  	s15 =	simm.s32 $0xA;
	s4 =	simm.s32 $0x10  }
0x92: {  	[smem:s4], [sflag:s15] =	dma.local [hbm:s2], $0x1  }
0x93: {  	_ =	swait.eq [sflag:s15], $0x1  }
0x94: {  	[sflag:s15] =	ssyncset.done $0x0  }
0x95: {  	[sflag:s15] =	ssyncadd.s32 $0xFFFFFFFF  }
0x96: {  	s16 =	sld [smem:$0x11];
	(tm) =	ssettm $0x1  }
0x97: {  	s17 =	sld [smem:$0x3FFB];
	_ =	sdelay $0x3  }
0x98: {  	_ =	strace s17  }
0x99: {  	s3 =	sld [smem:$0x3FFC];
	_ =	sdelay $0x3  }
0x9a: {  	_ =	strace s3  }
0x9b: {  	s3 =	sld [smem:$0x3FFD];
	_ =	sdelay $0x3  }
0x9c: {  	_ =	strace s3  }
0x9d: {  	_ =	strace $0x8FFFFFFF  }
0x9e: {  	s18 =	sld [smem:$0x3FDB];
	_ =	sdelay $0x1  }
0x9f: {  	s19 =	simm.s32 $_scs_section_size  }
0xa0: {  	s5 =	simm.s32 $_size__tile_overlayer_lowered;
	s6 =	simm.s32 $_tile_overlayer_lowered  }
0xa1: {  	s22 =	simm.s32 $0x1BFF;
	s21 =	sshll.u32 s6, $0x1;
	s3 =	sadd.s32 s19, s18  }
0xa2: {  	s7 =	simm.s32 $0x0;
	s20 =	sshll.u32 s5, $0x1;
	s5 =	sadd.s32 s21, s3  }
0xa3: {  	[timem:s7], [sflag:s22] =	dma.local [hbm:s5], s20  }
0xa4: {  	_ =	swait.ge [sflag:s22], s20  }
0xa5: {  	s4 =	ssub.s32 $0x0, s20;
	[sflag:s22] =	ssyncset.done $0x0  }
0xa6: {  	[sflag:s22] =	ssyncadd.s32 s4;
	_ =	sdelay $0x1  }
0xa7: {  	s23 =	simm.s32 $0x1B8B  }
0xa8: {  	_ =	swait.ge [sflag:s23], $0x1  }
0xa9: {  	[sflag:s23] =	ssyncset.done $0x0  }
0xaa: {  	s25 =	simm.s32 $0x1B8E;
	s24 =	sld [smem:$0x3FFE];
	[sflag:s23] =	ssyncadd.s32 $0xFFFFFFFF  }
0xab: {  	s26 =	simm.s32 $execute0_lowered;
	[smem:$0x3FD2] =	sst s25  }
0xac: {  	s5 =	sshll.u32 s26, $0x1;
	_ =	strace $0x80000046;
	[dreg:$0x1] =	wrdreg $0xFFFFFFFF  }
0xad: {  	s28 =	simm.s32 $_size_execute0_lowered;
	s3 =	sadd.s32 s3, s5;
	[dreg:$0x0] =	wrdreg $0x0  }
0xae: {  	s5 =	sshll.u32 s28, $0x1;
	[dreg:$0x2] =	wrdreg s3  }
0xaf: {  	[dreg:$0x3] =	wrdreg s5  }
0xb0: {  	[dreg:$0x4] =	wrdreg $0xC0  }
0xb1: {  	_ =	task [dreg:s7], $0x5FFFF  }
0xb2: {  	[dreg:$0x1] =	wrdreg $0xFFFFFFFF  }
0xb3: {  	[dreg:$0x0] =	wrdreg $0x60  }
0xb4: {  	[dreg:$0x2] =	wrdreg s24  }
0xb5: {  	[dreg:$0x3] =	wrdreg s16  }
0xb6: {  	[dreg:$0x4] =	wrdreg $0x9  }
0xb7: {  	_ =	task.clear_ibuf [dreg:s7], $0x5FFFF;
	_ =	strace $0x90000046  }
0xb8: {  	s29 =	simm.s32 $0x9;
	_ =	strace $0x80000048  }
0xb9: {  	_ =	swait.ge [sflag:s29], $0x1  }
0xba: {  	[sflag:s29] =	ssyncadd.s32 $0xFFFFFFFF  }
0xbb: {  	_ =	strace $0x90000048  }
0xbc: {  	_ =	sfence  }
0xbd: {  	s30 =	sld [smem:$0x0];
	_ =	sdelay $0x2  }
0xbe: {  	s31 =	sshll.u32 s1, $0xD;
	s1 =	sshrl.u32 s1, $0x2  }
0xbf: {  	s3 =	sand.u32 $0x4000, s31;
	s1 =	sadd.s32 s1, s30  }
0xc0: {  	s0 =	sor.u32 s3, s0;
	s1 =	sshll.u32 s1, $0x11  }
0xc1: {  	s0 =	sor.u32 s1, s0  }
0xc2: {  	s0 =	sadd.s32 $0x8F2B, s0  }
0xc3: {  	[sflag:s0] =	ssyncadd.remote.s32 $0x1  }
0xc4: {  	_ =	sfence.sel $0xFFFF  }
0xc5: {  	[dreg:$0x0] =	wrdreg $0xFFFFFFFF;
	(pc) =	sbr.abs _section_cstart, $3  }
0xc6: {  	[dreg:$0x1] =	wrdreg $0xFFFFFFFF  }
0xc7: {  	_ =	task.clear_ibuf [dreg:s7], $0x2FFFF;
	_ =	strace $0x9FFFFFFF  }
0xc8: {  	(tm) =	ssettm $0x7FFFFFFF  }
0xc9: {  	_ =	shalt  }
tec
execute0_lowered:
.L_overlay_start_1:
0x0: {  	(tag) =	ssettag $0x1  }
0x1: {  	s0 =	rddreg [dreg:$0x0];
	s1 =	srdreg.scid  }
0x2: {  	s2 =	stileid.u32;
	s4 =	rddreg [dreg:$0x1];
	s17 =	simm.s32 $0x200  }
0x3: {  	s1 =	sand.u32 $0x1, s1;
	s3 =	sshll.u32 s2, $0x1;
	s2 =	simm.s32 $0x0  }
0x4: {  	s31 =	simm.s32 $0x1;
	s5 =	sor.u32 s1, s3;
	[smem:$0x7FF] =	sst s2  }
0x5: {  	s3 =	sadd.s32 $0x1000, s0;
	s0 =	sadd.s32 $0x41000, s0;
	s6 =	smul.u32 $0x640, s5  }
0x6: {  	s1 =	ssub.s32 $0x2, s1;
	_ =	strace $0x80000047;
	s5 =	smul.u32 $0xC800, s5  }
0x7: {  	s25 =	sshrl.u32 s1, $0x1;
	s7 =	sshrl.u32 s6, $0x3;
	s8 =	sadd.s32 $0x190, s6  }
0x8: {  	s5 =	sadd.s32 s0, s5;
	s24 =	sadd.s32 $0x320, s6;
	s6 =	sadd.s32 $0x4B0, s6  }
0x9: {  	s7 =	sadd.s32 s4, s7;
	s20 =	sshrl.u32 s8, $0x3;
	[dreg:$0x4] =	wrdreg s5  }
0xa: {  	s22 =	sshll.u32 s8, $0x5;
	[dreg:$0x3] =	wrdreg s7;
	s21 =	sadd.s32 s4, s20  }
0xb: {  	s26 =	sshrl.u32 s24, $0x3;
	s23 =	sadd.s32 s0, s22;
	[dreg:$0x5] =	wrdreg s21  }
0xc: {  	s29 =	sshrl.u32 s6, $0x3;
	s5 =	sadd.s32 s4, s26;
	[dreg:$0x6] =	wrdreg s23  }
0xd: {  	s7 =	sshll.u32 s24, $0x5;
	s4 =	sadd.s32 s4, s29;
	[dreg:$0x7] =	wrdreg s5  }
0xe: {  	v2 =	vlaneseq.u32;
	s30 =	sshll.u32 s6, $0x5;
	s28 =	sadd.s32 s0, s7;
	[dreg:$0x9] =	wrdreg s4  }
0xf: {  	vm0 =	vmmov $0xffff;
	v1 =	vshrl.u32 v2, $0x3;
	s1 =	ssub.s32 s1, s25;
	s0 =	sadd.s32 s0, s30;
	[dreg:$0x8] =	wrdreg s28  }
0x10: {  	v0 =	vand.u32 $0x7, v2;
	v2 =	vor.u32 $0x8, v2;
	v1 =	vmul.u32 $0x8, v1;
	s4 =	smax.u32 s1, $0x1;
	s5 =	simm.s32 $0x2;
	[dreg:$0xa] =	wrdreg s0  }
.LBB2_1:
0x11: {  	s1 =	rddreg [dreg:$0x3]  }
0x12: {  	[tilespmem:s2], [sflag:$0x2] =	stream.linear.gather [hbm4b:s1+s2], $0x190, $0x38;
	[tilespmem:$0x19200] =	vst v63  }
0x13: {  	_ =	swait.ge [sflag:s5], $0x190  }
0x14: {  	[sflag:s5] =	ssyncset.done $0x0  }
0x15: {  	[sflag:s5] =	ssyncadd.s32 $0xFFFFFE70  }
0x16: {  	v3 =	vld [tilespmem:$0x0];
	_ =	sdelay $0x4  }
0x17: {  	v4 =	vshll.u32 v3, $0x1  }
0x18: {  	v3 =	vand.u32 $0x7, v3;
	v4 =	vand.u32 $0xFFFFFFF0, v4  }
0x19: {  	v3 =	vor.u32 v3, v4  }
0x1a: {  	v4 =	vperm.xlane v3, v0;
	_ =	sdelay $0x1  }
0x1b: {  	v3 =	vperm.xlane v3, v2;
	v4 =	vadd.s32 v1, v4;
	_ =	sdelay $0x1  }
0x1c: {  	v3 =	vadd.s32 v1, v3;
	_ =	sdelay $0x2  }
0x1d: {  	[tilespmem:s17], [sflag:$0x1] =	stream.indirect_vreg.gather [hbm4b:s3+s2], $0x80, v4, vm0, $0xb8;
	[tilespmem:$0x19200] =	vst v63  }
0x1e: {  	s0 =	simm.s32 $0xA00  }
0x1f: {  	[tilespmem:s0], [sflag:$0x1] =	stream.indirect_vreg.gather [hbm4b:s3+s2], $0x80, v3, vm0, $0xb8;
	[tilespmem:$0x19200] =	vst v63  }
0x20: {  	v3 =	vld [tilespmem:$0x10];
	_ =	sdelay $0x4  }
0x21: {  	v21 =	vshll.u32 v3, $0x1  }
0x22: {  	v3 =	vand.u32 $0x7, v3;
	v4 =	vand.u32 $0xFFFFFFF0, v21  }
0x23: {  	v3 =	vor.u32 v3, v4  }
0x24: {  	v4 =	vperm.xlane v3, v0;
	_ =	sdelay $0x1  }
0x25: {  	v3 =	vperm.xlane v3, v2;
	v4 =	vadd.s32 v1, v4;
	_ =	sdelay $0x1  }
0x26: {  	v3 =	vadd.s32 v1, v3;
	_ =	sdelay $0x1  }
0x27: {  	s10 =	simm.s32 $0x1200  }
0x28: {  	[tilespmem:s10], [sflag:$0x1] =	stream.indirect_vreg.gather [hbm4b:s3+s2], $0x80, v4, vm0, $0xb8;
	[tilespmem:$0x19200] =	vst v63  }
0x29: {  	s11 =	simm.s32 $0x1A00  }
0x2a: {  	[tilespmem:s11], [sflag:$0x1] =	stream.indirect_vreg.gather [hbm4b:s3+s2], $0x80, v3, vm0, $0xb8;
	[tilespmem:$0x19200] =	vst v63  }
0x2b: {  	v3 =	vld [tilespmem:$0x20];
	_ =	sdelay $0x4  }
0x2c: {  	v22 =	vshll.u32 v3, $0x1  }
0x2d: {  	v3 =	vand.u32 $0x7, v3;
	v4 =	vand.u32 $0xFFFFFFF0, v22  }
0x2e: {  	v3 =	vor.u32 v3, v4  }
0x2f: {  	v4 =	vperm.xlane v3, v0;
	_ =	sdelay $0x1  }
0x30: {  	v3 =	vperm.xlane v3, v2;
	v4 =	vadd.s32 v1, v4;
	_ =	sdelay $0x1  }
0x31: {  	v3 =	vadd.s32 v1, v3;
	_ =	sdelay $0x1  }
0x32: {  	s12 =	simm.s32 $0x2200  }
0x33: {  	[tilespmem:s12], [sflag:$0x1] =	stream.indirect_vreg.gather [hbm4b:s3+s2], $0x80, v4, vm0, $0xb8;
	[tilespmem:$0x19200] =	vst v63  }
0x34: {  	s13 =	simm.s32 $0x2A00  }
0x35: {  	[tilespmem:s13], [sflag:$0x1] =	stream.indirect_vreg.gather [hbm4b:s3+s2], $0x80, v3, vm0, $0xb8;
	[tilespmem:$0x19200] =	vst v63  }
0x36: {  	v3 =	vld [tilespmem:$0x30];
	_ =	sdelay $0x4  }
0x37: {  	v23 =	vshll.u32 v3, $0x1  }
0x38: {  	v3 =	vand.u32 $0x7, v3;
	v4 =	vand.u32 $0xFFFFFFF0, v23  }
0x39: {  	v3 =	vor.u32 v3, v4  }
0x3a: {  	v4 =	vperm.xlane v3, v0;
	_ =	sdelay $0x1  }
0x3b: {  	v3 =	vperm.xlane v3, v2;
	v4 =	vadd.s32 v1, v4;
	_ =	sdelay $0x1  }
0x3c: {  	v3 =	vadd.s32 v1, v3;
	_ =	sdelay $0x1  }
0x3d: {  	s14 =	simm.s32 $0x3200  }
0x3e: {  	[tilespmem:s14], [sflag:$0x1] =	stream.indirect_vreg.gather [hbm4b:s3+s2], $0x80, v4, vm0, $0xb8;
	[tilespmem:$0x19200] =	vst v63  }
0x3f: {  	s15 =	simm.s32 $0x3A00  }
0x40: {  	[tilespmem:s15], [sflag:$0x1] =	stream.indirect_vreg.gather [hbm4b:s3+s2], $0x80, v3, vm0, $0xb8;
	[tilespmem:$0x19200] =	vst v63  }
0x41: {  	v3 =	vld [tilespmem:$0x40];
	_ =	sdelay $0x4  }
0x42: {  	v24 =	vshll.u32 v3, $0x1  }
0x43: {  	v3 =	vand.u32 $0x7, v3;
	v4 =	vand.u32 $0xFFFFFFF0, v24  }
0x44: {  	v3 =	vor.u32 v3, v4  }
0x45: {  	v4 =	vperm.xlane v3, v0;
	_ =	sdelay $0x1  }
0x46: {  	v3 =	vperm.xlane v3, v2;
	v4 =	vadd.s32 v1, v4;
	_ =	sdelay $0x1  }
0x47: {  	v3 =	vadd.s32 v1, v3;
	_ =	sdelay $0x1  }
0x48: {  	s16 =	simm.s32 $0x4200  }
0x49: {  	[tilespmem:s16], [sflag:$0x1] =	stream.indirect_vreg.gather [hbm4b:s3+s2], $0x80, v4, vm0, $0xb8;
	[tilespmem:$0x19200] =	vst v63  }
0x4a: {  	s18 =	simm.s32 $0x4A00  }
0x4b: {  	[tilespmem:s18], [sflag:$0x1] =	stream.indirect_vreg.gather [hbm4b:s3+s2], $0x80, v3, vm0, $0xb8;
	[tilespmem:$0x19200] =	vst v63  }
0x4c: {  	v3 =	vld [tilespmem:$0x50];
	_ =	sdelay $0x4  }
0x4d: {  	v25 =	vshll.u32 v3, $0x1  }
0x4e: {  	v3 =	vand.u32 $0x7, v3;
	v4 =	vand.u32 $0xFFFFFFF0, v25  }
0x4f: {  	v3 =	vor.u32 v3, v4  }
0x50: {  	v4 =	vperm.xlane v3, v0;
	_ =	sdelay $0x1  }
0x51: {  	v3 =	vperm.xlane v3, v2;
	v4 =	vadd.s32 v1, v4;
	_ =	sdelay $0x1  }
0x52: {  	v3 =	vadd.s32 v1, v3;
	_ =	sdelay $0x1  }
0x53: {  	s19 =	simm.s32 $0x5200  }
0x54: {  	[tilespmem:s19], [sflag:$0x1] =	stream.indirect_vreg.gather [hbm4b:s3+s2], $0x80, v4, vm0, $0xb8;
	[tilespmem:$0x19200] =	vst v63  }
0x55: {  	s20 =	simm.s32 $0x5A00  }
0x56: {  	[tilespmem:s20], [sflag:$0x1] =	stream.indirect_vreg.gather [hbm4b:s3+s2], $0x80, v3, vm0, $0xb8;
	[tilespmem:$0x19200] =	vst v63  }
0x57: {  	v3 =	vld [tilespmem:$0x60];
	_ =	sdelay $0x4  }
0x58: {  	v26 =	vshll.u32 v3, $0x1  }
0x59: {  	v3 =	vand.u32 $0x7, v3;
	v4 =	vand.u32 $0xFFFFFFF0, v26  }
0x5a: {  	v3 =	vor.u32 v3, v4  }
0x5b: {  	v4 =	vperm.xlane v3, v0;
	_ =	sdelay $0x1  }
0x5c: {  	v3 =	vperm.xlane v3, v2;
	v4 =	vadd.s32 v1, v4;
	_ =	sdelay $0x1  }
0x5d: {  	v3 =	vadd.s32 v1, v3;
	_ =	sdelay $0x1  }
0x5e: {  	s21 =	simm.s32 $0x6200  }
0x5f: {  	[tilespmem:s21], [sflag:$0x1] =	stream.indirect_vreg.gather [hbm4b:s3+s2], $0x80, v4, vm0, $0xb8;
	[tilespmem:$0x19200] =	vst v63  }
0x60: {  	s22 =	simm.s32 $0x6A00  }
0x61: {  	[tilespmem:s22], [sflag:$0x1] =	stream.indirect_vreg.gather [hbm4b:s3+s2], $0x80, v3, vm0, $0xb8;
	[tilespmem:$0x19200] =	vst v63  }
0x62: {  	v3 =	vld [tilespmem:$0x70];
	_ =	sdelay $0x4  }
0x63: {  	v27 =	vshll.u32 v3, $0x1  }
0x64: {  	v3 =	vand.u32 $0x7, v3;
	v4 =	vand.u32 $0xFFFFFFF0, v27  }
0x65: {  	v3 =	vor.u32 v3, v4  }
0x66: {  	v4 =	vperm.xlane v3, v0;
	_ =	sdelay $0x1  }
0x67: {  	v3 =	vperm.xlane v3, v2;
	v4 =	vadd.s32 v1, v4;
	_ =	sdelay $0x1  }
0x68: {  	v3 =	vadd.s32 v1, v3;
	_ =	sdelay $0x1  }
0x69: {  	s23 =	simm.s32 $0x7200  }
0x6a: {  	[tilespmem:s23], [sflag:$0x1] =	stream.indirect_vreg.gather [hbm4b:s3+s2], $0x80, v4, vm0, $0xb8;
	[tilespmem:$0x19200] =	vst v63  }
0x6b: {  	s24 =	simm.s32 $0x7A00  }
0x6c: {  	[tilespmem:s24], [sflag:$0x1] =	stream.indirect_vreg.gather [hbm4b:s3+s2], $0x80, v3, vm0, $0xb8;
	[tilespmem:$0x19200] =	vst v63  }
0x6d: {  	v3 =	vld [tilespmem:$0x80];
	_ =	sdelay $0x4  }
0x6e: {  	v28 =	vshll.u32 v3, $0x1  }
0x6f: {  	v3 =	vand.u32 $0x7, v3;
	v4 =	vand.u32 $0xFFFFFFF0, v28  }
0x70: {  	v3 =	vor.u32 v3, v4  }
0x71: {  	v4 =	vperm.xlane v3, v0;
	_ =	sdelay $0x1  }
0x72: {  	v3 =	vperm.xlane v3, v2;
	v4 =	vadd.s32 v1, v4;
	_ =	sdelay $0x1  }
0x73: {  	v3 =	vadd.s32 v1, v3;
	_ =	sdelay $0x1  }
0x74: {  	s25 =	simm.s32 $0x8200  }
0x75: {  	[tilespmem:s25], [sflag:$0x1] =	stream.indirect_vreg.gather [hbm4b:s3+s2], $0x80, v4, vm0, $0xb8;
	[tilespmem:$0x19200] =	vst v63  }
0x76: {  	s26 =	simm.s32 $0x8A00  }
0x77: {  	[tilespmem:s26], [sflag:$0x1] =	stream.indirect_vreg.gather [hbm4b:s3+s2], $0x80, v3, vm0, $0xb8;
	[tilespmem:$0x19200] =	vst v63  }
0x78: {  	v3 =	vld [tilespmem:$0x90];
	_ =	sdelay $0x4  }
0x79: {  	v29 =	vshll.u32 v3, $0x1  }
0x7a: {  	v3 =	vand.u32 $0x7, v3;
	v4 =	vand.u32 $0xFFFFFFF0, v29  }
0x7b: {  	v3 =	vor.u32 v3, v4  }
0x7c: {  	v4 =	vperm.xlane v3, v0;
	_ =	sdelay $0x1  }
0x7d: {  	v3 =	vperm.xlane v3, v2;
	v4 =	vadd.s32 v1, v4;
	_ =	sdelay $0x1  }
0x7e: {  	v3 =	vadd.s32 v1, v3;
	_ =	sdelay $0x1  }
0x7f: {  	s28 =	simm.s32 $0x9200  }
0x80: {  	[tilespmem:s28], [sflag:$0x1] =	stream.indirect_vreg.gather [hbm4b:s3+s2], $0x80, v4, vm0, $0xb8;
	[tilespmem:$0x19200] =	vst v63  }
0x81: {  	s29 =	simm.s32 $0x9A00  }
0x82: {  	[tilespmem:s29], [sflag:$0x1] =	stream.indirect_vreg.gather [hbm4b:s3+s2], $0x80, v3, vm0, $0xb8;
	[tilespmem:$0x19200] =	vst v63  }
0x83: {  	v3 =	vld [tilespmem:$0xA0];
	_ =	sdelay $0x4  }
0x84: {  	v30 =	vshll.u32 v3, $0x1  }
0x85: {  	v3 =	vand.u32 $0x7, v3;
	v4 =	vand.u32 $0xFFFFFFF0, v30  }
0x86: {  	v3 =	vor.u32 v3, v4  }
0x87: {  	v4 =	vperm.xlane v3, v0;
	_ =	sdelay $0x1  }
0x88: {  	v3 =	vperm.xlane v3, v2;
	v4 =	vadd.s32 v1, v4;
	_ =	sdelay $0x1  }
0x89: {  	v3 =	vadd.s32 v1, v3;
	_ =	sdelay $0x1  }
0x8a: {  	s30 =	simm.s32 $0xA200  }
0x8b: {  	[tilespmem:s30], [sflag:$0x1] =	stream.indirect_vreg.gather [hbm4b:s3+s2], $0x80, v4, vm0, $0xb8;
	[tilespmem:$0x19200] =	vst v63  }
0x8c: {  	s1 =	simm.s32 $0xAA00  }
0x8d: {  	[tilespmem:s1], [sflag:$0x1] =	stream.indirect_vreg.gather [hbm4b:s3+s2], $0x80, v3, vm0, $0xb8;
	[tilespmem:$0x19200] =	vst v63  }
0x8e: {  	v3 =	vld [tilespmem:$0xB0];
	_ =	sdelay $0x4  }
0x8f: {  	v31 =	vshll.u32 v3, $0x1  }
0x90: {  	v3 =	vand.u32 $0x7, v3;
	v4 =	vand.u32 $0xFFFFFFF0, v31  }
0x91: {  	v3 =	vor.u32 v3, v4  }
0x92: {  	v4 =	vperm.xlane v3, v0;
	_ =	sdelay $0x1  }
0x93: {  	v3 =	vperm.xlane v3, v2;
	v4 =	vadd.s32 v1, v4;
	_ =	sdelay $0x1  }
0x94: {  	v3 =	vadd.s32 v1, v3;
	_ =	sdelay $0x1  }
0x95: {  	s15 =	simm.s32 $0xB200  }
0x96: {  	[tilespmem:s15], [sflag:$0x1] =	stream.indirect_vreg.gather [hbm4b:s3+s2], $0x80, v4, vm0, $0xb8;
	[tilespmem:$0x19200] =	vst v63  }
0x97: {  	s16 =	simm.s32 $0xBA00  }
0x98: {  	[tilespmem:s16], [sflag:$0x1] =	stream.indirect_vreg.gather [hbm4b:s3+s2], $0x80, v3, vm0, $0xb8;
	[tilespmem:$0x19200] =	vst v63  }
0x99: {  	v3 =	vld [tilespmem:$0xC0];
	_ =	sdelay $0x4  }
0x9a: {  	v32 =	vshll.u32 v3, $0x1  }
0x9b: {  	v3 =	vand.u32 $0x7, v3;
	v4 =	vand.u32 $0xFFFFFFF0, v32  }
0x9c: {  	v3 =	vor.u32 v3, v4  }
0x9d: {  	v4 =	vperm.xlane v3, v0;
	_ =	sdelay $0x1  }
0x9e: {  	v3 =	vperm.xlane v3, v2;
	v4 =	vadd.s32 v1, v4;
	_ =	sdelay $0x1  }
0x9f: {  	v3 =	vadd.s32 v1, v3;
	_ =	sdelay $0x1  }
0xa0: {  	s18 =	simm.s32 $0xC200  }
0xa1: {  	[tilespmem:s18], [sflag:$0x1] =	stream.indirect_vreg.gather [hbm4b:s3+s2], $0x80, v4, vm0, $0xb8;
	[tilespmem:$0x19200] =	vst v63  }
0xa2: {  	s20 =	simm.s32 $0xCA00  }
0xa3: {  	[tilespmem:s20], [sflag:$0x1] =	stream.indirect_vreg.gather [hbm4b:s3+s2], $0x80, v3, vm0, $0xb8;
	[tilespmem:$0x19200] =	vst v63  }
0xa4: {  	v3 =	vld [tilespmem:$0xD0];
	_ =	sdelay $0x4  }
0xa5: {  	v33 =	vshll.u32 v3, $0x1  }
0xa6: {  	v3 =	vand.u32 $0x7, v3;
	v4 =	vand.u32 $0xFFFFFFF0, v33  }
0xa7: {  	v3 =	vor.u32 v3, v4  }
0xa8: {  	v4 =	vperm.xlane v3, v0;
	_ =	sdelay $0x1  }
0xa9: {  	v3 =	vperm.xlane v3, v2;
	v4 =	vadd.s32 v1, v4;
	_ =	sdelay $0x1  }
0xaa: {  	v3 =	vadd.s32 v1, v3;
	_ =	sdelay $0x1  }
0xab: {  	s21 =	simm.s32 $0xD200  }
0xac: {  	[tilespmem:s21], [sflag:$0x1] =	stream.indirect_vreg.gather [hbm4b:s3+s2], $0x80, v4, vm0, $0xb8;
	[tilespmem:$0x19200] =	vst v63  }
0xad: {  	s22 =	simm.s32 $0xDA00  }
0xae: {  	[tilespmem:s22], [sflag:$0x1] =	stream.indirect_vreg.gather [hbm4b:s3+s2], $0x80, v3, vm0, $0xb8;
	[tilespmem:$0x19200] =	vst v63  }
0xaf: {  	v3 =	vld [tilespmem:$0xE0];
	_ =	sdelay $0x4  }
0xb0: {  	v34 =	vshll.u32 v3, $0x1  }
0xb1: {  	v3 =	vand.u32 $0x7, v3;
	v4 =	vand.u32 $0xFFFFFFF0, v34  }
0xb2: {  	v3 =	vor.u32 v3, v4  }
0xb3: {  	v4 =	vperm.xlane v3, v0;
	_ =	sdelay $0x1  }
0xb4: {  	v3 =	vperm.xlane v3, v2;
	v4 =	vadd.s32 v1, v4;
	_ =	sdelay $0x1  }
0xb5: {  	v3 =	vadd.s32 v1, v3;
	_ =	sdelay $0x1  }
0xb6: {  	s23 =	simm.s32 $0xE200  }
0xb7: {  	[tilespmem:s23], [sflag:$0x1] =	stream.indirect_vreg.gather [hbm4b:s3+s2], $0x80, v4, vm0, $0xb8;
	[tilespmem:$0x19200] =	vst v63  }
0xb8: {  	s24 =	simm.s32 $0xEA00  }
0xb9: {  	[tilespmem:s24], [sflag:$0x1] =	stream.indirect_vreg.gather [hbm4b:s3+s2], $0x80, v3, vm0, $0xb8;
	[tilespmem:$0x19200] =	vst v63  }
0xba: {  	v3 =	vld [tilespmem:$0xF0];
	_ =	sdelay $0x4  }
0xbb: {  	v35 =	vshll.u32 v3, $0x1  }
0xbc: {  	v3 =	vand.u32 $0x7, v3;
	v4 =	vand.u32 $0xFFFFFFF0, v35  }
0xbd: {  	v3 =	vor.u32 v3, v4  }
0xbe: {  	v4 =	vperm.xlane v3, v0;
	_ =	sdelay $0x1  }
0xbf: {  	v3 =	vperm.xlane v3, v2;
	v4 =	vadd.s32 v1, v4;
	_ =	sdelay $0x1  }
0xc0: {  	v3 =	vadd.s32 v1, v3;
	_ =	sdelay $0x1  }
0xc1: {  	s25 =	simm.s32 $0xF200  }
0xc2: {  	[tilespmem:s25], [sflag:$0x1] =	stream.indirect_vreg.gather [hbm4b:s3+s2], $0x80, v4, vm0, $0xb8;
	[tilespmem:$0x19200] =	vst v63  }
0xc3: {  	s26 =	simm.s32 $0xFA00  }
0xc4: {  	[tilespmem:s26], [sflag:$0x1] =	stream.indirect_vreg.gather [hbm4b:s3+s2], $0x80, v3, vm0, $0xb8;
	[tilespmem:$0x19200] =	vst v63  }
0xc5: {  	v3 =	vld [tilespmem:$0x100];
	_ =	sdelay $0x4  }
0xc6: {  	v36 =	vshll.u32 v3, $0x1  }
0xc7: {  	v3 =	vand.u32 $0x7, v3;
	v4 =	vand.u32 $0xFFFFFFF0, v36  }
0xc8: {  	v3 =	vor.u32 v3, v4  }
0xc9: {  	v4 =	vperm.xlane v3, v0;
	_ =	sdelay $0x1  }
0xca: {  	v3 =	vperm.xlane v3, v2;
	v4 =	vadd.s32 v1, v4;
	_ =	sdelay $0x1  }
0xcb: {  	v3 =	vadd.s32 v1, v3;
	_ =	sdelay $0x1  }
0xcc: {  	s28 =	simm.s32 $0x10200  }
0xcd: {  	[tilespmem:s28], [sflag:$0x1] =	stream.indirect_vreg.gather [hbm4b:s3+s2], $0x80, v4, vm0, $0xb8;
	[tilespmem:$0x19200] =	vst v63  }
0xce: {  	s29 =	simm.s32 $0x10A00  }
0xcf: {  	[tilespmem:s29], [sflag:$0x1] =	stream.indirect_vreg.gather [hbm4b:s3+s2], $0x80, v3, vm0, $0xb8;
	[tilespmem:$0x19200] =	vst v63  }
0xd0: {  	v3 =	vld [tilespmem:$0x110];
	_ =	sdelay $0x4  }
0xd1: {  	v37 =	vshll.u32 v3, $0x1  }
0xd2: {  	v3 =	vand.u32 $0x7, v3;
	v4 =	vand.u32 $0xFFFFFFF0, v37  }
0xd3: {  	v3 =	vor.u32 v3, v4  }
0xd4: {  	v4 =	vperm.xlane v3, v0;
	_ =	sdelay $0x1  }
0xd5: {  	v3 =	vperm.xlane v3, v2;
	v4 =	vadd.s32 v1, v4;
	_ =	sdelay $0x1  }
0xd6: {  	v3 =	vadd.s32 v1, v3;
	_ =	sdelay $0x1  }
0xd7: {  	s0 =	simm.s32 $0x11200  }
0xd8: {  	[tilespmem:s0], [sflag:$0x1] =	stream.indirect_vreg.gather [hbm4b:s3+s2], $0x80, v4, vm0, $0xb8;
	[tilespmem:$0x19200] =	vst v63  }
0xd9: {  	s15 =	simm.s32 $0x11A00  }
0xda: {  	[tilespmem:s15], [sflag:$0x1] =	stream.indirect_vreg.gather [hbm4b:s3+s2], $0x80, v3, vm0, $0xb8;
	[tilespmem:$0x19200] =	vst v63  }
0xdb: {  	v3 =	vld [tilespmem:$0x120];
	_ =	sdelay $0x4  }
0xdc: {  	v38 =	vshll.u32 v3, $0x1  }
0xdd: {  	v3 =	vand.u32 $0x7, v3;
	v4 =	vand.u32 $0xFFFFFFF0, v38  }
0xde: {  	v3 =	vor.u32 v3, v4  }
0xdf: {  	v4 =	vperm.xlane v3, v0;
	_ =	sdelay $0x1  }
0xe0: {  	v3 =	vperm.xlane v3, v2;
	v4 =	vadd.s32 v1, v4;
	_ =	sdelay $0x1  }
0xe1: {  	v3 =	vadd.s32 v1, v3;
	_ =	sdelay $0x1  }
0xe2: {  	s16 =	simm.s32 $0x12200  }
0xe3: {  	[tilespmem:s16], [sflag:$0x1] =	stream.indirect_vreg.gather [hbm4b:s3+s2], $0x80, v4, vm0, $0xb8;
	[tilespmem:$0x19200] =	vst v63  }
0xe4: {  	s22 =	simm.s32 $0x12A00  }
0xe5: {  	[tilespmem:s22], [sflag:$0x1] =	stream.indirect_vreg.gather [hbm4b:s3+s2], $0x80, v3, vm0, $0xb8;
	[tilespmem:$0x19200] =	vst v63  }
0xe6: {  	v3 =	vld [tilespmem:$0x130];
	_ =	sdelay $0x4  }
0xe7: {  	v39 =	vshll.u32 v3, $0x1  }
0xe8: {  	v3 =	vand.u32 $0x7, v3;
	v4 =	vand.u32 $0xFFFFFFF0, v39  }
0xe9: {  	v3 =	vor.u32 v3, v4  }
0xea: {  	v4 =	vperm.xlane v3, v0;
	_ =	sdelay $0x1  }
0xeb: {  	v3 =	vperm.xlane v3, v2;
	v4 =	vadd.s32 v1, v4;
	_ =	sdelay $0x1  }
0xec: {  	v3 =	vadd.s32 v1, v3;
	_ =	sdelay $0x1  }
0xed: {  	s23 =	simm.s32 $0x13200  }
0xee: {  	[tilespmem:s23], [sflag:$0x1] =	stream.indirect_vreg.gather [hbm4b:s3+s2], $0x80, v4, vm0, $0xb8;
	[tilespmem:$0x19200] =	vst v63  }
0xef: {  	s24 =	simm.s32 $0x13A00  }
0xf0: {  	[tilespmem:s24], [sflag:$0x1] =	stream.indirect_vreg.gather [hbm4b:s3+s2], $0x80, v3, vm0, $0xb8;
	[tilespmem:$0x19200] =	vst v63  }
0xf1: {  	v3 =	vld [tilespmem:$0x140];
	_ =	sdelay $0x4  }
0xf2: {  	v40 =	vshll.u32 v3, $0x1  }
0xf3: {  	v3 =	vand.u32 $0x7, v3;
	v4 =	vand.u32 $0xFFFFFFF0, v40  }
0xf4: {  	v3 =	vor.u32 v3, v4  }
0xf5: {  	v4 =	vperm.xlane v3, v0;
	_ =	sdelay $0x1  }
0xf6: {  	v3 =	vperm.xlane v3, v2;
	v4 =	vadd.s32 v1, v4;
	_ =	sdelay $0x1  }
0xf7: {  	v3 =	vadd.s32 v1, v3;
	_ =	sdelay $0x1  }
0xf8: {  	s25 =	simm.s32 $0x14200  }
0xf9: {  	[tilespmem:s25], [sflag:$0x1] =	stream.indirect_vreg.gather [hbm4b:s3+s2], $0x80, v4, vm0, $0xb8;
	[tilespmem:$0x19200] =	vst v63  }
0xfa: {  	s26 =	simm.s32 $0x14A00  }
0xfb: {  	[tilespmem:s26], [sflag:$0x1] =	stream.indirect_vreg.gather [hbm4b:s3+s2], $0x80, v3, vm0, $0xb8;
	[tilespmem:$0x19200] =	vst v63  }
0xfc: {  	v3 =	vld [tilespmem:$0x150];
	_ =	sdelay $0x4  }
0xfd: {  	v41 =	vshll.u32 v3, $0x1  }
0xfe: {  	v3 =	vand.u32 $0x7, v3;
	v4 =	vand.u32 $0xFFFFFFF0, v41  }
0xff: {  	v3 =	vor.u32 v3, v4  }
0x100: {  	v4 =	vperm.xlane v3, v0;
	_ =	sdelay $0x1  }
0x101: {  	v3 =	vperm.xlane v3, v2;
	v4 =	vadd.s32 v1, v4;
	_ =	sdelay $0x1  }
0x102: {  	v3 =	vadd.s32 v1, v3;
	_ =	sdelay $0x1  }
0x103: {  	s28 =	simm.s32 $0x15200  }
0x104: {  	[tilespmem:s28], [sflag:$0x1] =	stream.indirect_vreg.gather [hbm4b:s3+s2], $0x80, v4, vm0, $0xb8;
	[tilespmem:$0x19200] =	vst v63  }
0x105: {  	s29 =	simm.s32 $0x15A00  }
0x106: {  	[tilespmem:s29], [sflag:$0x1] =	stream.indirect_vreg.gather [hbm4b:s3+s2], $0x80, v3, vm0, $0xb8;
	[tilespmem:$0x19200] =	vst v63  }
0x107: {  	v3 =	vld [tilespmem:$0x160];
	_ =	sdelay $0x4  }
0x108: {  	v42 =	vshll.u32 v3, $0x1  }
0x109: {  	v3 =	vand.u32 $0x7, v3;
	v4 =	vand.u32 $0xFFFFFFF0, v42  }
0x10a: {  	v3 =	vor.u32 v3, v4  }
0x10b: {  	v4 =	vperm.xlane v3, v0;
	_ =	sdelay $0x1  }
0x10c: {  	v3 =	vperm.xlane v3, v2;
	v4 =	vadd.s32 v1, v4;
	_ =	sdelay $0x1  }
0x10d: {  	v3 =	vadd.s32 v1, v3;
	_ =	sdelay $0x1  }
0x10e: {  	s0 =	simm.s32 $0x16200  }
0x10f: {  	[tilespmem:s0], [sflag:$0x1] =	stream.indirect_vreg.gather [hbm4b:s3+s2], $0x80, v4, vm0, $0xb8;
	[tilespmem:$0x19200] =	vst v63  }
0x110: {  	s15 =	simm.s32 $0x16A00  }
0x111: {  	[tilespmem:s15], [sflag:$0x1] =	stream.indirect_vreg.gather [hbm4b:s3+s2], $0x80, v3, vm0, $0xb8;
	[tilespmem:$0x19200] =	vst v63  }
0x112: {  	v3 =	vld [tilespmem:$0x170];
	_ =	sdelay $0x4  }
0x113: {  	v43 =	vshll.u32 v3, $0x1  }
0x114: {  	v3 =	vand.u32 $0x7, v3;
	v4 =	vand.u32 $0xFFFFFFF0, v43  }
0x115: {  	v3 =	vor.u32 v3, v4  }
0x116: {  	v4 =	vperm.xlane v3, v0;
	_ =	sdelay $0x1  }
0x117: {  	v3 =	vperm.xlane v3, v2;
	v4 =	vadd.s32 v1, v4;
	_ =	sdelay $0x1  }
0x118: {  	v3 =	vadd.s32 v1, v3;
	_ =	sdelay $0x1  }
0x119: {  	s16 =	simm.s32 $0x17200  }
0x11a: {  	[tilespmem:s16], [sflag:$0x1] =	stream.indirect_vreg.gather [hbm4b:s3+s2], $0x80, v4, vm0, $0xb8;
	[tilespmem:$0x19200] =	vst v63  }
0x11b: {  	s28 =	simm.s32 $0x17A00  }
0x11c: {  	[tilespmem:s28], [sflag:$0x1] =	stream.indirect_vreg.gather [hbm4b:s3+s2], $0x80, v3, vm0, $0xb8;
	[tilespmem:$0x19200] =	vst v63  }
0x11d: {  	v3 =	vld [tilespmem:$0x180];
	_ =	sdelay $0x4  }
0x11e: {  	v44 =	vshll.u32 v3, $0x1  }
0x11f: {  	v3 =	vand.u32 $0x7, v3;
	v4 =	vand.u32 $0xFFFFFFF0, v44  }
0x120: {  	v3 =	vor.u32 v3, v4  }
0x121: {  	v4 =	vperm.xlane v3, v0;
	_ =	sdelay $0x1  }
0x122: {  	v3 =	vperm.xlane v3, v2;
	v4 =	vadd.s32 v1, v4;
	_ =	sdelay $0x1  }
0x123: {  	v3 =	vadd.s32 v1, v3;
	_ =	sdelay $0x1  }
0x124: {  	s29 =	simm.s32 $0x18200  }
0x125: {  	[tilespmem:s29], [sflag:$0x1] =	stream.indirect_vreg.gather [hbm4b:s3+s2], $0x80, v4, vm0, $0xb8;
	[tilespmem:$0x19200] =	vst v63  }
0x126: {  	s0 =	simm.s32 $0x18A00  }
0x127: {  	[tilespmem:s0], [sflag:$0x1] =	stream.indirect_vreg.gather [hbm4b:s3+s2], $0x80, v3, vm0, $0xb8;
	[tilespmem:$0x19200] =	vst v63  }
0x128: {  	_ =	swait.ge [sflag:s31], $0x19000  }
0x129: {  	[sflag:s31] =	ssyncset.done $0x0  }
0x12a: {  	s15 =	rddreg [dreg:$0x4];
	[sflag:s31] =	ssyncadd.s32 $0xFFFE7000  }
0x12b: {  	[hbm4b:s15+s2] =	stream.linear.scatter [tilespmem:s17], [sflag:$0x2], $0x19000, $0x38;
	[tilespmem:$0x19200] =	vst v63  }
0x12c: {  	_ =	swait.ge [sflag:s5], $0x19000  }
0x12d: {  	[sflag:s5] =	ssyncset.done $0x0  }
0x12e: {  	s16 =	rddreg [dreg:$0x5];
	[sflag:s5] =	ssyncadd.s32 $0xFFFE7000  }
0x12f: {  	[tilespmem:s2], [sflag:$0x2] =	stream.linear.gather [hbm4b:s16+s2], $0x190, $0x38;
	[tilespmem:$0x19200] =	vst v63  }
0x130: {  	_ =	swait.ge [sflag:s5], $0x190  }
0x131: {  	[sflag:s5] =	ssyncset.done $0x0  }
0x132: {  	[sflag:s5] =	ssyncadd.s32 $0xFFFFFE70  }
0x133: {  	v3 =	vld [tilespmem:$0x0];
	_ =	sdelay $0x4  }
0x134: {  	v45 =	vshll.u32 v3, $0x1  }
0x135: {  	v3 =	vand.u32 $0x7, v3;
	v4 =	vand.u32 $0xFFFFFFF0, v45  }
0x136: {  	v3 =	vor.u32 v3, v4  }
0x137: {  	v4 =	vperm.xlane v3, v0;
	_ =	sdelay $0x1  }
0x138: {  	v3 =	vperm.xlane v3, v2;
	v4 =	vadd.s32 v1, v4;
	_ =	sdelay $0x1  }
0x139: {  	v3 =	vadd.s32 v1, v3;
	_ =	sdelay $0x2  }
0x13a: {  	[tilespmem:s17], [sflag:$0x1] =	stream.indirect_vreg.gather [hbm4b:s3+s2], $0x80, v4, vm0, $0xb8;
	[tilespmem:$0x19200] =	vst v63  }
0x13b: {  	s6 =	simm.s32 $0xA00  }
0x13c: {  	[tilespmem:s6], [sflag:$0x1] =	stream.indirect_vreg.gather [hbm4b:s3+s2], $0x80, v3, vm0, $0xb8;
	[tilespmem:$0x19200] =	vst v63  }
0x13d: {  	v3 =	vld [tilespmem:$0x10];
	_ =	sdelay $0x4  }
0x13e: {  	v46 =	vshll.u32 v3, $0x1  }
0x13f: {  	v3 =	vand.u32 $0x7, v3;
	v4 =	vand.u32 $0xFFFFFFF0, v46  }
0x140: {  	v3 =	vor.u32 v3, v4  }
0x141: {  	v4 =	vperm.xlane v3, v0;
	_ =	sdelay $0x1  }
0x142: {  	v3 =	vperm.xlane v3, v2;
	v4 =	vadd.s32 v1, v4;
	_ =	sdelay $0x1  }
0x143: {  	v3 =	vadd.s32 v1, v3;
	_ =	sdelay $0x1  }
0x144: {  	s0 =	simm.s32 $0x1200  }
0x145: {  	[tilespmem:s0], [sflag:$0x1] =	stream.indirect_vreg.gather [hbm4b:s3+s2], $0x80, v4, vm0, $0xb8;
	[tilespmem:$0x19200] =	vst v63  }
0x146: {  	s7 =	simm.s32 $0x1A00  }
0x147: {  	[tilespmem:s7], [sflag:$0x1] =	stream.indirect_vreg.gather [hbm4b:s3+s2], $0x80, v3, vm0, $0xb8;
	[tilespmem:$0x19200] =	vst v63  }
0x148: {  	v3 =	vld [tilespmem:$0x20];
	_ =	sdelay $0x4  }
0x149: {  	v47 =	vshll.u32 v3, $0x1  }
0x14a: {  	v3 =	vand.u32 $0x7, v3;
	v4 =	vand.u32 $0xFFFFFFF0, v47  }
0x14b: {  	v3 =	vor.u32 v3, v4  }
0x14c: {  	v4 =	vperm.xlane v3, v0;
	_ =	sdelay $0x1  }
0x14d: {  	v3 =	vperm.xlane v3, v2;
	v4 =	vadd.s32 v1, v4;
	_ =	sdelay $0x1  }
0x14e: {  	v3 =	vadd.s32 v1, v3;
	_ =	sdelay $0x1  }
0x14f: {  	s6 =	simm.s32 $0x2200  }
0x150: {  	[tilespmem:s6], [sflag:$0x1] =	stream.indirect_vreg.gather [hbm4b:s3+s2], $0x80, v4, vm0, $0xb8;
	[tilespmem:$0x19200] =	vst v63  }
0x151: {  	s8 =	simm.s32 $0x2A00  }
0x152: {  	[tilespmem:s8], [sflag:$0x1] =	stream.indirect_vreg.gather [hbm4b:s3+s2], $0x80, v3, vm0, $0xb8;
	[tilespmem:$0x19200] =	vst v63  }
0x153: {  	v3 =	vld [tilespmem:$0x30];
	_ =	sdelay $0x4  }
0x154: {  	v48 =	vshll.u32 v3, $0x1  }
0x155: {  	v3 =	vand.u32 $0x7, v3;
	v4 =	vand.u32 $0xFFFFFFF0, v48  }
0x156: {  	v3 =	vor.u32 v3, v4  }
0x157: {  	v4 =	vperm.xlane v3, v0;
	_ =	sdelay $0x1  }
0x158: {  	v3 =	vperm.xlane v3, v2;
	v4 =	vadd.s32 v1, v4;
	_ =	sdelay $0x1  }
0x159: {  	v3 =	vadd.s32 v1, v3;
	_ =	sdelay $0x1  }
0x15a: {  	s7 =	simm.s32 $0x3200  }
0x15b: {  	[tilespmem:s7], [sflag:$0x1] =	stream.indirect_vreg.gather [hbm4b:s3+s2], $0x80, v4, vm0, $0xb8;
	[tilespmem:$0x19200] =	vst v63  }
0x15c: {  	s9 =	simm.s32 $0x3A00  }
0x15d: {  	[tilespmem:s9], [sflag:$0x1] =	stream.indirect_vreg.gather [hbm4b:s3+s2], $0x80, v3, vm0, $0xb8;
	[tilespmem:$0x19200] =	vst v63  }
0x15e: {  	v3 =	vld [tilespmem:$0x40];
	_ =	sdelay $0x4  }
0x15f: {  	v49 =	vshll.u32 v3, $0x1  }
0x160: {  	v3 =	vand.u32 $0x7, v3;
	v4 =	vand.u32 $0xFFFFFFF0, v49  }
0x161: {  	v3 =	vor.u32 v3, v4  }
0x162: {  	v4 =	vperm.xlane v3, v0;
	_ =	sdelay $0x1  }
0x163: {  	v3 =	vperm.xlane v3, v2;
	v4 =	vadd.s32 v1, v4;
	_ =	sdelay $0x1  }
0x164: {  	v3 =	vadd.s32 v1, v3;
	_ =	sdelay $0x1  }
0x165: {  	s8 =	simm.s32 $0x4200  }
0x166: {  	[tilespmem:s8], [sflag:$0x1] =	stream.indirect_vreg.gather [hbm4b:s3+s2], $0x80, v4, vm0, $0xb8;
	[tilespmem:$0x19200] =	vst v63  }
0x167: {  	s10 =	simm.s32 $0x4A00  }
0x168: {  	[tilespmem:s10], [sflag:$0x1] =	stream.indirect_vreg.gather [hbm4b:s3+s2], $0x80, v3, vm0, $0xb8;
	[tilespmem:$0x19200] =	vst v63  }
0x169: {  	v3 =	vld [tilespmem:$0x50];
	_ =	sdelay $0x4  }
0x16a: {  	v50 =	vshll.u32 v3, $0x1  }
0x16b: {  	v3 =	vand.u32 $0x7, v3;
	v4 =	vand.u32 $0xFFFFFFF0, v50  }
0x16c: {  	v3 =	vor.u32 v3, v4  }
0x16d: {  	v4 =	vperm.xlane v3, v0;
	_ =	sdelay $0x1  }
0x16e: {  	v3 =	vperm.xlane v3, v2;
	v4 =	vadd.s32 v1, v4;
	_ =	sdelay $0x1  }
0x16f: {  	v3 =	vadd.s32 v1, v3;
	_ =	sdelay $0x1  }
0x170: {  	s9 =	simm.s32 $0x5200  }
0x171: {  	[tilespmem:s9], [sflag:$0x1] =	stream.indirect_vreg.gather [hbm4b:s3+s2], $0x80, v4, vm0, $0xb8;
	[tilespmem:$0x19200] =	vst v63  }
0x172: {  	s11 =	simm.s32 $0x5A00  }
0x173: {  	[tilespmem:s11], [sflag:$0x1] =	stream.indirect_vreg.gather [hbm4b:s3+s2], $0x80, v3, vm0, $0xb8;
	[tilespmem:$0x19200] =	vst v63  }
0x174: {  	v3 =	vld [tilespmem:$0x60];
	_ =	sdelay $0x4  }
0x175: {  	v51 =	vshll.u32 v3, $0x1  }
0x176: {  	v3 =	vand.u32 $0x7, v3;
	v4 =	vand.u32 $0xFFFFFFF0, v51  }
0x177: {  	v3 =	vor.u32 v3, v4  }
0x178: {  	v4 =	vperm.xlane v3, v0;
	_ =	sdelay $0x1  }
0x179: {  	v3 =	vperm.xlane v3, v2;
	v4 =	vadd.s32 v1, v4;
	_ =	sdelay $0x1  }
0x17a: {  	v3 =	vadd.s32 v1, v3;
	_ =	sdelay $0x1  }
0x17b: {  	s10 =	simm.s32 $0x6200  }
0x17c: {  	[tilespmem:s10], [sflag:$0x1] =	stream.indirect_vreg.gather [hbm4b:s3+s2], $0x80, v4, vm0, $0xb8;
	[tilespmem:$0x19200] =	vst v63  }
0x17d: {  	s12 =	simm.s32 $0x6A00  }
0x17e: {  	[tilespmem:s12], [sflag:$0x1] =	stream.indirect_vreg.gather [hbm4b:s3+s2], $0x80, v3, vm0, $0xb8;
	[tilespmem:$0x19200] =	vst v63  }
0x17f: {  	v3 =	vld [tilespmem:$0x70];
	_ =	sdelay $0x4  }
0x180: {  	v52 =	vshll.u32 v3, $0x1  }
0x181: {  	v3 =	vand.u32 $0x7, v3;
	v4 =	vand.u32 $0xFFFFFFF0, v52  }
0x182: {  	v3 =	vor.u32 v3, v4  }
0x183: {  	v4 =	vperm.xlane v3, v0;
	_ =	sdelay $0x1  }
0x184: {  	v3 =	vperm.xlane v3, v2;
	v4 =	vadd.s32 v1, v4;
	_ =	sdelay $0x1  }
0x185: {  	v3 =	vadd.s32 v1, v3;
	_ =	sdelay $0x1  }
0x186: {  	s11 =	simm.s32 $0x7200  }
0x187: {  	[tilespmem:s11], [sflag:$0x1] =	stream.indirect_vreg.gather [hbm4b:s3+s2], $0x80, v4, vm0, $0xb8;
	[tilespmem:$0x19200] =	vst v63  }
0x188: {  	s13 =	simm.s32 $0x7A00  }
0x189: {  	[tilespmem:s13], [sflag:$0x1] =	stream.indirect_vreg.gather [hbm4b:s3+s2], $0x80, v3, vm0, $0xb8;
	[tilespmem:$0x19200] =	vst v63  }
0x18a: {  	v3 =	vld [tilespmem:$0x80];
	_ =	sdelay $0x4  }
0x18b: {  	v53 =	vshll.u32 v3, $0x1  }
0x18c: {  	v3 =	vand.u32 $0x7, v3;
	v4 =	vand.u32 $0xFFFFFFF0, v53  }
0x18d: {  	v3 =	vor.u32 v3, v4  }
0x18e: {  	v4 =	vperm.xlane v3, v0;
	_ =	sdelay $0x1  }
0x18f: {  	v3 =	vperm.xlane v3, v2;
	v4 =	vadd.s32 v1, v4;
	_ =	sdelay $0x1  }
0x190: {  	v3 =	vadd.s32 v1, v3;
	_ =	sdelay $0x1  }
0x191: {  	s12 =	simm.s32 $0x8200  }
0x192: {  	[tilespmem:s12], [sflag:$0x1] =	stream.indirect_vreg.gather [hbm4b:s3+s2], $0x80, v4, vm0, $0xb8;
	[tilespmem:$0x19200] =	vst v63  }
0x193: {  	s14 =	simm.s32 $0x8A00  }
0x194: {  	[tilespmem:s14], [sflag:$0x1] =	stream.indirect_vreg.gather [hbm4b:s3+s2], $0x80, v3, vm0, $0xb8;
	[tilespmem:$0x19200] =	vst v63  }
0x195: {  	v3 =	vld [tilespmem:$0x90];
	_ =	sdelay $0x4  }
0x196: {  	v54 =	vshll.u32 v3, $0x1  }
0x197: {  	v3 =	vand.u32 $0x7, v3;
	v4 =	vand.u32 $0xFFFFFFF0, v54  }
0x198: {  	v3 =	vor.u32 v3, v4  }
0x199: {  	v4 =	vperm.xlane v3, v0;
	_ =	sdelay $0x1  }
0x19a: {  	v3 =	vperm.xlane v3, v2;
	v4 =	vadd.s32 v1, v4;
	_ =	sdelay $0x1  }
0x19b: {  	v3 =	vadd.s32 v1, v3;
	_ =	sdelay $0x1  }
0x19c: {  	s13 =	simm.s32 $0x9200  }
0x19d: {  	[tilespmem:s13], [sflag:$0x1] =	stream.indirect_vreg.gather [hbm4b:s3+s2], $0x80, v4, vm0, $0xb8;
	[tilespmem:$0x19200] =	vst v63  }
0x19e: {  	s15 =	simm.s32 $0x9A00  }
0x19f: {  	[tilespmem:s15], [sflag:$0x1] =	stream.indirect_vreg.gather [hbm4b:s3+s2], $0x80, v3, vm0, $0xb8;
	[tilespmem:$0x19200] =	vst v63  }
0x1a0: {  	v3 =	vld [tilespmem:$0xA0];
	_ =	sdelay $0x4  }
0x1a1: {  	v55 =	vshll.u32 v3, $0x1  }
0x1a2: {  	v3 =	vand.u32 $0x7, v3;
	v4 =	vand.u32 $0xFFFFFFF0, v55  }
0x1a3: {  	v3 =	vor.u32 v3, v4  }
0x1a4: {  	v4 =	vperm.xlane v3, v0;
	_ =	sdelay $0x1  }
0x1a5: {  	v3 =	vperm.xlane v3, v2;
	v4 =	vadd.s32 v1, v4;
	_ =	sdelay $0x1  }
0x1a6: {  	v3 =	vadd.s32 v1, v3;
	_ =	sdelay $0x1  }
0x1a7: {  	s14 =	simm.s32 $0xA200  }
0x1a8: {  	[tilespmem:s14], [sflag:$0x1] =	stream.indirect_vreg.gather [hbm4b:s3+s2], $0x80, v4, vm0, $0xb8;
	[tilespmem:$0x19200] =	vst v63  }
0x1a9: {  	s16 =	simm.s32 $0xAA00  }
0x1aa: {  	[tilespmem:s16], [sflag:$0x1] =	stream.indirect_vreg.gather [hbm4b:s3+s2], $0x80, v3, vm0, $0xb8;
	[tilespmem:$0x19200] =	vst v63  }
0x1ab: {  	v3 =	vld [tilespmem:$0xB0];
	_ =	sdelay $0x4  }
0x1ac: {  	v56 =	vshll.u32 v3, $0x1  }
0x1ad: {  	v3 =	vand.u32 $0x7, v3;
	v4 =	vand.u32 $0xFFFFFFF0, v56  }
0x1ae: {  	v3 =	vor.u32 v3, v4  }
0x1af: {  	v4 =	vperm.xlane v3, v0;
	_ =	sdelay $0x1  }
0x1b0: {  	v3 =	vperm.xlane v3, v2;
	v4 =	vadd.s32 v1, v4;
	_ =	sdelay $0x1  }
0x1b1: {  	v3 =	vadd.s32 v1, v3;
	_ =	sdelay $0x1  }
0x1b2: {  	s19 =	simm.s32 $0xB200  }
0x1b3: {  	[tilespmem:s19], [sflag:$0x1] =	stream.indirect_vreg.gather [hbm4b:s3+s2], $0x80, v4, vm0, $0xb8;
	[tilespmem:$0x19200] =	vst v63  }
0x1b4: {  	s19 =	simm.s32 $0xBA00  }
0x1b5: {  	[tilespmem:s19], [sflag:$0x1] =	stream.indirect_vreg.gather [hbm4b:s3+s2], $0x80, v3, vm0, $0xb8;
	[tilespmem:$0x19200] =	vst v63  }
0x1b6: {  	v3 =	vld [tilespmem:$0xC0];
	_ =	sdelay $0x4  }
0x1b7: {  	v57 =	vshll.u32 v3, $0x1  }
0x1b8: {  	v3 =	vand.u32 $0x7, v3;
	v4 =	vand.u32 $0xFFFFFFF0, v57  }
0x1b9: {  	v3 =	vor.u32 v3, v4  }
0x1ba: {  	v4 =	vperm.xlane v3, v0;
	_ =	sdelay $0x1  }
0x1bb: {  	v3 =	vperm.xlane v3, v2;
	v4 =	vadd.s32 v1, v4;
	_ =	sdelay $0x1  }
0x1bc: {  	v3 =	vadd.s32 v1, v3;
	_ =	sdelay $0x1  }
0x1bd: {  	s1 =	simm.s32 $0xC200  }
0x1be: {  	[tilespmem:s1], [sflag:$0x1] =	stream.indirect_vreg.gather [hbm4b:s3+s2], $0x80, v4, vm0, $0xb8;
	[tilespmem:$0x19200] =	vst v63  }
0x1bf: {  	s30 =	simm.s32 $0xCA00  }
0x1c0: {  	[tilespmem:s30], [sflag:$0x1] =	stream.indirect_vreg.gather [hbm4b:s3+s2], $0x80, v3, vm0, $0xb8;
	[tilespmem:$0x19200] =	vst v63  }
0x1c1: {  	v3 =	vld [tilespmem:$0xD0];
	_ =	sdelay $0x4  }
0x1c2: {  	v58 =	vshll.u32 v3, $0x1  }
0x1c3: {  	v3 =	vand.u32 $0x7, v3;
	v4 =	vand.u32 $0xFFFFFFF0, v58  }
0x1c4: {  	v3 =	vor.u32 v3, v4  }
0x1c5: {  	v4 =	vperm.xlane v3, v0;
	_ =	sdelay $0x1  }
0x1c6: {  	v3 =	vperm.xlane v3, v2;
	v4 =	vadd.s32 v1, v4;
	_ =	sdelay $0x1  }
0x1c7: {  	v3 =	vadd.s32 v1, v3;
	_ =	sdelay $0x1  }
0x1c8: {  	s30 =	simm.s32 $0xD200  }
0x1c9: {  	[tilespmem:s30], [sflag:$0x1] =	stream.indirect_vreg.gather [hbm4b:s3+s2], $0x80, v4, vm0, $0xb8;
	[tilespmem:$0x19200] =	vst v63  }
0x1ca: {  	s1 =	simm.s32 $0xDA00  }
0x1cb: {  	[tilespmem:s1], [sflag:$0x1] =	stream.indirect_vreg.gather [hbm4b:s3+s2], $0x80, v3, vm0, $0xb8;
	[tilespmem:$0x19200] =	vst v63  }
0x1cc: {  	v3 =	vld [tilespmem:$0xE0];
	_ =	sdelay $0x4  }
0x1cd: {  	v59 =	vshll.u32 v3, $0x1  }
0x1ce: {  	v3 =	vand.u32 $0x7, v3;
	v4 =	vand.u32 $0xFFFFFFF0, v59  }
0x1cf: {  	v3 =	vor.u32 v3, v4  }
0x1d0: {  	v4 =	vperm.xlane v3, v0;
	_ =	sdelay $0x1  }
0x1d1: {  	v3 =	vperm.xlane v3, v2;
	v4 =	vadd.s32 v1, v4;
	_ =	sdelay $0x1  }
0x1d2: {  	v3 =	vadd.s32 v1, v3;
	_ =	sdelay $0x1  }
0x1d3: {  	s1 =	simm.s32 $0xE200  }
0x1d4: {  	[tilespmem:s1], [sflag:$0x1] =	stream.indirect_vreg.gather [hbm4b:s3+s2], $0x80, v4, vm0, $0xb8;
	[tilespmem:$0x19200] =	vst v63  }
0x1d5: {  	s1 =	simm.s32 $0xEA00  }
0x1d6: {  	[tilespmem:s1], [sflag:$0x1] =	stream.indirect_vreg.gather [hbm4b:s3+s2], $0x80, v3, vm0, $0xb8;
	[tilespmem:$0x19200] =	vst v63  }
0x1d7: {  	v3 =	vld [tilespmem:$0xF0];
	_ =	sdelay $0x4  }
0x1d8: {  	v60 =	vshll.u32 v3, $0x1  }
0x1d9: {  	v3 =	vand.u32 $0x7, v3;
	v4 =	vand.u32 $0xFFFFFFF0, v60  }
0x1da: {  	v3 =	vor.u32 v3, v4  }
0x1db: {  	v4 =	vperm.xlane v3, v0;
	_ =	sdelay $0x1  }
0x1dc: {  	v3 =	vperm.xlane v3, v2;
	v4 =	vadd.s32 v1, v4;
	_ =	sdelay $0x1  }
0x1dd: {  	v3 =	vadd.s32 v1, v3;
	_ =	sdelay $0x1  }
0x1de: {  	s1 =	simm.s32 $0xF200  }
0x1df: {  	[tilespmem:s1], [sflag:$0x1] =	stream.indirect_vreg.gather [hbm4b:s3+s2], $0x80, v4, vm0, $0xb8;
	[tilespmem:$0x19200] =	vst v63  }
0x1e0: {  	s18 =	simm.s32 $0xFA00  }
0x1e1: {  	[tilespmem:s18], [sflag:$0x1] =	stream.indirect_vreg.gather [hbm4b:s3+s2], $0x80, v3, vm0, $0xb8;
	[tilespmem:$0x19200] =	vst v63  }
0x1e2: {  	v3 =	vld [tilespmem:$0x100];
	_ =	sdelay $0x4  }
0x1e3: {  	v61 =	vshll.u32 v3, $0x1  }
0x1e4: {  	v3 =	vand.u32 $0x7, v3;
	v4 =	vand.u32 $0xFFFFFFF0, v61  }
0x1e5: {  	v3 =	vor.u32 v3, v4  }
0x1e6: {  	v4 =	vperm.xlane v3, v0;
	_ =	sdelay $0x1  }
0x1e7: {  	v3 =	vperm.xlane v3, v2;
	v4 =	vadd.s32 v1, v4;
	_ =	sdelay $0x1  }
0x1e8: {  	v3 =	vadd.s32 v1, v3;
	_ =	sdelay $0x1  }
0x1e9: {  	s18 =	simm.s32 $0x10200  }
0x1ea: {  	[tilespmem:s18], [sflag:$0x1] =	stream.indirect_vreg.gather [hbm4b:s3+s2], $0x80, v4, vm0, $0xb8;
	[tilespmem:$0x19200] =	vst v63  }
0x1eb: {  	s20 =	simm.s32 $0x10A00  }
0x1ec: {  	[tilespmem:s20], [sflag:$0x1] =	stream.indirect_vreg.gather [hbm4b:s3+s2], $0x80, v3, vm0, $0xb8;
	[tilespmem:$0x19200] =	vst v63  }
0x1ed: {  	v3 =	vld [tilespmem:$0x110];
	_ =	sdelay $0x4  }
0x1ee: {  	v62 =	vshll.u32 v3, $0x1  }
0x1ef: {  	v3 =	vand.u32 $0x7, v3;
	v4 =	vand.u32 $0xFFFFFFF0, v62  }
0x1f0: {  	v3 =	vor.u32 v3, v4  }
0x1f1: {  	v4 =	vperm.xlane v3, v0;
	_ =	sdelay $0x1  }
0x1f2: {  	v3 =	vperm.xlane v3, v2;
	v4 =	vadd.s32 v1, v4;
	_ =	sdelay $0x1  }
0x1f3: {  	v3 =	vadd.s32 v1, v3;
	_ =	sdelay $0x1  }
0x1f4: {  	s20 =	simm.s32 $0x11200  }
0x1f5: {  	[tilespmem:s20], [sflag:$0x1] =	stream.indirect_vreg.gather [hbm4b:s3+s2], $0x80, v4, vm0, $0xb8;
	[tilespmem:$0x19200] =	vst v63  }
0x1f6: {  	s21 =	simm.s32 $0x11A00  }
0x1f7: {  	[tilespmem:s21], [sflag:$0x1] =	stream.indirect_vreg.gather [hbm4b:s3+s2], $0x80, v3, vm0, $0xb8;
	[tilespmem:$0x19200] =	vst v63  }
0x1f8: {  	v3 =	vld [tilespmem:$0x120];
	_ =	sdelay $0x4  }
0x1f9: {  	v63 =	vshll.u32 v3, $0x1  }
0x1fa: {  	v3 =	vand.u32 $0x7, v3;
	v4 =	vand.u32 $0xFFFFFFF0, v63  }
0x1fb: {  	v3 =	vor.u32 v3, v4  }
0x1fc: {  	v4 =	vperm.xlane v3, v0;
	_ =	sdelay $0x1  }
0x1fd: {  	v3 =	vperm.xlane v3, v2;
	v4 =	vadd.s32 v1, v4;
	_ =	sdelay $0x1  }
0x1fe: {  	v3 =	vadd.s32 v1, v3;
	_ =	sdelay $0x1  }
0x1ff: {  	s21 =	simm.s32 $0x12200  }
0x200: {  	[tilespmem:s21], [sflag:$0x1] =	stream.indirect_vreg.gather [hbm4b:s3+s2], $0x80, v4, vm0, $0xb8;
	[tilespmem:$0x19200] =	vst v63  }
0x201: {  	s22 =	simm.s32 $0x12A00  }
0x202: {  	[tilespmem:s22], [sflag:$0x1] =	stream.indirect_vreg.gather [hbm4b:s3+s2], $0x80, v3, vm0, $0xb8;
	[tilespmem:$0x19200] =	vst v63  }
0x203: {  	v3 =	vld [tilespmem:$0x130];
	_ =	sdelay $0x4  }
0x204: {  	v8 =	vshll.u32 v3, $0x1  }
0x205: {  	v3 =	vand.u32 $0x7, v3;
	v4 =	vand.u32 $0xFFFFFFF0, v8  }
0x206: {  	v3 =	vor.u32 v3, v4  }
0x207: {  	v4 =	vperm.xlane v3, v0;
	_ =	sdelay $0x1  }
0x208: {  	v3 =	vperm.xlane v3, v2;
	v4 =	vadd.s32 v1, v4;
	_ =	sdelay $0x1  }
0x209: {  	v3 =	vadd.s32 v1, v3;
	_ =	sdelay $0x1  }
0x20a: {  	s22 =	simm.s32 $0x13200  }
0x20b: {  	[tilespmem:s22], [sflag:$0x1] =	stream.indirect_vreg.gather [hbm4b:s3+s2], $0x80, v4, vm0, $0xb8;
	[tilespmem:$0x19200] =	vst v63  }
0x20c: {  	s23 =	simm.s32 $0x13A00  }
0x20d: {  	[tilespmem:s23], [sflag:$0x1] =	stream.indirect_vreg.gather [hbm4b:s3+s2], $0x80, v3, vm0, $0xb8;
	[tilespmem:$0x19200] =	vst v63  }
0x20e: {  	v3 =	vld [tilespmem:$0x140];
	_ =	sdelay $0x4  }
0x20f: {  	v9 =	vshll.u32 v3, $0x1  }
0x210: {  	v3 =	vand.u32 $0x7, v3;
	v4 =	vand.u32 $0xFFFFFFF0, v9  }
0x211: {  	v3 =	vor.u32 v3, v4  }
0x212: {  	v4 =	vperm.xlane v3, v0;
	_ =	sdelay $0x1  }
0x213: {  	v3 =	vperm.xlane v3, v2;
	v4 =	vadd.s32 v1, v4;
	_ =	sdelay $0x1  }
0x214: {  	v3 =	vadd.s32 v1, v3;
	_ =	sdelay $0x1  }
0x215: {  	s23 =	simm.s32 $0x14200  }
0x216: {  	[tilespmem:s23], [sflag:$0x1] =	stream.indirect_vreg.gather [hbm4b:s3+s2], $0x80, v4, vm0, $0xb8;
	[tilespmem:$0x19200] =	vst v63  }
0x217: {  	s24 =	simm.s32 $0x14A00  }
0x218: {  	[tilespmem:s24], [sflag:$0x1] =	stream.indirect_vreg.gather [hbm4b:s3+s2], $0x80, v3, vm0, $0xb8;
	[tilespmem:$0x19200] =	vst v63  }
0x219: {  	v3 =	vld [tilespmem:$0x150];
	_ =	sdelay $0x4  }
0x21a: {  	v10 =	vshll.u32 v3, $0x1  }
0x21b: {  	v3 =	vand.u32 $0x7, v3;
	v4 =	vand.u32 $0xFFFFFFF0, v10  }
0x21c: {  	v3 =	vor.u32 v3, v4  }
0x21d: {  	v4 =	vperm.xlane v3, v0;
	_ =	sdelay $0x1  }
0x21e: {  	v3 =	vperm.xlane v3, v2;
	v4 =	vadd.s32 v1, v4;
	_ =	sdelay $0x1  }
0x21f: {  	v3 =	vadd.s32 v1, v3;
	_ =	sdelay $0x1  }
0x220: {  	s24 =	simm.s32 $0x15200  }
0x221: {  	[tilespmem:s24], [sflag:$0x1] =	stream.indirect_vreg.gather [hbm4b:s3+s2], $0x80, v4, vm0, $0xb8;
	[tilespmem:$0x19200] =	vst v63  }
0x222: {  	s25 =	simm.s32 $0x15A00  }
0x223: {  	[tilespmem:s25], [sflag:$0x1] =	stream.indirect_vreg.gather [hbm4b:s3+s2], $0x80, v3, vm0, $0xb8;
	[tilespmem:$0x19200] =	vst v63  }
0x224: {  	v3 =	vld [tilespmem:$0x160];
	_ =	sdelay $0x4  }
0x225: {  	v11 =	vshll.u32 v3, $0x1  }
0x226: {  	v3 =	vand.u32 $0x7, v3;
	v4 =	vand.u32 $0xFFFFFFF0, v11  }
0x227: {  	v3 =	vor.u32 v3, v4  }
0x228: {  	v4 =	vperm.xlane v3, v0;
	_ =	sdelay $0x1  }
0x229: {  	v3 =	vperm.xlane v3, v2;
	v4 =	vadd.s32 v1, v4;
	_ =	sdelay $0x1  }
0x22a: {  	v3 =	vadd.s32 v1, v3;
	_ =	sdelay $0x1  }
0x22b: {  	s25 =	simm.s32 $0x16200  }
0x22c: {  	[tilespmem:s25], [sflag:$0x1] =	stream.indirect_vreg.gather [hbm4b:s3+s2], $0x80, v4, vm0, $0xb8;
	[tilespmem:$0x19200] =	vst v63  }
0x22d: {  	s26 =	simm.s32 $0x16A00  }
0x22e: {  	[tilespmem:s26], [sflag:$0x1] =	stream.indirect_vreg.gather [hbm4b:s3+s2], $0x80, v3, vm0, $0xb8;
	[tilespmem:$0x19200] =	vst v63  }
0x22f: {  	v3 =	vld [tilespmem:$0x170];
	_ =	sdelay $0x4  }
0x230: {  	v12 =	vshll.u32 v3, $0x1  }
0x231: {  	v3 =	vand.u32 $0x7, v3;
	v4 =	vand.u32 $0xFFFFFFF0, v12  }
0x232: {  	v3 =	vor.u32 v3, v4  }
0x233: {  	v4 =	vperm.xlane v3, v0;
	_ =	sdelay $0x1  }
0x234: {  	v3 =	vperm.xlane v3, v2;
	v4 =	vadd.s32 v1, v4;
	_ =	sdelay $0x1  }
0x235: {  	v3 =	vadd.s32 v1, v3;
	_ =	sdelay $0x1  }
0x236: {  	s26 =	simm.s32 $0x17200  }
0x237: {  	[tilespmem:s26], [sflag:$0x1] =	stream.indirect_vreg.gather [hbm4b:s3+s2], $0x80, v4, vm0, $0xb8;
	[tilespmem:$0x19200] =	vst v63  }
0x238: {  	s28 =	simm.s32 $0x17A00  }
0x239: {  	[tilespmem:s28], [sflag:$0x1] =	stream.indirect_vreg.gather [hbm4b:s3+s2], $0x80, v3, vm0, $0xb8;
	[tilespmem:$0x19200] =	vst v63  }
0x23a: {  	v3 =	vld [tilespmem:$0x180];
	_ =	sdelay $0x4  }
0x23b: {  	v13 =	vshll.u32 v3, $0x1  }
0x23c: {  	v3 =	vand.u32 $0x7, v3;
	v4 =	vand.u32 $0xFFFFFFF0, v13  }
0x23d: {  	v3 =	vor.u32 v3, v4  }
0x23e: {  	v4 =	vperm.xlane v3, v0;
	_ =	sdelay $0x1  }
0x23f: {  	v3 =	vperm.xlane v3, v2;
	v4 =	vadd.s32 v1, v4;
	_ =	sdelay $0x1  }
0x240: {  	v3 =	vadd.s32 v1, v3;
	_ =	sdelay $0x1  }
0x241: {  	s28 =	simm.s32 $0x18200  }
0x242: {  	[tilespmem:s28], [sflag:$0x1] =	stream.indirect_vreg.gather [hbm4b:s3+s2], $0x80, v4, vm0, $0xb8;
	[tilespmem:$0x19200] =	vst v63  }
0x243: {  	s29 =	simm.s32 $0x18A00  }
0x244: {  	[tilespmem:s29], [sflag:$0x1] =	stream.indirect_vreg.gather [hbm4b:s3+s2], $0x80, v3, vm0, $0xb8;
	[tilespmem:$0x19200] =	vst v63  }
0x245: {  	_ =	swait.ge [sflag:s31], $0x19000  }
0x246: {  	[sflag:s31] =	ssyncset.done $0x0  }
0x247: {  	s18 =	rddreg [dreg:$0x6];
	[sflag:s31] =	ssyncadd.s32 $0xFFFE7000  }
0x248: {  	[hbm4b:s18+s2] =	stream.linear.scatter [tilespmem:s17], [sflag:$0x2], $0x19000, $0x38;
	[tilespmem:$0x19200] =	vst v63  }
0x249: {  	_ =	swait.ge [sflag:s5], $0x19000  }
0x24a: {  	[sflag:s5] =	ssyncset.done $0x0  }
0x24b: {  	s20 =	rddreg [dreg:$0x7];
	[sflag:s5] =	ssyncadd.s32 $0xFFFE7000  }
0x24c: {  	[tilespmem:s2], [sflag:$0x2] =	stream.linear.gather [hbm4b:s20+s2], $0x190, $0x38;
	[tilespmem:$0x19200] =	vst v63  }
0x24d: {  	_ =	swait.ge [sflag:s5], $0x190  }
0x24e: {  	[sflag:s5] =	ssyncset.done $0x0  }
0x24f: {  	[sflag:s5] =	ssyncadd.s32 $0xFFFFFE70  }
0x250: {  	v3 =	vld [tilespmem:$0x0];
	_ =	sdelay $0x4  }
0x251: {  	v14 =	vshll.u32 v3, $0x1  }
0x252: {  	v3 =	vand.u32 $0x7, v3;
	v4 =	vand.u32 $0xFFFFFFF0, v14  }
0x253: {  	v3 =	vor.u32 v3, v4  }
0x254: {  	v4 =	vperm.xlane v3, v0;
	_ =	sdelay $0x1  }
0x255: {  	v3 =	vperm.xlane v3, v2;
	v4 =	vadd.s32 v1, v4;
	_ =	sdelay $0x1  }
0x256: {  	v3 =	vadd.s32 v1, v3;
	_ =	sdelay $0x2  }
0x257: {  	[tilespmem:s17], [sflag:$0x1] =	stream.indirect_vreg.gather [hbm4b:s3+s2], $0x80, v4, vm0, $0xb8;
	[tilespmem:$0x19200] =	vst v63  }
0x258: {  	s21 =	simm.s32 $0xA00  }
0x259: {  	[tilespmem:s21], [sflag:$0x1] =	stream.indirect_vreg.gather [hbm4b:s3+s2], $0x80, v3, vm0, $0xb8;
	[tilespmem:$0x19200] =	vst v63  }
0x25a: {  	v3 =	vld [tilespmem:$0x10];
	_ =	sdelay $0x4  }
0x25b: {  	v15 =	vshll.u32 v3, $0x1  }
0x25c: {  	v3 =	vand.u32 $0x7, v3;
	v4 =	vand.u32 $0xFFFFFFF0, v15  }
0x25d: {  	v3 =	vor.u32 v3, v4  }
0x25e: {  	v4 =	vperm.xlane v3, v0;
	_ =	sdelay $0x1  }
0x25f: {  	v3 =	vperm.xlane v3, v2;
	v4 =	vadd.s32 v1, v4;
	_ =	sdelay $0x1  }
0x260: {  	v3 =	vadd.s32 v1, v3;
	_ =	sdelay $0x2  }
0x261: {  	[tilespmem:s0], [sflag:$0x1] =	stream.indirect_vreg.gather [hbm4b:s3+s2], $0x80, v4, vm0, $0xb8;
	[tilespmem:$0x19200] =	vst v63  }
0x262: {  	s22 =	simm.s32 $0x1A00  }
0x263: {  	[tilespmem:s22], [sflag:$0x1] =	stream.indirect_vreg.gather [hbm4b:s3+s2], $0x80, v3, vm0, $0xb8;
	[tilespmem:$0x19200] =	vst v63  }
0x264: {  	v3 =	vld [tilespmem:$0x20];
	_ =	sdelay $0x4  }
0x265: {  	v16 =	vshll.u32 v3, $0x1  }
0x266: {  	v3 =	vand.u32 $0x7, v3;
	v4 =	vand.u32 $0xFFFFFFF0, v16  }
0x267: {  	v3 =	vor.u32 v3, v4  }
0x268: {  	v4 =	vperm.xlane v3, v0;
	_ =	sdelay $0x1  }
0x269: {  	v3 =	vperm.xlane v3, v2;
	v4 =	vadd.s32 v1, v4;
	_ =	sdelay $0x1  }
0x26a: {  	v3 =	vadd.s32 v1, v3;
	_ =	sdelay $0x2  }
0x26b: {  	[tilespmem:s6], [sflag:$0x1] =	stream.indirect_vreg.gather [hbm4b:s3+s2], $0x80, v4, vm0, $0xb8;
	[tilespmem:$0x19200] =	vst v63  }
0x26c: {  	s23 =	simm.s32 $0x2A00  }
0x26d: {  	[tilespmem:s23], [sflag:$0x1] =	stream.indirect_vreg.gather [hbm4b:s3+s2], $0x80, v3, vm0, $0xb8;
	[tilespmem:$0x19200] =	vst v63  }
0x26e: {  	v3 =	vld [tilespmem:$0x30];
	_ =	sdelay $0x4  }
0x26f: {  	v17 =	vshll.u32 v3, $0x1  }
0x270: {  	v3 =	vand.u32 $0x7, v3;
	v4 =	vand.u32 $0xFFFFFFF0, v17  }
0x271: {  	v3 =	vor.u32 v3, v4  }
0x272: {  	v4 =	vperm.xlane v3, v0;
	_ =	sdelay $0x1  }
0x273: {  	v3 =	vperm.xlane v3, v2;
	v4 =	vadd.s32 v1, v4;
	_ =	sdelay $0x1  }
0x274: {  	v3 =	vadd.s32 v1, v3;
	_ =	sdelay $0x2  }
0x275: {  	[tilespmem:s7], [sflag:$0x1] =	stream.indirect_vreg.gather [hbm4b:s3+s2], $0x80, v4, vm0, $0xb8;
	[tilespmem:$0x19200] =	vst v63  }
0x276: {  	s24 =	simm.s32 $0x3A00  }
0x277: {  	[tilespmem:s24], [sflag:$0x1] =	stream.indirect_vreg.gather [hbm4b:s3+s2], $0x80, v3, vm0, $0xb8;
	[tilespmem:$0x19200] =	vst v63  }
0x278: {  	v3 =	vld [tilespmem:$0x40];
	_ =	sdelay $0x4  }
0x279: {  	v18 =	vshll.u32 v3, $0x1  }
0x27a: {  	v3 =	vand.u32 $0x7, v3;
	v4 =	vand.u32 $0xFFFFFFF0, v18  }
0x27b: {  	v3 =	vor.u32 v3, v4  }
0x27c: {  	v4 =	vperm.xlane v3, v0;
	_ =	sdelay $0x1  }
0x27d: {  	v3 =	vperm.xlane v3, v2;
	v4 =	vadd.s32 v1, v4;
	_ =	sdelay $0x1  }
0x27e: {  	v3 =	vadd.s32 v1, v3;
	_ =	sdelay $0x2  }
0x27f: {  	[tilespmem:s8], [sflag:$0x1] =	stream.indirect_vreg.gather [hbm4b:s3+s2], $0x80, v4, vm0, $0xb8;
	[tilespmem:$0x19200] =	vst v63  }
0x280: {  	s25 =	simm.s32 $0x4A00  }
0x281: {  	[tilespmem:s25], [sflag:$0x1] =	stream.indirect_vreg.gather [hbm4b:s3+s2], $0x80, v3, vm0, $0xb8;
	[tilespmem:$0x19200] =	vst v63  }
0x282: {  	v3 =	vld [tilespmem:$0x50];
	_ =	sdelay $0x4  }
0x283: {  	v19 =	vshll.u32 v3, $0x1  }
0x284: {  	v3 =	vand.u32 $0x7, v3;
	v4 =	vand.u32 $0xFFFFFFF0, v19  }
0x285: {  	v3 =	vor.u32 v3, v4  }
0x286: {  	v4 =	vperm.xlane v3, v0;
	_ =	sdelay $0x1  }
0x287: {  	v3 =	vperm.xlane v3, v2;
	v4 =	vadd.s32 v1, v4;
	_ =	sdelay $0x1  }
0x288: {  	v3 =	vadd.s32 v1, v3;
	_ =	sdelay $0x2  }
0x289: {  	[tilespmem:s9], [sflag:$0x1] =	stream.indirect_vreg.gather [hbm4b:s3+s2], $0x80, v4, vm0, $0xb8;
	[tilespmem:$0x19200] =	vst v63  }
0x28a: {  	s26 =	simm.s32 $0x5A00  }
0x28b: {  	[tilespmem:s26], [sflag:$0x1] =	stream.indirect_vreg.gather [hbm4b:s3+s2], $0x80, v3, vm0, $0xb8;
	[tilespmem:$0x19200] =	vst v63  }
0x28c: {  	v3 =	vld [tilespmem:$0x60];
	_ =	sdelay $0x4  }
0x28d: {  	v20 =	vshll.u32 v3, $0x1  }
0x28e: {  	v3 =	vand.u32 $0x7, v3;
	v4 =	vand.u32 $0xFFFFFFF0, v20  }
0x28f: {  	v3 =	vor.u32 v3, v4  }
0x290: {  	v4 =	vperm.xlane v3, v0;
	_ =	sdelay $0x1  }
0x291: {  	v3 =	vperm.xlane v3, v2;
	v4 =	vadd.s32 v1, v4;
	_ =	sdelay $0x1  }
0x292: {  	v3 =	vadd.s32 v1, v3;
	_ =	sdelay $0x2  }
0x293: {  	[tilespmem:s10], [sflag:$0x1] =	stream.indirect_vreg.gather [hbm4b:s3+s2], $0x80, v4, vm0, $0xb8;
	[tilespmem:$0x19200] =	vst v63  }
0x294: {  	s28 =	simm.s32 $0x6A00  }
0x295: {  	[tilespmem:s28], [sflag:$0x1] =	stream.indirect_vreg.gather [hbm4b:s3+s2], $0x80, v3, vm0, $0xb8;
	[tilespmem:$0x19200] =	vst v63  }
0x296: {  	v3 =	vld [tilespmem:$0x70];
	_ =	sdelay $0x4  }
0x297: {  	v21 =	vshll.u32 v3, $0x1  }
0x298: {  	v3 =	vand.u32 $0x7, v3;
	v4 =	vand.u32 $0xFFFFFFF0, v21  }
0x299: {  	v3 =	vor.u32 v3, v4  }
0x29a: {  	v4 =	vperm.xlane v3, v0;
	_ =	sdelay $0x1  }
0x29b: {  	v3 =	vperm.xlane v3, v2;
	v4 =	vadd.s32 v1, v4;
	_ =	sdelay $0x1  }
0x29c: {  	v3 =	vadd.s32 v1, v3;
	_ =	sdelay $0x2  }
0x29d: {  	[tilespmem:s11], [sflag:$0x1] =	stream.indirect_vreg.gather [hbm4b:s3+s2], $0x80, v4, vm0, $0xb8;
	[tilespmem:$0x19200] =	vst v63  }
0x29e: {  	s29 =	simm.s32 $0x7A00  }
0x29f: {  	[tilespmem:s29], [sflag:$0x1] =	stream.indirect_vreg.gather [hbm4b:s3+s2], $0x80, v3, vm0, $0xb8;
	[tilespmem:$0x19200] =	vst v63  }
0x2a0: {  	v3 =	vld [tilespmem:$0x80];
	_ =	sdelay $0x4  }
0x2a1: {  	v22 =	vshll.u32 v3, $0x1  }
0x2a2: {  	v3 =	vand.u32 $0x7, v3;
	v4 =	vand.u32 $0xFFFFFFF0, v22  }
0x2a3: {  	v3 =	vor.u32 v3, v4  }
0x2a4: {  	v4 =	vperm.xlane v3, v0;
	_ =	sdelay $0x1  }
0x2a5: {  	v3 =	vperm.xlane v3, v2;
	v4 =	vadd.s32 v1, v4;
	_ =	sdelay $0x1  }
0x2a6: {  	v3 =	vadd.s32 v1, v3;
	_ =	sdelay $0x2  }
0x2a7: {  	[tilespmem:s12], [sflag:$0x1] =	stream.indirect_vreg.gather [hbm4b:s3+s2], $0x80, v4, vm0, $0xb8;
	[tilespmem:$0x19200] =	vst v63  }
0x2a8: {  	s18 =	simm.s32 $0x8A00  }
0x2a9: {  	[tilespmem:s18], [sflag:$0x1] =	stream.indirect_vreg.gather [hbm4b:s3+s2], $0x80, v3, vm0, $0xb8;
	[tilespmem:$0x19200] =	vst v63  }
0x2aa: {  	v3 =	vld [tilespmem:$0x90];
	_ =	sdelay $0x4  }
0x2ab: {  	v23 =	vshll.u32 v3, $0x1  }
0x2ac: {  	v3 =	vand.u32 $0x7, v3;
	v4 =	vand.u32 $0xFFFFFFF0, v23  }
0x2ad: {  	v3 =	vor.u32 v3, v4  }
0x2ae: {  	v4 =	vperm.xlane v3, v0;
	_ =	sdelay $0x1  }
0x2af: {  	v3 =	vperm.xlane v3, v2;
	v4 =	vadd.s32 v1, v4;
	_ =	sdelay $0x1  }
0x2b0: {  	v3 =	vadd.s32 v1, v3;
	_ =	sdelay $0x2  }
0x2b1: {  	[tilespmem:s13], [sflag:$0x1] =	stream.indirect_vreg.gather [hbm4b:s3+s2], $0x80, v4, vm0, $0xb8;
	[tilespmem:$0x19200] =	vst v63  }
0x2b2: {  	_ = 	snop  }
0x2b3: {  	[tilespmem:s15], [sflag:$0x1] =	stream.indirect_vreg.gather [hbm4b:s3+s2], $0x80, v3, vm0, $0xb8;
	[tilespmem:$0x19200] =	vst v63  }
0x2b4: {  	v3 =	vld [tilespmem:$0xA0];
	_ =	sdelay $0x4  }
0x2b5: {  	v24 =	vshll.u32 v3, $0x1  }
0x2b6: {  	v3 =	vand.u32 $0x7, v3;
	v4 =	vand.u32 $0xFFFFFFF0, v24  }
0x2b7: {  	v3 =	vor.u32 v3, v4  }
0x2b8: {  	v4 =	vperm.xlane v3, v0;
	_ =	sdelay $0x1  }
0x2b9: {  	v3 =	vperm.xlane v3, v2;
	v4 =	vadd.s32 v1, v4;
	_ =	sdelay $0x1  }
0x2ba: {  	v3 =	vadd.s32 v1, v3;
	_ =	sdelay $0x2  }
0x2bb: {  	[tilespmem:s14], [sflag:$0x1] =	stream.indirect_vreg.gather [hbm4b:s3+s2], $0x80, v4, vm0, $0xb8;
	[tilespmem:$0x19200] =	vst v63  }
0x2bc: {  	_ = 	snop  }
0x2bd: {  	[tilespmem:s16], [sflag:$0x1] =	stream.indirect_vreg.gather [hbm4b:s3+s2], $0x80, v3, vm0, $0xb8;
	[tilespmem:$0x19200] =	vst v63  }
0x2be: {  	v3 =	vld [tilespmem:$0xB0];
	_ =	sdelay $0x4  }
0x2bf: {  	v25 =	vshll.u32 v3, $0x1  }
0x2c0: {  	v3 =	vand.u32 $0x7, v3;
	v4 =	vand.u32 $0xFFFFFFF0, v25  }
0x2c1: {  	v3 =	vor.u32 v3, v4  }
0x2c2: {  	v4 =	vperm.xlane v3, v0;
	_ =	sdelay $0x1  }
0x2c3: {  	v3 =	vperm.xlane v3, v2;
	v4 =	vadd.s32 v1, v4;
	_ =	sdelay $0x1  }
0x2c4: {  	v3 =	vadd.s32 v1, v3;
	_ =	sdelay $0x1  }
0x2c5: {  	s20 =	simm.s32 $0xB200  }
0x2c6: {  	[tilespmem:s20], [sflag:$0x1] =	stream.indirect_vreg.gather [hbm4b:s3+s2], $0x80, v4, vm0, $0xb8;
	[tilespmem:$0x19200] =	vst v63  }
0x2c7: {  	_ = 	snop  }
0x2c8: {  	[tilespmem:s19], [sflag:$0x1] =	stream.indirect_vreg.gather [hbm4b:s3+s2], $0x80, v3, vm0, $0xb8;
	[tilespmem:$0x19200] =	vst v63  }
0x2c9: {  	v3 =	vld [tilespmem:$0xC0];
	_ =	sdelay $0x4  }
0x2ca: {  	v26 =	vshll.u32 v3, $0x1  }
0x2cb: {  	v3 =	vand.u32 $0x7, v3;
	v4 =	vand.u32 $0xFFFFFFF0, v26  }
0x2cc: {  	v3 =	vor.u32 v3, v4  }
0x2cd: {  	v4 =	vperm.xlane v3, v0;
	_ =	sdelay $0x1  }
0x2ce: {  	v3 =	vperm.xlane v3, v2;
	v4 =	vadd.s32 v1, v4;
	_ =	sdelay $0x1  }
0x2cf: {  	v3 =	vadd.s32 v1, v3;
	_ =	sdelay $0x1  }
0x2d0: {  	s21 =	simm.s32 $0xC200  }
0x2d1: {  	[tilespmem:s21], [sflag:$0x1] =	stream.indirect_vreg.gather [hbm4b:s3+s2], $0x80, v4, vm0, $0xb8;
	[tilespmem:$0x19200] =	vst v63  }
0x2d2: {  	s22 =	simm.s32 $0xCA00  }
0x2d3: {  	[tilespmem:s22], [sflag:$0x1] =	stream.indirect_vreg.gather [hbm4b:s3+s2], $0x80, v3, vm0, $0xb8;
	[tilespmem:$0x19200] =	vst v63  }
0x2d4: {  	v3 =	vld [tilespmem:$0xD0];
	_ =	sdelay $0x4  }
0x2d5: {  	v27 =	vshll.u32 v3, $0x1  }
0x2d6: {  	v3 =	vand.u32 $0x7, v3;
	v4 =	vand.u32 $0xFFFFFFF0, v27  }
0x2d7: {  	v3 =	vor.u32 v3, v4  }
0x2d8: {  	v4 =	vperm.xlane v3, v0;
	_ =	sdelay $0x1  }
0x2d9: {  	v3 =	vperm.xlane v3, v2;
	v4 =	vadd.s32 v1, v4;
	_ =	sdelay $0x1  }
0x2da: {  	v3 =	vadd.s32 v1, v3;
	_ =	sdelay $0x1  }
0x2db: {  	s30 =	simm.s32 $0xD200  }
0x2dc: {  	[tilespmem:s30], [sflag:$0x1] =	stream.indirect_vreg.gather [hbm4b:s3+s2], $0x80, v4, vm0, $0xb8;
	[tilespmem:$0x19200] =	vst v63  }
0x2dd: {  	s23 =	simm.s32 $0xDA00  }
0x2de: {  	[tilespmem:s23], [sflag:$0x1] =	stream.indirect_vreg.gather [hbm4b:s3+s2], $0x80, v3, vm0, $0xb8;
	[tilespmem:$0x19200] =	vst v63  }
0x2df: {  	v3 =	vld [tilespmem:$0xE0];
	_ =	sdelay $0x4  }
0x2e0: {  	v28 =	vshll.u32 v3, $0x1  }
0x2e1: {  	v3 =	vand.u32 $0x7, v3;
	v4 =	vand.u32 $0xFFFFFFF0, v28  }
0x2e2: {  	v3 =	vor.u32 v3, v4  }
0x2e3: {  	v4 =	vperm.xlane v3, v0;
	_ =	sdelay $0x1  }
0x2e4: {  	v3 =	vperm.xlane v3, v2;
	v4 =	vadd.s32 v1, v4;
	_ =	sdelay $0x1  }
0x2e5: {  	v3 =	vadd.s32 v1, v3;
	_ =	sdelay $0x1  }
0x2e6: {  	s24 =	simm.s32 $0xE200  }
0x2e7: {  	[tilespmem:s24], [sflag:$0x1] =	stream.indirect_vreg.gather [hbm4b:s3+s2], $0x80, v4, vm0, $0xb8;
	[tilespmem:$0x19200] =	vst v63  }
0x2e8: {  	s25 =	simm.s32 $0xEA00  }
0x2e9: {  	[tilespmem:s25], [sflag:$0x1] =	stream.indirect_vreg.gather [hbm4b:s3+s2], $0x80, v3, vm0, $0xb8;
	[tilespmem:$0x19200] =	vst v63  }
0x2ea: {  	v3 =	vld [tilespmem:$0xF0];
	_ =	sdelay $0x4  }
0x2eb: {  	v29 =	vshll.u32 v3, $0x1  }
0x2ec: {  	v3 =	vand.u32 $0x7, v3;
	v4 =	vand.u32 $0xFFFFFFF0, v29  }
0x2ed: {  	v3 =	vor.u32 v3, v4  }
0x2ee: {  	v4 =	vperm.xlane v3, v0;
	_ =	sdelay $0x1  }
0x2ef: {  	v3 =	vperm.xlane v3, v2;
	v4 =	vadd.s32 v1, v4;
	_ =	sdelay $0x1  }
0x2f0: {  	v3 =	vadd.s32 v1, v3;
	_ =	sdelay $0x1  }
0x2f1: {  	s26 =	simm.s32 $0xF200  }
0x2f2: {  	[tilespmem:s26], [sflag:$0x1] =	stream.indirect_vreg.gather [hbm4b:s3+s2], $0x80, v4, vm0, $0xb8;
	[tilespmem:$0x19200] =	vst v63  }
0x2f3: {  	s28 =	simm.s32 $0xFA00  }
0x2f4: {  	[tilespmem:s28], [sflag:$0x1] =	stream.indirect_vreg.gather [hbm4b:s3+s2], $0x80, v3, vm0, $0xb8;
	[tilespmem:$0x19200] =	vst v63  }
0x2f5: {  	v3 =	vld [tilespmem:$0x100];
	_ =	sdelay $0x4  }
0x2f6: {  	v30 =	vshll.u32 v3, $0x1  }
0x2f7: {  	v3 =	vand.u32 $0x7, v3;
	v4 =	vand.u32 $0xFFFFFFF0, v30  }
0x2f8: {  	v3 =	vor.u32 v3, v4  }
0x2f9: {  	v4 =	vperm.xlane v3, v0;
	_ =	sdelay $0x1  }
0x2fa: {  	v3 =	vperm.xlane v3, v2;
	v4 =	vadd.s32 v1, v4;
	_ =	sdelay $0x1  }
0x2fb: {  	v3 =	vadd.s32 v1, v3;
	_ =	sdelay $0x1  }
0x2fc: {  	s20 =	simm.s32 $0x10200  }
0x2fd: {  	[tilespmem:s20], [sflag:$0x1] =	stream.indirect_vreg.gather [hbm4b:s3+s2], $0x80, v4, vm0, $0xb8;
	[tilespmem:$0x19200] =	vst v63  }
0x2fe: {  	s21 =	simm.s32 $0x10A00  }
0x2ff: {  	[tilespmem:s21], [sflag:$0x1] =	stream.indirect_vreg.gather [hbm4b:s3+s2], $0x80, v3, vm0, $0xb8;
	[tilespmem:$0x19200] =	vst v63  }
0x300: {  	v3 =	vld [tilespmem:$0x110];
	_ =	sdelay $0x4  }
0x301: {  	v31 =	vshll.u32 v3, $0x1  }
0x302: {  	v3 =	vand.u32 $0x7, v3;
	v4 =	vand.u32 $0xFFFFFFF0, v31  }
0x303: {  	v3 =	vor.u32 v3, v4  }
0x304: {  	v4 =	vperm.xlane v3, v0;
	_ =	sdelay $0x1  }
0x305: {  	v3 =	vperm.xlane v3, v2;
	v4 =	vadd.s32 v1, v4;
	_ =	sdelay $0x1  }
0x306: {  	v3 =	vadd.s32 v1, v3;
	_ =	sdelay $0x1  }
0x307: {  	s22 =	simm.s32 $0x11200  }
0x308: {  	[tilespmem:s22], [sflag:$0x1] =	stream.indirect_vreg.gather [hbm4b:s3+s2], $0x80, v4, vm0, $0xb8;
	[tilespmem:$0x19200] =	vst v63  }
0x309: {  	s23 =	simm.s32 $0x11A00  }
0x30a: {  	[tilespmem:s23], [sflag:$0x1] =	stream.indirect_vreg.gather [hbm4b:s3+s2], $0x80, v3, vm0, $0xb8;
	[tilespmem:$0x19200] =	vst v63  }
0x30b: {  	v3 =	vld [tilespmem:$0x120];
	_ =	sdelay $0x4  }
0x30c: {  	v32 =	vshll.u32 v3, $0x1  }
0x30d: {  	v3 =	vand.u32 $0x7, v3;
	v4 =	vand.u32 $0xFFFFFFF0, v32  }
0x30e: {  	v3 =	vor.u32 v3, v4  }
0x30f: {  	v4 =	vperm.xlane v3, v0;
	_ =	sdelay $0x1  }
0x310: {  	v3 =	vperm.xlane v3, v2;
	v4 =	vadd.s32 v1, v4;
	_ =	sdelay $0x1  }
0x311: {  	v3 =	vadd.s32 v1, v3;
	_ =	sdelay $0x1  }
0x312: {  	s24 =	simm.s32 $0x12200  }
0x313: {  	[tilespmem:s24], [sflag:$0x1] =	stream.indirect_vreg.gather [hbm4b:s3+s2], $0x80, v4, vm0, $0xb8;
	[tilespmem:$0x19200] =	vst v63  }
0x314: {  	s25 =	simm.s32 $0x12A00  }
0x315: {  	[tilespmem:s25], [sflag:$0x1] =	stream.indirect_vreg.gather [hbm4b:s3+s2], $0x80, v3, vm0, $0xb8;
	[tilespmem:$0x19200] =	vst v63  }
0x316: {  	v3 =	vld [tilespmem:$0x130];
	_ =	sdelay $0x4  }
0x317: {  	v33 =	vshll.u32 v3, $0x1  }
0x318: {  	v3 =	vand.u32 $0x7, v3;
	v4 =	vand.u32 $0xFFFFFFF0, v33  }
0x319: {  	v3 =	vor.u32 v3, v4  }
0x31a: {  	v4 =	vperm.xlane v3, v0;
	_ =	sdelay $0x1  }
0x31b: {  	v3 =	vperm.xlane v3, v2;
	v4 =	vadd.s32 v1, v4;
	_ =	sdelay $0x1  }
0x31c: {  	v3 =	vadd.s32 v1, v3;
	_ =	sdelay $0x1  }
0x31d: {  	s26 =	simm.s32 $0x13200  }
0x31e: {  	[tilespmem:s26], [sflag:$0x1] =	stream.indirect_vreg.gather [hbm4b:s3+s2], $0x80, v4, vm0, $0xb8;
	[tilespmem:$0x19200] =	vst v63  }
0x31f: {  	s28 =	simm.s32 $0x13A00  }
0x320: {  	[tilespmem:s28], [sflag:$0x1] =	stream.indirect_vreg.gather [hbm4b:s3+s2], $0x80, v3, vm0, $0xb8;
	[tilespmem:$0x19200] =	vst v63  }
0x321: {  	v3 =	vld [tilespmem:$0x140];
	_ =	sdelay $0x4  }
0x322: {  	v34 =	vshll.u32 v3, $0x1  }
0x323: {  	v3 =	vand.u32 $0x7, v3;
	v4 =	vand.u32 $0xFFFFFFF0, v34  }
0x324: {  	v3 =	vor.u32 v3, v4  }
0x325: {  	v4 =	vperm.xlane v3, v0;
	_ =	sdelay $0x1  }
0x326: {  	v3 =	vperm.xlane v3, v2;
	v4 =	vadd.s32 v1, v4;
	_ =	sdelay $0x1  }
0x327: {  	v3 =	vadd.s32 v1, v3;
	_ =	sdelay $0x1  }
0x328: {  	s24 =	simm.s32 $0x14200  }
0x329: {  	[tilespmem:s24], [sflag:$0x1] =	stream.indirect_vreg.gather [hbm4b:s3+s2], $0x80, v4, vm0, $0xb8;
	[tilespmem:$0x19200] =	vst v63  }
0x32a: {  	s25 =	simm.s32 $0x14A00  }
0x32b: {  	[tilespmem:s25], [sflag:$0x1] =	stream.indirect_vreg.gather [hbm4b:s3+s2], $0x80, v3, vm0, $0xb8;
	[tilespmem:$0x19200] =	vst v63  }
0x32c: {  	v3 =	vld [tilespmem:$0x150];
	_ =	sdelay $0x4  }
0x32d: {  	v35 =	vshll.u32 v3, $0x1  }
0x32e: {  	v3 =	vand.u32 $0x7, v3;
	v4 =	vand.u32 $0xFFFFFFF0, v35  }
0x32f: {  	v3 =	vor.u32 v3, v4  }
0x330: {  	v4 =	vperm.xlane v3, v0;
	_ =	sdelay $0x1  }
0x331: {  	v3 =	vperm.xlane v3, v2;
	v4 =	vadd.s32 v1, v4;
	_ =	sdelay $0x1  }
0x332: {  	v3 =	vadd.s32 v1, v3;
	_ =	sdelay $0x1  }
0x333: {  	s26 =	simm.s32 $0x15200  }
0x334: {  	[tilespmem:s26], [sflag:$0x1] =	stream.indirect_vreg.gather [hbm4b:s3+s2], $0x80, v4, vm0, $0xb8;
	[tilespmem:$0x19200] =	vst v63  }
0x335: {  	s28 =	simm.s32 $0x15A00  }
0x336: {  	[tilespmem:s28], [sflag:$0x1] =	stream.indirect_vreg.gather [hbm4b:s3+s2], $0x80, v3, vm0, $0xb8;
	[tilespmem:$0x19200] =	vst v63  }
0x337: {  	v3 =	vld [tilespmem:$0x160];
	_ =	sdelay $0x4  }
0x338: {  	v36 =	vshll.u32 v3, $0x1  }
0x339: {  	v3 =	vand.u32 $0x7, v3;
	v4 =	vand.u32 $0xFFFFFFF0, v36  }
0x33a: {  	v3 =	vor.u32 v3, v4  }
0x33b: {  	v4 =	vperm.xlane v3, v0;
	_ =	sdelay $0x1  }
0x33c: {  	v3 =	vperm.xlane v3, v2;
	v4 =	vadd.s32 v1, v4;
	_ =	sdelay $0x1  }
0x33d: {  	v3 =	vadd.s32 v1, v3;
	_ =	sdelay $0x1  }
0x33e: {  	s26 =	simm.s32 $0x16200  }
0x33f: {  	[tilespmem:s26], [sflag:$0x1] =	stream.indirect_vreg.gather [hbm4b:s3+s2], $0x80, v4, vm0, $0xb8;
	[tilespmem:$0x19200] =	vst v63  }
0x340: {  	s28 =	simm.s32 $0x16A00  }
0x341: {  	[tilespmem:s28], [sflag:$0x1] =	stream.indirect_vreg.gather [hbm4b:s3+s2], $0x80, v3, vm0, $0xb8;
	[tilespmem:$0x19200] =	vst v63  }
0x342: {  	v3 =	vld [tilespmem:$0x170];
	_ =	sdelay $0x4  }
0x343: {  	v37 =	vshll.u32 v3, $0x1  }
0x344: {  	v3 =	vand.u32 $0x7, v3;
	v4 =	vand.u32 $0xFFFFFFF0, v37  }
0x345: {  	v3 =	vor.u32 v3, v4  }
0x346: {  	v4 =	vperm.xlane v3, v0;
	_ =	sdelay $0x1  }
0x347: {  	v3 =	vperm.xlane v3, v2;
	v4 =	vadd.s32 v1, v4;
	_ =	sdelay $0x1  }
0x348: {  	v3 =	vadd.s32 v1, v3;
	_ =	sdelay $0x1  }
0x349: {  	s28 =	simm.s32 $0x17200  }
0x34a: {  	[tilespmem:s28], [sflag:$0x1] =	stream.indirect_vreg.gather [hbm4b:s3+s2], $0x80, v4, vm0, $0xb8;
	[tilespmem:$0x19200] =	vst v63  }
0x34b: {  	s1 =	simm.s32 $0x17A00  }
0x34c: {  	[tilespmem:s1], [sflag:$0x1] =	stream.indirect_vreg.gather [hbm4b:s3+s2], $0x80, v3, vm0, $0xb8;
	[tilespmem:$0x19200] =	vst v63  }
0x34d: {  	v3 =	vld [tilespmem:$0x180];
	_ =	sdelay $0x4  }
0x34e: {  	v38 =	vshll.u32 v3, $0x1  }
0x34f: {  	v3 =	vand.u32 $0x7, v3;
	v4 =	vand.u32 $0xFFFFFFF0, v38  }
0x350: {  	v3 =	vor.u32 v3, v4  }
0x351: {  	v4 =	vperm.xlane v3, v0;
	_ =	sdelay $0x1  }
0x352: {  	v3 =	vperm.xlane v3, v2;
	v4 =	vadd.s32 v1, v4;
	_ =	sdelay $0x1  }
0x353: {  	v3 =	vadd.s32 v1, v3;
	_ =	sdelay $0x1  }
0x354: {  	s1 =	simm.s32 $0x18200  }
0x355: {  	[tilespmem:s1], [sflag:$0x1] =	stream.indirect_vreg.gather [hbm4b:s3+s2], $0x80, v4, vm0, $0xb8;
	[tilespmem:$0x19200] =	vst v63  }
0x356: {  	s1 =	simm.s32 $0x18A00  }
0x357: {  	[tilespmem:s1], [sflag:$0x1] =	stream.indirect_vreg.gather [hbm4b:s3+s2], $0x80, v3, vm0, $0xb8;
	[tilespmem:$0x19200] =	vst v63  }
0x358: {  	_ =	swait.ge [sflag:s31], $0x19000  }
0x359: {  	[sflag:s31] =	ssyncset.done $0x0  }
0x35a: {  	s1 =	rddreg [dreg:$0x8];
	[sflag:s31] =	ssyncadd.s32 $0xFFFE7000  }
0x35b: {  	[hbm4b:s1+s2] =	stream.linear.scatter [tilespmem:s17], [sflag:$0x2], $0x19000, $0x38;
	[tilespmem:$0x19200] =	vst v63  }
0x35c: {  	_ =	swait.ge [sflag:s5], $0x19000  }
0x35d: {  	[sflag:s5] =	ssyncset.done $0x0  }
0x35e: {  	s1 =	rddreg [dreg:$0x9];
	[sflag:s5] =	ssyncadd.s32 $0xFFFE7000  }
0x35f: {  	[tilespmem:s2], [sflag:$0x2] =	stream.linear.gather [hbm4b:s1+s2], $0x190, $0x38;
	[tilespmem:$0x19200] =	vst v63  }
0x360: {  	_ =	swait.ge [sflag:s5], $0x190  }
0x361: {  	[sflag:s5] =	ssyncset.done $0x0  }
0x362: {  	[sflag:s5] =	ssyncadd.s32 $0xFFFFFE70  }
0x363: {  	v3 =	vld [tilespmem:$0x0];
	_ =	sdelay $0x4  }
0x364: {  	v39 =	vshll.u32 v3, $0x1  }
0x365: {  	v3 =	vand.u32 $0x7, v3;
	v4 =	vand.u32 $0xFFFFFFF0, v39  }
0x366: {  	v3 =	vor.u32 v3, v4  }
0x367: {  	v4 =	vperm.xlane v3, v0;
	_ =	sdelay $0x1  }
0x368: {  	v3 =	vperm.xlane v3, v2;
	v4 =	vadd.s32 v1, v4;
	_ =	sdelay $0x1  }
0x369: {  	v3 =	vadd.s32 v1, v3;
	_ =	sdelay $0x2  }
0x36a: {  	[tilespmem:s17], [sflag:$0x1] =	stream.indirect_vreg.gather [hbm4b:s3+s2], $0x80, v4, vm0, $0xb8;
	[tilespmem:$0x19200] =	vst v63  }
0x36b: {  	s1 =	simm.s32 $0xA00  }
0x36c: {  	[tilespmem:s1], [sflag:$0x1] =	stream.indirect_vreg.gather [hbm4b:s3+s2], $0x80, v3, vm0, $0xb8;
	[tilespmem:$0x19200] =	vst v63  }
0x36d: {  	v3 =	vld [tilespmem:$0x10];
	_ =	sdelay $0x4  }
0x36e: {  	v40 =	vshll.u32 v3, $0x1  }
0x36f: {  	v3 =	vand.u32 $0x7, v3;
	v4 =	vand.u32 $0xFFFFFFF0, v40  }
0x370: {  	v3 =	vor.u32 v3, v4  }
0x371: {  	v4 =	vperm.xlane v3, v0;
	_ =	sdelay $0x1  }
0x372: {  	v3 =	vperm.xlane v3, v2;
	v4 =	vadd.s32 v1, v4;
	_ =	sdelay $0x1  }
0x373: {  	v3 =	vadd.s32 v1, v3;
	_ =	sdelay $0x1  }
0x374: {  	s0 =	simm.s32 $0x1200  }
0x375: {  	[tilespmem:s0], [sflag:$0x1] =	stream.indirect_vreg.gather [hbm4b:s3+s2], $0x80, v4, vm0, $0xb8;
	[tilespmem:$0x19200] =	vst v63  }
0x376: {  	s1 =	simm.s32 $0x1A00  }
0x377: {  	[tilespmem:s1], [sflag:$0x1] =	stream.indirect_vreg.gather [hbm4b:s3+s2], $0x80, v3, vm0, $0xb8;
	[tilespmem:$0x19200] =	vst v63  }
0x378: {  	v3 =	vld [tilespmem:$0x20];
	_ =	sdelay $0x4  }
0x379: {  	v41 =	vshll.u32 v3, $0x1  }
0x37a: {  	v3 =	vand.u32 $0x7, v3;
	v4 =	vand.u32 $0xFFFFFFF0, v41  }
0x37b: {  	v3 =	vor.u32 v3, v4  }
0x37c: {  	v4 =	vperm.xlane v3, v0;
	_ =	sdelay $0x1  }
0x37d: {  	v3 =	vperm.xlane v3, v2;
	v4 =	vadd.s32 v1, v4;
	_ =	sdelay $0x1  }
0x37e: {  	v3 =	vadd.s32 v1, v3;
	_ =	sdelay $0x1  }
0x37f: {  	s6 =	simm.s32 $0x2200  }
0x380: {  	[tilespmem:s6], [sflag:$0x1] =	stream.indirect_vreg.gather [hbm4b:s3+s2], $0x80, v4, vm0, $0xb8;
	[tilespmem:$0x19200] =	vst v63  }
0x381: {  	s1 =	simm.s32 $0x2A00  }
0x382: {  	[tilespmem:s1], [sflag:$0x1] =	stream.indirect_vreg.gather [hbm4b:s3+s2], $0x80, v3, vm0, $0xb8;
	[tilespmem:$0x19200] =	vst v63  }
0x383: {  	v3 =	vld [tilespmem:$0x30];
	_ =	sdelay $0x4  }
0x384: {  	v42 =	vshll.u32 v3, $0x1  }
0x385: {  	v3 =	vand.u32 $0x7, v3;
	v4 =	vand.u32 $0xFFFFFFF0, v42  }
0x386: {  	v3 =	vor.u32 v3, v4  }
0x387: {  	v4 =	vperm.xlane v3, v0;
	_ =	sdelay $0x1  }
0x388: {  	v3 =	vperm.xlane v3, v2;
	v4 =	vadd.s32 v1, v4;
	_ =	sdelay $0x1  }
0x389: {  	v3 =	vadd.s32 v1, v3;
	_ =	sdelay $0x1  }
0x38a: {  	s7 =	simm.s32 $0x3200  }
0x38b: {  	[tilespmem:s7], [sflag:$0x1] =	stream.indirect_vreg.gather [hbm4b:s3+s2], $0x80, v4, vm0, $0xb8;
	[tilespmem:$0x19200] =	vst v63  }
0x38c: {  	s6 =	simm.s32 $0x3A00  }
0x38d: {  	[tilespmem:s6], [sflag:$0x1] =	stream.indirect_vreg.gather [hbm4b:s3+s2], $0x80, v3, vm0, $0xb8;
	[tilespmem:$0x19200] =	vst v63  }
0x38e: {  	v3 =	vld [tilespmem:$0x40];
	_ =	sdelay $0x4  }
0x38f: {  	v43 =	vshll.u32 v3, $0x1  }
0x390: {  	v3 =	vand.u32 $0x7, v3;
	v4 =	vand.u32 $0xFFFFFFF0, v43  }
0x391: {  	v3 =	vor.u32 v3, v4  }
0x392: {  	v4 =	vperm.xlane v3, v0;
	_ =	sdelay $0x1  }
0x393: {  	v3 =	vperm.xlane v3, v2;
	v4 =	vadd.s32 v1, v4;
	_ =	sdelay $0x1  }
0x394: {  	v3 =	vadd.s32 v1, v3;
	_ =	sdelay $0x1  }
0x395: {  	s8 =	simm.s32 $0x4200  }
0x396: {  	[tilespmem:s8], [sflag:$0x1] =	stream.indirect_vreg.gather [hbm4b:s3+s2], $0x80, v4, vm0, $0xb8;
	[tilespmem:$0x19200] =	vst v63  }
0x397: {  	s7 =	simm.s32 $0x4A00  }
0x398: {  	[tilespmem:s7], [sflag:$0x1] =	stream.indirect_vreg.gather [hbm4b:s3+s2], $0x80, v3, vm0, $0xb8;
	[tilespmem:$0x19200] =	vst v63  }
0x399: {  	v3 =	vld [tilespmem:$0x50];
	_ =	sdelay $0x4  }
0x39a: {  	v44 =	vshll.u32 v3, $0x1  }
0x39b: {  	v3 =	vand.u32 $0x7, v3;
	v4 =	vand.u32 $0xFFFFFFF0, v44  }
0x39c: {  	v3 =	vor.u32 v3, v4  }
0x39d: {  	v4 =	vperm.xlane v3, v0;
	_ =	sdelay $0x1  }
0x39e: {  	v3 =	vperm.xlane v3, v2;
	v4 =	vadd.s32 v1, v4;
	_ =	sdelay $0x1  }
0x39f: {  	v3 =	vadd.s32 v1, v3;
	_ =	sdelay $0x1  }
0x3a0: {  	s9 =	simm.s32 $0x5200  }
0x3a1: {  	[tilespmem:s9], [sflag:$0x1] =	stream.indirect_vreg.gather [hbm4b:s3+s2], $0x80, v4, vm0, $0xb8;
	[tilespmem:$0x19200] =	vst v63  }
0x3a2: {  	s8 =	simm.s32 $0x5A00  }
0x3a3: {  	[tilespmem:s8], [sflag:$0x1] =	stream.indirect_vreg.gather [hbm4b:s3+s2], $0x80, v3, vm0, $0xb8;
	[tilespmem:$0x19200] =	vst v63  }
0x3a4: {  	v3 =	vld [tilespmem:$0x60];
	_ =	sdelay $0x4  }
0x3a5: {  	v45 =	vshll.u32 v3, $0x1  }
0x3a6: {  	v3 =	vand.u32 $0x7, v3;
	v4 =	vand.u32 $0xFFFFFFF0, v45  }
0x3a7: {  	v3 =	vor.u32 v3, v4  }
0x3a8: {  	v4 =	vperm.xlane v3, v0;
	_ =	sdelay $0x1  }
0x3a9: {  	v3 =	vperm.xlane v3, v2;
	v4 =	vadd.s32 v1, v4;
	_ =	sdelay $0x1  }
0x3aa: {  	v3 =	vadd.s32 v1, v3;
	_ =	sdelay $0x1  }
0x3ab: {  	s10 =	simm.s32 $0x6200  }
0x3ac: {  	[tilespmem:s10], [sflag:$0x1] =	stream.indirect_vreg.gather [hbm4b:s3+s2], $0x80, v4, vm0, $0xb8;
	[tilespmem:$0x19200] =	vst v63  }
0x3ad: {  	s9 =	simm.s32 $0x6A00  }
0x3ae: {  	[tilespmem:s9], [sflag:$0x1] =	stream.indirect_vreg.gather [hbm4b:s3+s2], $0x80, v3, vm0, $0xb8;
	[tilespmem:$0x19200] =	vst v63  }
0x3af: {  	v3 =	vld [tilespmem:$0x70];
	_ =	sdelay $0x4  }
0x3b0: {  	v46 =	vshll.u32 v3, $0x1  }
0x3b1: {  	v3 =	vand.u32 $0x7, v3;
	v4 =	vand.u32 $0xFFFFFFF0, v46  }
0x3b2: {  	v3 =	vor.u32 v3, v4  }
0x3b3: {  	v4 =	vperm.xlane v3, v0;
	_ =	sdelay $0x1  }
0x3b4: {  	v3 =	vperm.xlane v3, v2;
	v4 =	vadd.s32 v1, v4;
	_ =	sdelay $0x1  }
0x3b5: {  	v3 =	vadd.s32 v1, v3;
	_ =	sdelay $0x1  }
0x3b6: {  	s11 =	simm.s32 $0x7200  }
0x3b7: {  	[tilespmem:s11], [sflag:$0x1] =	stream.indirect_vreg.gather [hbm4b:s3+s2], $0x80, v4, vm0, $0xb8;
	[tilespmem:$0x19200] =	vst v63  }
0x3b8: {  	s10 =	simm.s32 $0x7A00  }
0x3b9: {  	[tilespmem:s10], [sflag:$0x1] =	stream.indirect_vreg.gather [hbm4b:s3+s2], $0x80, v3, vm0, $0xb8;
	[tilespmem:$0x19200] =	vst v63  }
0x3ba: {  	v3 =	vld [tilespmem:$0x80];
	_ =	sdelay $0x4  }
0x3bb: {  	v47 =	vshll.u32 v3, $0x1  }
0x3bc: {  	v3 =	vand.u32 $0x7, v3;
	v4 =	vand.u32 $0xFFFFFFF0, v47  }
0x3bd: {  	v3 =	vor.u32 v3, v4  }
0x3be: {  	v4 =	vperm.xlane v3, v0;
	_ =	sdelay $0x1  }
0x3bf: {  	v3 =	vperm.xlane v3, v2;
	v4 =	vadd.s32 v1, v4;
	_ =	sdelay $0x1  }
0x3c0: {  	v3 =	vadd.s32 v1, v3;
	_ =	sdelay $0x1  }
0x3c1: {  	s12 =	simm.s32 $0x8200  }
0x3c2: {  	[tilespmem:s12], [sflag:$0x1] =	stream.indirect_vreg.gather [hbm4b:s3+s2], $0x80, v4, vm0, $0xb8;
	[tilespmem:$0x19200] =	vst v63  }
0x3c3: {  	s11 =	simm.s32 $0x8A00  }
0x3c4: {  	[tilespmem:s11], [sflag:$0x1] =	stream.indirect_vreg.gather [hbm4b:s3+s2], $0x80, v3, vm0, $0xb8;
	[tilespmem:$0x19200] =	vst v63  }
0x3c5: {  	v3 =	vld [tilespmem:$0x90];
	_ =	sdelay $0x4  }
0x3c6: {  	v48 =	vshll.u32 v3, $0x1  }
0x3c7: {  	v3 =	vand.u32 $0x7, v3;
	v4 =	vand.u32 $0xFFFFFFF0, v48  }
0x3c8: {  	v3 =	vor.u32 v3, v4  }
0x3c9: {  	v4 =	vperm.xlane v3, v0;
	_ =	sdelay $0x1  }
0x3ca: {  	v3 =	vperm.xlane v3, v2;
	v4 =	vadd.s32 v1, v4;
	_ =	sdelay $0x1  }
0x3cb: {  	v3 =	vadd.s32 v1, v3;
	_ =	sdelay $0x1  }
0x3cc: {  	s13 =	simm.s32 $0x9200  }
0x3cd: {  	[tilespmem:s13], [sflag:$0x1] =	stream.indirect_vreg.gather [hbm4b:s3+s2], $0x80, v4, vm0, $0xb8;
	[tilespmem:$0x19200] =	vst v63  }
0x3ce: {  	s15 =	simm.s32 $0x9A00  }
0x3cf: {  	[tilespmem:s15], [sflag:$0x1] =	stream.indirect_vreg.gather [hbm4b:s3+s2], $0x80, v3, vm0, $0xb8;
	[tilespmem:$0x19200] =	vst v63  }
0x3d0: {  	v3 =	vld [tilespmem:$0xA0];
	_ =	sdelay $0x4  }
0x3d1: {  	v49 =	vshll.u32 v3, $0x1  }
0x3d2: {  	v3 =	vand.u32 $0x7, v3;
	v4 =	vand.u32 $0xFFFFFFF0, v49  }
0x3d3: {  	v3 =	vor.u32 v3, v4  }
0x3d4: {  	v4 =	vperm.xlane v3, v0;
	_ =	sdelay $0x1  }
0x3d5: {  	v3 =	vperm.xlane v3, v2;
	v4 =	vadd.s32 v1, v4;
	_ =	sdelay $0x1  }
0x3d6: {  	v3 =	vadd.s32 v1, v3;
	_ =	sdelay $0x1  }
0x3d7: {  	s14 =	simm.s32 $0xA200  }
0x3d8: {  	[tilespmem:s14], [sflag:$0x1] =	stream.indirect_vreg.gather [hbm4b:s3+s2], $0x80, v4, vm0, $0xb8;
	[tilespmem:$0x19200] =	vst v63  }
0x3d9: {  	s16 =	simm.s32 $0xAA00  }
0x3da: {  	[tilespmem:s16], [sflag:$0x1] =	stream.indirect_vreg.gather [hbm4b:s3+s2], $0x80, v3, vm0, $0xb8;
	[tilespmem:$0x19200] =	vst v63  }
0x3db: {  	v3 =	vld [tilespmem:$0xB0];
	_ =	sdelay $0x4  }
0x3dc: {  	v50 =	vshll.u32 v3, $0x1  }
0x3dd: {  	v3 =	vand.u32 $0x7, v3;
	v4 =	vand.u32 $0xFFFFFFF0, v50  }
0x3de: {  	v3 =	vor.u32 v3, v4  }
0x3df: {  	v4 =	vperm.xlane v3, v0;
	_ =	sdelay $0x1  }
0x3e0: {  	v3 =	vperm.xlane v3, v2;
	v4 =	vadd.s32 v1, v4;
	_ =	sdelay $0x1  }
0x3e1: {  	v3 =	vadd.s32 v1, v3;
	_ =	sdelay $0x1  }
0x3e2: {  	s12 =	simm.s32 $0xB200  }
0x3e3: {  	[tilespmem:s12], [sflag:$0x1] =	stream.indirect_vreg.gather [hbm4b:s3+s2], $0x80, v4, vm0, $0xb8;
	[tilespmem:$0x19200] =	vst v63  }
0x3e4: {  	s19 =	simm.s32 $0xBA00  }
0x3e5: {  	[tilespmem:s19], [sflag:$0x1] =	stream.indirect_vreg.gather [hbm4b:s3+s2], $0x80, v3, vm0, $0xb8;
	[tilespmem:$0x19200] =	vst v63  }
0x3e6: {  	v3 =	vld [tilespmem:$0xC0];
	_ =	sdelay $0x4  }
0x3e7: {  	v51 =	vshll.u32 v3, $0x1  }
0x3e8: {  	v3 =	vand.u32 $0x7, v3;
	v4 =	vand.u32 $0xFFFFFFF0, v51  }
0x3e9: {  	v3 =	vor.u32 v3, v4  }
0x3ea: {  	v4 =	vperm.xlane v3, v0;
	_ =	sdelay $0x1  }
0x3eb: {  	v3 =	vperm.xlane v3, v2;
	v4 =	vadd.s32 v1, v4;
	_ =	sdelay $0x1  }
0x3ec: {  	v3 =	vadd.s32 v1, v3;
	_ =	sdelay $0x1  }
0x3ed: {  	s13 =	simm.s32 $0xC200  }
0x3ee: {  	[tilespmem:s13], [sflag:$0x1] =	stream.indirect_vreg.gather [hbm4b:s3+s2], $0x80, v4, vm0, $0xb8;
	[tilespmem:$0x19200] =	vst v63  }
0x3ef: {  	s14 =	simm.s32 $0xCA00  }
0x3f0: {  	[tilespmem:s14], [sflag:$0x1] =	stream.indirect_vreg.gather [hbm4b:s3+s2], $0x80, v3, vm0, $0xb8;
	[tilespmem:$0x19200] =	vst v63  }
0x3f1: {  	v3 =	vld [tilespmem:$0xD0];
	_ =	sdelay $0x4  }
0x3f2: {  	v52 =	vshll.u32 v3, $0x1  }
0x3f3: {  	v3 =	vand.u32 $0x7, v3;
	v4 =	vand.u32 $0xFFFFFFF0, v52  }
0x3f4: {  	v3 =	vor.u32 v3, v4  }
0x3f5: {  	v4 =	vperm.xlane v3, v0;
	_ =	sdelay $0x1  }
0x3f6: {  	v3 =	vperm.xlane v3, v2;
	v4 =	vadd.s32 v1, v4;
	_ =	sdelay $0x1  }
0x3f7: {  	v3 =	vadd.s32 v1, v3;
	_ =	sdelay $0x1  }
0x3f8: {  	s29 =	simm.s32 $0xD200  }
0x3f9: {  	[tilespmem:s29], [sflag:$0x1] =	stream.indirect_vreg.gather [hbm4b:s3+s2], $0x80, v4, vm0, $0xb8;
	[tilespmem:$0x19200] =	vst v63  }
0x3fa: {  	s15 =	simm.s32 $0xDA00  }
0x3fb: {  	[tilespmem:s15], [sflag:$0x1] =	stream.indirect_vreg.gather [hbm4b:s3+s2], $0x80, v3, vm0, $0xb8;
	[tilespmem:$0x19200] =	vst v63  }
0x3fc: {  	v3 =	vld [tilespmem:$0xE0];
	_ =	sdelay $0x4  }
0x3fd: {  	v53 =	vshll.u32 v3, $0x1  }
0x3fe: {  	v3 =	vand.u32 $0x7, v3;
	v4 =	vand.u32 $0xFFFFFFF0, v53  }
0x3ff: {  	v3 =	vor.u32 v3, v4  }
0x400: {  	v4 =	vperm.xlane v3, v0;
	_ =	sdelay $0x1  }
0x401: {  	v3 =	vperm.xlane v3, v2;
	v4 =	vadd.s32 v1, v4;
	_ =	sdelay $0x1  }
0x402: {  	v3 =	vadd.s32 v1, v3;
	_ =	sdelay $0x1  }
0x403: {  	s30 =	simm.s32 $0xE200  }
0x404: {  	[tilespmem:s30], [sflag:$0x1] =	stream.indirect_vreg.gather [hbm4b:s3+s2], $0x80, v4, vm0, $0xb8;
	[tilespmem:$0x19200] =	vst v63  }
0x405: {  	s16 =	simm.s32 $0xEA00  }
0x406: {  	[tilespmem:s16], [sflag:$0x1] =	stream.indirect_vreg.gather [hbm4b:s3+s2], $0x80, v3, vm0, $0xb8;
	[tilespmem:$0x19200] =	vst v63  }
0x407: {  	v3 =	vld [tilespmem:$0xF0];
	_ =	sdelay $0x4  }
0x408: {  	v54 =	vshll.u32 v3, $0x1  }
0x409: {  	v3 =	vand.u32 $0x7, v3;
	v4 =	vand.u32 $0xFFFFFFF0, v54  }
0x40a: {  	v3 =	vor.u32 v3, v4  }
0x40b: {  	v4 =	vperm.xlane v3, v0;
	_ =	sdelay $0x1  }
0x40c: {  	v3 =	vperm.xlane v3, v2;
	v4 =	vadd.s32 v1, v4;
	_ =	sdelay $0x1  }
0x40d: {  	v3 =	vadd.s32 v1, v3;
	_ =	sdelay $0x1  }
0x40e: {  	s18 =	simm.s32 $0xF200  }
0x40f: {  	[tilespmem:s18], [sflag:$0x1] =	stream.indirect_vreg.gather [hbm4b:s3+s2], $0x80, v4, vm0, $0xb8;
	[tilespmem:$0x19200] =	vst v63  }
0x410: {  	s18 =	simm.s32 $0xFA00  }
0x411: {  	[tilespmem:s18], [sflag:$0x1] =	stream.indirect_vreg.gather [hbm4b:s3+s2], $0x80, v3, vm0, $0xb8;
	[tilespmem:$0x19200] =	vst v63  }
0x412: {  	v3 =	vld [tilespmem:$0x100];
	_ =	sdelay $0x4  }
0x413: {  	v55 =	vshll.u32 v3, $0x1  }
0x414: {  	v3 =	vand.u32 $0x7, v3;
	v4 =	vand.u32 $0xFFFFFFF0, v55  }
0x415: {  	v3 =	vor.u32 v3, v4  }
0x416: {  	v4 =	vperm.xlane v3, v0;
	_ =	sdelay $0x1  }
0x417: {  	v3 =	vperm.xlane v3, v2;
	v4 =	vadd.s32 v1, v4;
	_ =	sdelay $0x1  }
0x418: {  	v3 =	vadd.s32 v1, v3;
	_ =	sdelay $0x1  }
0x419: {  	s20 =	simm.s32 $0x10200  }
0x41a: {  	[tilespmem:s20], [sflag:$0x1] =	stream.indirect_vreg.gather [hbm4b:s3+s2], $0x80, v4, vm0, $0xb8;
	[tilespmem:$0x19200] =	vst v63  }
0x41b: {  	s19 =	simm.s32 $0x10A00  }
0x41c: {  	[tilespmem:s19], [sflag:$0x1] =	stream.indirect_vreg.gather [hbm4b:s3+s2], $0x80, v3, vm0, $0xb8;
	[tilespmem:$0x19200] =	vst v63  }
0x41d: {  	v3 =	vld [tilespmem:$0x110];
	_ =	sdelay $0x4  }
0x41e: {  	v56 =	vshll.u32 v3, $0x1  }
0x41f: {  	v3 =	vand.u32 $0x7, v3;
	v4 =	vand.u32 $0xFFFFFFF0, v56  }
0x420: {  	v3 =	vor.u32 v3, v4  }
0x421: {  	v4 =	vperm.xlane v3, v0;
	_ =	sdelay $0x1  }
0x422: {  	v3 =	vperm.xlane v3, v2;
	v4 =	vadd.s32 v1, v4;
	_ =	sdelay $0x1  }
0x423: {  	v3 =	vadd.s32 v1, v3;
	_ =	sdelay $0x1  }
0x424: {  	s21 =	simm.s32 $0x11200  }
0x425: {  	[tilespmem:s21], [sflag:$0x1] =	stream.indirect_vreg.gather [hbm4b:s3+s2], $0x80, v4, vm0, $0xb8;
	[tilespmem:$0x19200] =	vst v63  }
0x426: {  	s20 =	simm.s32 $0x11A00  }
0x427: {  	[tilespmem:s20], [sflag:$0x1] =	stream.indirect_vreg.gather [hbm4b:s3+s2], $0x80, v3, vm0, $0xb8;
	[tilespmem:$0x19200] =	vst v63  }
0x428: {  	v3 =	vld [tilespmem:$0x120];
	_ =	sdelay $0x4  }
0x429: {  	v57 =	vshll.u32 v3, $0x1  }
0x42a: {  	v3 =	vand.u32 $0x7, v3;
	v4 =	vand.u32 $0xFFFFFFF0, v57  }
0x42b: {  	v3 =	vor.u32 v3, v4  }
0x42c: {  	v4 =	vperm.xlane v3, v0;
	_ =	sdelay $0x1  }
0x42d: {  	v3 =	vperm.xlane v3, v2;
	v4 =	vadd.s32 v1, v4;
	_ =	sdelay $0x1  }
0x42e: {  	v3 =	vadd.s32 v1, v3;
	_ =	sdelay $0x1  }
0x42f: {  	s22 =	simm.s32 $0x12200  }
0x430: {  	[tilespmem:s22], [sflag:$0x1] =	stream.indirect_vreg.gather [hbm4b:s3+s2], $0x80, v4, vm0, $0xb8;
	[tilespmem:$0x19200] =	vst v63  }
0x431: {  	s21 =	simm.s32 $0x12A00  }
0x432: {  	[tilespmem:s21], [sflag:$0x1] =	stream.indirect_vreg.gather [hbm4b:s3+s2], $0x80, v3, vm0, $0xb8;
	[tilespmem:$0x19200] =	vst v63  }
0x433: {  	v3 =	vld [tilespmem:$0x130];
	_ =	sdelay $0x4  }
0x434: {  	v58 =	vshll.u32 v3, $0x1  }
0x435: {  	v3 =	vand.u32 $0x7, v3;
	v4 =	vand.u32 $0xFFFFFFF0, v58  }
0x436: {  	v3 =	vor.u32 v3, v4  }
0x437: {  	v4 =	vperm.xlane v3, v0;
	_ =	sdelay $0x1  }
0x438: {  	v3 =	vperm.xlane v3, v2;
	v4 =	vadd.s32 v1, v4;
	_ =	sdelay $0x1  }
0x439: {  	v3 =	vadd.s32 v1, v3;
	_ =	sdelay $0x1  }
0x43a: {  	s23 =	simm.s32 $0x13200  }
0x43b: {  	[tilespmem:s23], [sflag:$0x1] =	stream.indirect_vreg.gather [hbm4b:s3+s2], $0x80, v4, vm0, $0xb8;
	[tilespmem:$0x19200] =	vst v63  }
0x43c: {  	s22 =	simm.s32 $0x13A00  }
0x43d: {  	[tilespmem:s22], [sflag:$0x1] =	stream.indirect_vreg.gather [hbm4b:s3+s2], $0x80, v3, vm0, $0xb8;
	[tilespmem:$0x19200] =	vst v63  }
0x43e: {  	v3 =	vld [tilespmem:$0x140];
	_ =	sdelay $0x4  }
0x43f: {  	v59 =	vshll.u32 v3, $0x1  }
0x440: {  	v3 =	vand.u32 $0x7, v3;
	v4 =	vand.u32 $0xFFFFFFF0, v59  }
0x441: {  	v3 =	vor.u32 v3, v4  }
0x442: {  	v4 =	vperm.xlane v3, v0;
	_ =	sdelay $0x1  }
0x443: {  	v3 =	vperm.xlane v3, v2;
	v4 =	vadd.s32 v1, v4;
	_ =	sdelay $0x1  }
0x444: {  	v3 =	vadd.s32 v1, v3;
	_ =	sdelay $0x1  }
0x445: {  	s24 =	simm.s32 $0x14200  }
0x446: {  	[tilespmem:s24], [sflag:$0x1] =	stream.indirect_vreg.gather [hbm4b:s3+s2], $0x80, v4, vm0, $0xb8;
	[tilespmem:$0x19200] =	vst v63  }
0x447: {  	s23 =	simm.s32 $0x14A00  }
0x448: {  	[tilespmem:s23], [sflag:$0x1] =	stream.indirect_vreg.gather [hbm4b:s3+s2], $0x80, v3, vm0, $0xb8;
	[tilespmem:$0x19200] =	vst v63  }
0x449: {  	v3 =	vld [tilespmem:$0x150];
	_ =	sdelay $0x4  }
0x44a: {  	v60 =	vshll.u32 v3, $0x1  }
0x44b: {  	v3 =	vand.u32 $0x7, v3;
	v4 =	vand.u32 $0xFFFFFFF0, v60  }
0x44c: {  	v3 =	vor.u32 v3, v4  }
0x44d: {  	v4 =	vperm.xlane v3, v0;
	_ =	sdelay $0x1  }
0x44e: {  	v3 =	vperm.xlane v3, v2;
	v4 =	vadd.s32 v1, v4;
	_ =	sdelay $0x1  }
0x44f: {  	v3 =	vadd.s32 v1, v3;
	_ =	sdelay $0x1  }
0x450: {  	s25 =	simm.s32 $0x15200  }
0x451: {  	[tilespmem:s25], [sflag:$0x1] =	stream.indirect_vreg.gather [hbm4b:s3+s2], $0x80, v4, vm0, $0xb8;
	[tilespmem:$0x19200] =	vst v63  }
0x452: {  	s24 =	simm.s32 $0x15A00  }
0x453: {  	[tilespmem:s24], [sflag:$0x1] =	stream.indirect_vreg.gather [hbm4b:s3+s2], $0x80, v3, vm0, $0xb8;
	[tilespmem:$0x19200] =	vst v63  }
0x454: {  	v3 =	vld [tilespmem:$0x160];
	_ =	sdelay $0x4  }
0x455: {  	v61 =	vshll.u32 v3, $0x1  }
0x456: {  	v3 =	vand.u32 $0x7, v3;
	v4 =	vand.u32 $0xFFFFFFF0, v61  }
0x457: {  	v3 =	vor.u32 v3, v4  }
0x458: {  	v4 =	vperm.xlane v3, v0;
	_ =	sdelay $0x1  }
0x459: {  	v3 =	vperm.xlane v3, v2;
	v4 =	vadd.s32 v1, v4;
	_ =	sdelay $0x1  }
0x45a: {  	v3 =	vadd.s32 v1, v3;
	_ =	sdelay $0x1  }
0x45b: {  	s26 =	simm.s32 $0x16200  }
0x45c: {  	[tilespmem:s26], [sflag:$0x1] =	stream.indirect_vreg.gather [hbm4b:s3+s2], $0x80, v4, vm0, $0xb8;
	[tilespmem:$0x19200] =	vst v63  }
0x45d: {  	s25 =	simm.s32 $0x16A00  }
0x45e: {  	[tilespmem:s25], [sflag:$0x1] =	stream.indirect_vreg.gather [hbm4b:s3+s2], $0x80, v3, vm0, $0xb8;
	[tilespmem:$0x19200] =	vst v63  }
0x45f: {  	v3 =	vld [tilespmem:$0x170];
	_ =	sdelay $0x4  }
0x460: {  	v62 =	vshll.u32 v3, $0x1  }
0x461: {  	v3 =	vand.u32 $0x7, v3;
	v4 =	vand.u32 $0xFFFFFFF0, v62  }
0x462: {  	v3 =	vor.u32 v3, v4  }
0x463: {  	v4 =	vperm.xlane v3, v0;
	_ =	sdelay $0x1  }
0x464: {  	v3 =	vperm.xlane v3, v2;
	v4 =	vadd.s32 v1, v4;
	_ =	sdelay $0x1  }
0x465: {  	v3 =	vadd.s32 v1, v3;
	_ =	sdelay $0x1  }
0x466: {  	s28 =	simm.s32 $0x17200  }
0x467: {  	[tilespmem:s28], [sflag:$0x1] =	stream.indirect_vreg.gather [hbm4b:s3+s2], $0x80, v4, vm0, $0xb8;
	[tilespmem:$0x19200] =	vst v63  }
0x468: {  	s26 =	simm.s32 $0x17A00  }
0x469: {  	[tilespmem:s26], [sflag:$0x1] =	stream.indirect_vreg.gather [hbm4b:s3+s2], $0x80, v3, vm0, $0xb8;
	[tilespmem:$0x19200] =	vst v63  }
0x46a: {  	v3 =	vld [tilespmem:$0x180];
	_ =	sdelay $0x4  }
0x46b: {  	v63 =	vshll.u32 v3, $0x1  }
0x46c: {  	v3 =	vand.u32 $0x7, v3;
	v4 =	vand.u32 $0xFFFFFFF0, v63  }
0x46d: {  	v3 =	vor.u32 v3, v4  }
0x46e: {  	v4 =	vperm.xlane v3, v0;
	_ =	sdelay $0x1  }
0x46f: {  	v3 =	vperm.xlane v3, v2;
	v4 =	vadd.s32 v1, v4;
	_ =	sdelay $0x1  }
0x470: {  	v3 =	vadd.s32 v1, v3;
	_ =	sdelay $0x1  }
0x471: {  	s28 =	simm.s32 $0x18200  }
0x472: {  	[tilespmem:s28], [sflag:$0x1] =	stream.indirect_vreg.gather [hbm4b:s3+s2], $0x80, v4, vm0, $0xb8;
	[tilespmem:$0x19200] =	vst v63  }
0x473: {  	s29 =	simm.s32 $0x18A00  }
0x474: {  	[tilespmem:s29], [sflag:$0x1] =	stream.indirect_vreg.gather [hbm4b:s3+s2], $0x80, v3, vm0, $0xb8;
	[tilespmem:$0x19200] =	vst v63  }
0x475: {  	_ =	swait.ge [sflag:s31], $0x19000  }
0x476: {  	p0 =	sne.s32 s4, $0x1;
	[sflag:s31] =	ssyncset.done $0x0  }
.Ltmp0:
0x477: {  	s30 =	rddreg [dreg:$0xa];
	[sflag:s31] =	ssyncadd.s32 $0xFFFE7000;
	(pc) =	sbr.rel @p0 .LBB2_1-.Ltmp0, $4  }
0x478: {  	[hbm4b:s30+s2] =	stream.linear.scatter [tilespmem:s17], [sflag:$0x2], $0x19000, $0x38;
	[tilespmem:$0x19200] =	vst v63  }
0x479: {  	_ =	swait.ge [sflag:s5], $0x19000  }
0x47a: {  	[sflag:s5] =	ssyncset.done $0x0  }
0x47b: {  	s4 =	sadd.s32 $0xFFFFFFFF, s4;
	[sflag:s5] =	ssyncadd.s32 $0xFFFE7000  }
0x47c: {  	_ =	sfence.sel $0x180000  }
0x47d: {  	[bflag:$0x0] =	sbarrier.arrive $0xFFFF  }
0x47e: {  	_ =	strace $0x90000047  }
0x47f: {  	s0 =	stileid.u32;
	[bflag:$0x2] =	sbarrier.arrive $0xFFFF  }
0x480: {  	p0 =	sne.s32 s0, $0x0;
	s0 =	rddreg [dreg:$0x2]  }
0x481: {  	s0 =	sadd.s32 @!p0 $0x100000, s0  }
0x482: {  	[sflag:s0] =	ssyncadd.tile.s32 @!p0 $0x1;
	_ =	shalt  }
.Lfunc_end2:
_tile_overlayer_lowered:
.L_overlay_start_2:
0x483: {  	(tag) =	ssettag $0x2  }
0x484: {  	s0 =	rddreg [dreg:$0x0];
	s2 =	stileid.u32  }
0x485: {  	s1 =	rddreg [dreg:$0x1];
	p0 =	sne.s32 s2, $0x0  }
0x486: {  	s3 =	rddreg [dreg:$0x2];
	[bflag:$0x3] =	sbarrier.arrive $0xFFFF;
	s2 =	simm.s32 @!p0 $0x1C02  }
0x487: {  	[timem:s3], [sflag:s2] =	dma.local @!p0 [hbm:s0], s1  }
0x488: {  	s0 =	simm.s32 @!p0 $0x2  }
0x489: {  	_ =	swait.ge @!p0 [sflag:s0], s1  }
0x48a: {  	s1 =	ssub.s32 @!p0 $0x0, s1;
	[sflag:s0] =	ssyncset.done @!p0 $0x0  }
0x48b: {  	[sflag:s0] =	ssyncadd.s32 @!p0 s1  }
0x48c: {  	[bflag:$0x3] =	sbarrier.arrive $0xFFFF  }
0x48d: {  	_ =	shalt  }

</sc_bundles>
